<compile_context>
chip_gen: v7x
topology: tpu7x:2x2x1
jax: 0.10.2.dev20260603
libtpu: 0.0.44.dev20260713+nightly
codegen_flags: <defaults>
</compile_context>

<pallas_src>
import functools

import jax
import jax.numpy as jnp
from jax import lax
from jax.experimental import pallas as pl
from jax.experimental.pallas import tpu as pltpu
from jax.experimental.pallas import tpu_sc as plsc

_VOCAB = 1000000
_DIM = 32
_BATCH = 4096
_HIST = 200

_N = _BATCH * _HIST
_NC = 2
_NS = 16
_NW = _NC * _NS
_CHUNK = 512
_NSUB = _CHUNK // 128
_NQ = _BATCH // _CHUNK
_NTILE = _HIST * _NQ
_PER_W = _NTILE // _NW
_IDXROW = _N // _NW // 128
_LANES = 16
_DBLK = _DIM // 8


def _rsqrt16(x):
    i = plsc.bitcast(x, jnp.int32)
    i = jnp.int32(0x5F3759DF) - lax.shift_right_logical(i, 1)
    y = plsc.bitcast(i, jnp.float32)
    for _ in range(3):
        y = y * (jnp.float32(1.5) - jnp.float32(0.5) * x * y * y)
    return y


@functools.partial(
    pl.kernel,
    mesh=plsc.VectorSubcoreMesh(core_axis_name="c", subcore_axis_name="s"),
    out_type=jax.ShapeDtypeStruct((_HIST, _DBLK, _BATCH // 128, 8, 128), jnp.float32),
    scratch_types=[
        pltpu.VMEM((_IDXROW * 128,), jnp.int32),
        pltpu.VMEM((2, _CHUNK, _DIM), jnp.float32),
        pltpu.VMEM((2, _DBLK, _NSUB, 8, 128), jnp.float32),
        pltpu.SemaphoreType.DMA,
        pltpu.SemaphoreType.DMA,
        pltpu.SemaphoreType.DMA,
        pltpu.SemaphoreType.DMA,
    ],
    compiler_params=pltpu.CompilerParams(
        use_tc_tiling_on_sc=False, needs_layout_passes=False
    ),
)
def _gather_normalize(
    idx_hbm, table_hbm, out_hbm, idx_v, rows_v, stage_v,
    sem_g0, sem_g1, sem_o0, sem_o1,
):
    cid = lax.axis_index("c")
    sid = lax.axis_index("s")
    wid = sid * _NC + cid
    chunk0 = wid * _PER_W
    sem_g = (sem_g0, sem_g1)
    sem_o = (sem_o0, sem_o1)

    lane = lax.iota(jnp.int32, _LANES)

    pltpu.sync_copy(
        idx_hbm.at[
            pl.ds(pl.multiple_of(wid * (_IDXROW * 128), 8), _IDXROW * 128)
        ],
        idx_v,
    )

    def fire_gathers(k, b):
        pltpu.async_copy(
            table_hbm.at[
                idx_v.at[pl.ds(pl.multiple_of(k * _CHUNK, 8), _CHUNK)]
            ],
            rows_v.at[b],
            sem_g[b],
        )

    def wait_gathers(k, b):
        pltpu.make_async_copy(
            table_hbm.at[
                idx_v.at[pl.ds(pl.multiple_of(k * _CHUNK, 8), _CHUNK)]
            ],
            rows_v.at[b],
            sem_g[b],
        ).wait()

    def out_slice(k):
        t = chunk0 + k
        h = t // _NQ
        q = t % _NQ
        return out_hbm.at[
            h, :, pl.ds(pl.multiple_of(q * _NSUB, _NSUB), _NSUB)
        ]

    def normalize(k, b):
        def norm_body(i, carry):
            r = i * _LANES + lane
            bblk = i // 8
            boff = (i % 8) * _LANES
            acc = jnp.zeros((_LANES,), jnp.float32)
            vals = []
            for d in range(_DIM):
                col = jnp.full((_LANES,), d, jnp.int32)
                v = plsc.load_gather(rows_v.at[b], [r, col])
                acc = acc + v * v
                vals.append(v)
            scale = jnp.minimum(_rsqrt16(acc), jnp.float32(1e12))
            for d in range(_DIM):
                stage_v[b, d // 8, bblk, d % 8, pl.ds(boff, _LANES)] = (
                    vals[d] * scale
                )
            return carry

        lax.fori_loop(0, _CHUNK // _LANES, norm_body, 0)

    fire_gathers(0, 0)
    fire_gathers(1, 1)

    def body2(k2, carry):
        for b in range(2):
            k = k2 * 2 + b
            wait_gathers(k, b)

            @pl.when(k2 >= 1)
            def _():
                pltpu.make_async_copy(
                    stage_v.at[b], out_slice(k), sem_o[b]
                ).wait()

            normalize(k, b)
            pltpu.async_copy(stage_v.at[b], out_slice(k), sem_o[b])

            @pl.when(k2 < (_PER_W // 2 - 1))
            def _():
                fire_gathers(k + 2, b)
        return carry

    lax.fori_loop(0, _PER_W // 2, body2, 0)

    for b in range(2):
        pltpu.make_async_copy(
            stage_v.at[b], out_slice(_PER_W - 2 + b), sem_o[b]
        ).wait()


def kernel(input, W):
    idx = jnp.transpose(input, (1, 0)).reshape(_N)
    idx = idx.astype(jnp.int32)
    out5 = _gather_normalize(idx, W)
    return out5.transpose(0, 2, 4, 1, 3).reshape(_HIST, _BATCH, _DIM)

# --- scband reference (transcript-rebuilt; emitter-appended) ---
"""Pipeline reference for scband-embedding-32109175505442 (READ-ONLY COPY).

The authoritative reference and input builder live on the scoring server;
editing this copy changes nothing except your own understanding.
"""

import jax, jax.numpy as jnp
import numpy as np

VOCAB = 1000000
DIM = 32
BATCH = 4096
HIST = 200


def setup_inputs(seed: int = 0) -> dict:
    key = jax.random.key(seed)
    k_idx, k_w = jax.random.split(key)
    input_ids = jax.random.randint(k_idx, (BATCH, HIST), 0, VOCAB, dtype=jnp.int64 if jax.config.jax_enable_x64 else jnp.int32)
    W = jax.random.normal(k_w, (VOCAB, DIM), dtype=jnp.float32) * 0.01
    return {"input": input_ids, "W": W}


def reference(input, W):
    # emb = self.W[input.transpose(0, 1)] -> shape [HIST, BATCH, DIM]
    emb = jnp.take(W, jnp.transpose(input, (1, 0)), axis=0)
    # torch.nn.functional.normalize(emb, dim=-1): x / max(||x||_2, eps), eps=1e-12
    norm = jnp.linalg.norm(emb, ord=2, axis=-1, keepdims=True)
    return emb / jnp.maximum(norm, 1e-12)

if __name__ == "__main__":
    import jax
    _d = setup_inputs()
    print(jax.jit(kernel)(*tuple(_d.values())))

</pallas_src>

<mosaic_0001>
#map = affine_map<(d0, d1) -> (0)>
#map1 = affine_map<(d0, d1) -> (0, 0)>
#map2 = affine_map<(d0, d1) -> (0, 0, 0, 0, 0)>
module attributes {stable_mosaic.version = 14 : i64} {
  func.func @_gather_normalize(%arg0: i32, %arg1: i32, %arg2: memref<819200xi32, #tpu.memory_space<hbm>>, %arg3: memref<1000000x32xf32, #tpu.memory_space<hbm>>, %arg4: memref<200x4x32x8x128xf32, #tpu.memory_space<hbm>>, %arg5: memref<25600xi32, #tpu.memory_space<vmem>>, %arg6: memref<2x512x32xf32, #tpu.memory_space<vmem>>, %arg7: memref<2x4x4x8x128xf32, #tpu.memory_space<vmem>>, %arg8: memref<!tpu.dma_semaphore, #tpu.memory_space<semaphore_mem>>, %arg9: memref<!tpu.dma_semaphore, #tpu.memory_space<semaphore_mem>>, %arg10: memref<!tpu.dma_semaphore, #tpu.memory_space<semaphore_mem>>, %arg11: memref<!tpu.dma_semaphore, #tpu.memory_space<semaphore_mem>>) attributes {dimension_semantics = [#tpu.dimension_semantics<core_parallel>, #tpu.dimension_semantics<subcore_parallel>], iteration_bounds = array<i64: 2, 16>, scalar_prefetch = 0 : i64, scratch_operands = 7 : i64, tpu.core_type = #tpu.core_type<sc_vector_subcore>, window_params = [{transform_indices = #map}, {transform_indices = #map1}, {transform_indices = #map2}]} {
    %mul3A = arith.constant 2 : i32
    %mul3A_0 = arith.muli %arg1, %mul3A : i32
    %add3A = arith.addi %mul3A_0, %arg0 : i32
    %mul3A_1 = arith.constant 50 : i32
    %mul3A_2 = arith.muli %add3A, %mul3A_1 : i32
    %iota3A = tpu.iota {dimensions = array<i32: 0>} : vector<16xi32>
    %mul3A_3 = arith.constant 25600 : i32
    %mul3A_4 = arith.muli %add3A, %mul3A_3 : i32
    %multiple_of3A = tpu.assume_multiple %mul3A_4, 8 : i32
    "tpu.region"() ({
      %run_scoped3A = tpu.sem_alloc : memref<!tpu.dma_semaphore, #tpu.memory_space<semaphore_mem>>
      %dma_start3A_156 = tpu.memref_slice %arg2[%multiple_of3A] : memref<819200xi32, #tpu.memory_space<hbm>> -> memref<25600xi32, #tpu.memory_space<hbm>>
      %dma_start3A_157 = tpu.memref_slice %arg2[%multiple_of3A] : memref<819200xi32, #tpu.memory_space<hbm>> -> memref<25600xi32, #tpu.memory_space<hbm>>
      tpu.enqueue_dma source(%dma_start3A_157 : memref<25600xi32, #tpu.memory_space<hbm>>) target(%arg5 : memref<25600xi32, #tpu.memory_space<vmem>>) target_semaphore(%run_scoped3A : memref<!tpu.dma_semaphore, #tpu.memory_space<semaphore_mem>>)
      %dma_wait3A_158 = tpu.memref_slice %arg2[%multiple_of3A] : memref<819200xi32, #tpu.memory_space<hbm>> -> memref<25600xi32, #tpu.memory_space<hbm>>
      %dma_wait3A_159 = tpu.memref_slice %arg2[%multiple_of3A] : memref<819200xi32, #tpu.memory_space<hbm>> -> memref<25600xi32, #tpu.memory_space<hbm>>
      tpu.wait_dma2 semaphore(%run_scoped3A : memref<!tpu.dma_semaphore, #tpu.memory_space<semaphore_mem>>) src(%dma_wait3A_159 : memref<25600xi32, #tpu.memory_space<hbm>>) dst(%arg5 : memref<25600xi32, #tpu.memory_space<vmem>>)
      tpu.yield
    }) : () -> ()
    %multiple_of3A_5 = arith.constant 0 : i32
    %multiple_of3A_6 = tpu.assume_multiple %multiple_of3A_5, 8 : i32
    %dma_start3A = arith.constant 0 : i32
    %dma_start3A_7 = arith.constant 0 : i32
    %dma_start3A_8 = arith.constant 0 : i32
    %dma_start3A_9 = tpu.memref_slice %arg6[%dma_start3A, %dma_start3A_7, %dma_start3A_8] : memref<2x512x32xf32, #tpu.memory_space<vmem>> -> memref<1x512x32xf32, #tpu.memory_space<vmem>>
    %dma_start3A_10 = tpu.memref_squeeze %dma_start3A_9 : memref<1x512x32xf32, #tpu.memory_space<vmem>> -> memref<512x32xf32, #tpu.memory_space<vmem>>
    %dma_start3A_11 = tpu.memref_slice %arg5[%multiple_of3A_6] : memref<25600xi32, #tpu.memory_space<vmem>> -> memref<512xi32, #tpu.memory_space<vmem>>
    %dma_start3A_12 = arith.constant 0 : i32
    %dma_start3A_13 = arith.constant 0 : i32
    %dma_start3A_14 = tpu.memref_slice %arg3[%dma_start3A_12, %dma_start3A_13] : memref<1000000x32xf32, #tpu.memory_space<hbm>> -> memref<1000000x32xf32, #tpu.memory_space<hbm>>
    tpu.enqueue_indirect_dma source(%dma_start3A_14 : memref<1000000x32xf32, #tpu.memory_space<hbm>>) target(%dma_start3A_10 : memref<512x32xf32, #tpu.memory_space<vmem>>) offsets(%dma_start3A_11 : memref<512xi32, #tpu.memory_space<vmem>>) semaphore(%arg8 : memref<!tpu.dma_semaphore, #tpu.memory_space<semaphore_mem>>)
    %multiple_of3A_15 = arith.constant 512 : i32
    %multiple_of3A_16 = tpu.assume_multiple %multiple_of3A_15, 8 : i32
    %dma_start3A_17 = arith.constant 1 : i32
    %dma_start3A_18 = arith.constant 0 : i32
    %dma_start3A_19 = arith.constant 0 : i32
    %dma_start3A_20 = tpu.memref_slice %arg6[%dma_start3A_17, %dma_start3A_18, %dma_start3A_19] : memref<2x512x32xf32, #tpu.memory_space<vmem>> -> memref<1x512x32xf32, #tpu.memory_space<vmem>>
    %dma_start3A_21 = tpu.memref_squeeze %dma_start3A_20 : memref<1x512x32xf32, #tpu.memory_space<vmem>> -> memref<512x32xf32, #tpu.memory_space<vmem>>
    %dma_start3A_22 = tpu.memref_slice %arg5[%multiple_of3A_16] : memref<25600xi32, #tpu.memory_space<vmem>> -> memref<512xi32, #tpu.memory_space<vmem>>
    %dma_start3A_23 = arith.constant 0 : i32
    %dma_start3A_24 = arith.constant 0 : i32
    %dma_start3A_25 = tpu.memref_slice %arg3[%dma_start3A_23, %dma_start3A_24] : memref<1000000x32xf32, #tpu.memory_space<hbm>> -> memref<1000000x32xf32, #tpu.memory_space<hbm>>
    tpu.enqueue_indirect_dma source(%dma_start3A_25 : memref<1000000x32xf32, #tpu.memory_space<hbm>>) target(%dma_start3A_21 : memref<512x32xf32, #tpu.memory_space<vmem>>) offsets(%dma_start3A_22 : memref<512xi32, #tpu.memory_space<vmem>>) semaphore(%arg9 : memref<!tpu.dma_semaphore, #tpu.memory_space<semaphore_mem>>)
    %scan3A = arith.constant 0 : i32
    %scan3A_26 = arith.constant 0 : i32
    %scan3A_27 = arith.constant 25 : i32
    %scan3A_28 = arith.addi %scan3A_26, %scan3A_27 : i32
    %scan3A_29 = arith.constant 1 : i32
    scf.for %scan3A_156 = %scan3A_26 to %scan3A_28 step %scan3A_29  : i32 {
      %mul3A_157 = arith.constant 2 : i32
      %mul3A_158 = arith.muli %scan3A_156, %mul3A_157 : i32
      %add3A_159 = arith.constant 0 : i32
      %add3A_160 = arith.addi %mul3A_158, %add3A_159 : i32
      %mul3A_161 = arith.constant 512 : i32
      %mul3A_162 = arith.muli %add3A_160, %mul3A_161 : i32
      %multiple_of3A_163 = tpu.assume_multiple %mul3A_162, 8 : i32
      %dma_wait3A_164 = arith.constant 0 : i32
      %dma_wait3A_165 = arith.constant 0 : i32
      %dma_wait3A_166 = arith.constant 0 : i32
      %dma_wait3A_167 = tpu.memref_slice %arg6[%dma_wait3A_164, %dma_wait3A_165, %dma_wait3A_166] : memref<2x512x32xf32, #tpu.memory_space<vmem>> -> memref<1x512x32xf32, #tpu.memory_space<vmem>>
      %dma_wait3A_168 = tpu.memref_squeeze %dma_wait3A_167 : memref<1x512x32xf32, #tpu.memory_space<vmem>> -> memref<512x32xf32, #tpu.memory_space<vmem>>
      %dma_wait3A_169 = tpu.memref_slice %arg5[%multiple_of3A_163] : memref<25600xi32, #tpu.memory_space<vmem>> -> memref<512xi32, #tpu.memory_space<vmem>>
      %dma_wait3A_170 = arith.constant 0 : i32
      %dma_wait3A_171 = arith.constant 0 : i32
      %dma_wait3A_172 = tpu.memref_slice %arg3[%dma_wait3A_170, %dma_wait3A_171] : memref<1000000x32xf32, #tpu.memory_space<hbm>> -> memref<1000000x32xf32, #tpu.memory_space<hbm>>
      tpu.wait_indirect_dma semaphore(%arg8 : memref<!tpu.dma_semaphore, #tpu.memory_space<semaphore_mem>>) src(%dma_wait3A_172 : memref<1000000x32xf32, #tpu.memory_space<hbm>>) dst(%dma_wait3A_168 : memref<512x32xf32, #tpu.memory_space<vmem>>)
      %ge3A = arith.constant 1 : i32
      %ge3A_173 = arith.cmpi sge, %scan3A_156, %ge3A : i32
      %convert_element_type3A = arith.extui %ge3A_173 : i1 to i32
      %cond3A = arith.constant 0 : i32
      %cond3A_174 = arith.cmpi ne, %convert_element_type3A, %cond3A : i32
      scf.if %cond3A_174 {
        %add3A_352 = arith.addi %mul3A_2, %add3A_160 : i32
        %jit3A_353 = arith.constant 8 : i32
        %div3A_354 = arith.divsi %add3A_352, %jit3A_353 : i32
        %sign3A_355 = arith.constant 0 : i32
        %sign3A_356 = arith.cmpi sgt, %add3A_352, %sign3A_355 : i32
        %sign3A_357 = arith.extui %sign3A_356 : i1 to i32
        %sign3A_358 = arith.constant 0 : i32
        %sign3A_359 = arith.cmpi slt, %add3A_352, %sign3A_358 : i32
        %sign3A_360 = arith.extui %sign3A_359 : i1 to i32
        %sign3A_361 = arith.subi %sign3A_357, %sign3A_360 : i32
        %sign3A_362 = arith.constant 0 : i32
        %sign3A_363 = arith.cmpi sgt, %jit3A_353, %sign3A_362 : i32
        %sign3A_364 = arith.extui %sign3A_363 : i1 to i32
        %sign3A_365 = arith.constant 0 : i32
        %sign3A_366 = arith.cmpi slt, %jit3A_353, %sign3A_365 : i32
        %sign3A_367 = arith.extui %sign3A_366 : i1 to i32
        %sign3A_368 = arith.subi %sign3A_364, %sign3A_367 : i32
        %ne3A_369 = arith.cmpi ne, %sign3A_361, %sign3A_368 : i32
        %rem3A_370 = arith.remsi %add3A_352, %jit3A_353 : i32
        %ne3A_371 = arith.constant 0 : i32
        %ne3A_372 = arith.cmpi ne, %rem3A_370, %ne3A_371 : i32
        %and3A_373 = arith.andi %ne3A_369, %ne3A_372 : i1
        %sub3A_374 = arith.constant 1 : i32
        %sub3A_375 = arith.subi %div3A_354, %sub3A_374 : i32
        %select_n3A_376 = arith.select %and3A_373, %sub3A_375, %div3A_354 : i32
        %jit3A_377 = arith.constant 8 : i32
        %eq3A_378 = arith.constant 0 : i32
        %eq3A_379 = arith.cmpi eq, %jit3A_377, %eq3A_378 : i32
        %jit3A_380 = arith.constant 1 : i32
        %select_n3A_381 = arith.select %eq3A_379, %jit3A_380, %jit3A_377 : i32
        %rem3A_382 = arith.remsi %add3A_352, %select_n3A_381 : i32
        %ne3A_383 = arith.constant 0 : i32
        %ne3A_384 = arith.cmpi ne, %rem3A_382, %ne3A_383 : i32
        %lt3A_385 = arith.constant 0 : i32
        %lt3A_386 = arith.cmpi slt, %rem3A_382, %lt3A_385 : i32
        %lt3A_387 = arith.constant 0 : i32
        %lt3A_388 = arith.cmpi slt, %select_n3A_381, %lt3A_387 : i32
        %ne3A_389 = arith.xori %lt3A_386, %lt3A_388 : i1
        %and3A_390 = arith.andi %ne3A_389, %ne3A_384 : i1
        %add3A_391 = arith.addi %rem3A_382, %select_n3A_381 : i32
        %select_n3A_392 = arith.select %and3A_390, %add3A_391, %rem3A_382 : i32
        %mul3A_393 = arith.constant 4 : i32
        %mul3A_394 = arith.muli %select_n3A_392, %mul3A_393 : i32
        %multiple_of3A_395 = tpu.assume_multiple %mul3A_394, 4 : i32
        %dma_wait3A_396 = arith.constant 0 : i32
        %dma_wait3A_397 = arith.constant 0 : i32
        %dma_wait3A_398 = arith.constant 0 : i32
        %dma_wait3A_399 = arith.constant 0 : i32
        %dma_wait3A_400 = arith.constant 0 : i32
        %dma_wait3A_401 = tpu.memref_slice %arg7[%dma_wait3A_396, %dma_wait3A_397, %dma_wait3A_398, %dma_wait3A_399, %dma_wait3A_400] : memref<2x4x4x8x128xf32, #tpu.memory_space<vmem>> -> memref<1x4x4x8x128xf32, #tpu.memory_space<vmem>>
        %dma_wait3A_402 = tpu.memref_squeeze %dma_wait3A_401 : memref<1x4x4x8x128xf32, #tpu.memory_space<vmem>> -> memref<4x4x8x128xf32, #tpu.memory_space<vmem>>
        %dma_wait3A_403 = arith.constant 0 : i32
        %dma_wait3A_404 = arith.constant 0 : i32
        %dma_wait3A_405 = arith.constant 0 : i32
        %dma_wait3A_406 = tpu.memref_slice %arg4[%select_n3A_376, %dma_wait3A_403, %multiple_of3A_395, %dma_wait3A_404, %dma_wait3A_405] : memref<200x4x32x8x128xf32, #tpu.memory_space<hbm>> -> memref<1x4x4x8x128xf32, #tpu.memory_space<hbm>>
        %dma_wait3A_407 = tpu.memref_squeeze %dma_wait3A_406 : memref<1x4x4x8x128xf32, #tpu.memory_space<hbm>> -> memref<4x4x8x128xf32, #tpu.memory_space<hbm>>
        %dma_wait3A_408 = arith.constant 0 : i32
        %dma_wait3A_409 = arith.constant 0 : i32
        %dma_wait3A_410 = arith.constant 0 : i32
        %dma_wait3A_411 = tpu.memref_slice %arg4[%select_n3A_376, %dma_wait3A_408, %multiple_of3A_395, %dma_wait3A_409, %dma_wait3A_410] : memref<200x4x32x8x128xf32, #tpu.memory_space<hbm>> -> memref<1x4x4x8x128xf32, #tpu.memory_space<hbm>>
        %dma_wait3A_412 = tpu.memref_squeeze %dma_wait3A_411 : memref<1x4x4x8x128xf32, #tpu.memory_space<hbm>> -> memref<4x4x8x128xf32, #tpu.memory_space<hbm>>
        %dma_wait3A_413 = arith.constant 0 : i32
        %dma_wait3A_414 = arith.constant 0 : i32
        %dma_wait3A_415 = arith.constant 0 : i32
        %dma_wait3A_416 = arith.constant 0 : i32
        %dma_wait3A_417 = tpu.memref_slice %arg7[%dma_wait3A_396, %dma_wait3A_413, %dma_wait3A_414, %dma_wait3A_415, %dma_wait3A_416] : memref<2x4x4x8x128xf32, #tpu.memory_space<vmem>> -> memref<1x4x4x8x128xf32, #tpu.memory_space<vmem>>
        %dma_wait3A_418 = tpu.memref_squeeze %dma_wait3A_417 : memref<1x4x4x8x128xf32, #tpu.memory_space<vmem>> -> memref<4x4x8x128xf32, #tpu.memory_space<vmem>>
        tpu.wait_dma2 semaphore(%arg10 : memref<!tpu.dma_semaphore, #tpu.memory_space<semaphore_mem>>) src(%dma_wait3A_418 : memref<4x4x8x128xf32, #tpu.memory_space<vmem>>) dst(%dma_wait3A_412 : memref<4x4x8x128xf32, #tpu.memory_space<hbm>>)
      } else {
      }
      %scan3A_175 = arith.constant 0 : i32
      %scan3A_176 = arith.constant 0 : i32
      %scan3A_177 = arith.constant 32 : i32
      %scan3A_178 = arith.addi %scan3A_176, %scan3A_177 : i32
      %scan3A_179 = arith.constant 1 : i32
      scf.for %scan3A_352 = %scan3A_176 to %scan3A_178 step %scan3A_179  : i32 {
        %mul3A_353 = arith.constant 16 : i32
        %mul3A_354 = arith.muli %scan3A_352, %mul3A_353 : i32
        %add3A_355 = vector.broadcast %mul3A_354 : i32 to vector<16xi32>
        %add3A_356 = arith.addi %add3A_355, %iota3A : vector<16xi32>
        %jit3A_357 = arith.constant 8 : i32
        %div3A_358 = arith.divsi %scan3A_352, %jit3A_357 : i32
        %sign3A_359 = arith.constant 0 : i32
        %sign3A_360 = arith.cmpi sgt, %scan3A_352, %sign3A_359 : i32
        %sign3A_361 = arith.extui %sign3A_360 : i1 to i32
        %sign3A_362 = arith.constant 0 : i32
        %sign3A_363 = arith.cmpi slt, %scan3A_352, %sign3A_362 : i32
        %sign3A_364 = arith.extui %sign3A_363 : i1 to i32
        %sign3A_365 = arith.subi %sign3A_361, %sign3A_364 : i32
        %sign3A_366 = arith.constant 0 : i32
        %sign3A_367 = arith.cmpi sgt, %jit3A_357, %sign3A_366 : i32
        %sign3A_368 = arith.extui %sign3A_367 : i1 to i32
        %sign3A_369 = arith.constant 0 : i32
        %sign3A_370 = arith.cmpi slt, %jit3A_357, %sign3A_369 : i32
        %sign3A_371 = arith.extui %sign3A_370 : i1 to i32
        %sign3A_372 = arith.subi %sign3A_368, %sign3A_371 : i32
        %ne3A_373 = arith.cmpi ne, %sign3A_365, %sign3A_372 : i32
        %rem3A_374 = arith.remsi %scan3A_352, %jit3A_357 : i32
        %ne3A_375 = arith.constant 0 : i32
        %ne3A_376 = arith.cmpi ne, %rem3A_374, %ne3A_375 : i32
        %and3A_377 = arith.andi %ne3A_373, %ne3A_376 : i1
        %sub3A_378 = arith.constant 1 : i32
        %sub3A_379 = arith.subi %div3A_358, %sub3A_378 : i32
        %select_n3A_380 = arith.select %and3A_377, %sub3A_379, %div3A_358 : i32
        %jit3A_381 = arith.constant 8 : i32
        %eq3A_382 = arith.constant 0 : i32
        %eq3A_383 = arith.cmpi eq, %jit3A_381, %eq3A_382 : i32
        %jit3A_384 = arith.constant 1 : i32
        %select_n3A_385 = arith.select %eq3A_383, %jit3A_384, %jit3A_381 : i32
        %rem3A_386 = arith.remsi %scan3A_352, %select_n3A_385 : i32
        %ne3A_387 = arith.constant 0 : i32
        %ne3A_388 = arith.cmpi ne, %rem3A_386, %ne3A_387 : i32
        %lt3A_389 = arith.constant 0 : i32
        %lt3A_390 = arith.cmpi slt, %rem3A_386, %lt3A_389 : i32
        %lt3A_391 = arith.constant 0 : i32
        %lt3A_392 = arith.cmpi slt, %select_n3A_385, %lt3A_391 : i32
        %ne3A_393 = arith.xori %lt3A_390, %lt3A_392 : i1
        %and3A_394 = arith.andi %ne3A_393, %ne3A_388 : i1
        %add3A_395 = arith.addi %rem3A_386, %select_n3A_385 : i32
        %select_n3A_396 = arith.select %and3A_394, %add3A_395, %rem3A_386 : i32
        %mul3A_397 = arith.constant 16 : i32
        %mul3A_398 = arith.muli %select_n3A_396, %mul3A_397 : i32
        %broadcast_in_dim3A = arith.constant 0.000000e+00 : f32
        %broadcast_in_dim3A_399 = vector.broadcast %broadcast_in_dim3A : f32 to vector<16xf32>
        %broadcast_in_dim3A_400 = arith.constant 0 : i32
        %broadcast_in_dim3A_401 = vector.broadcast %broadcast_in_dim3A_400 : i32 to vector<16xi32>
        %gather3A = arith.constant 0 : i32
        %gather3A_402 = arith.constant 0 : i32
        %gather3A_403 = arith.constant 0 : i32
        %gather3A_404 = tpu.memref_slice %arg6[%gather3A, %gather3A_402, %gather3A_403] : memref<2x512x32xf32, #tpu.memory_space<vmem>> -> memref<1x512x32xf32, #tpu.memory_space<vmem>>
        %gather3A_405 = tpu.memref_squeeze %gather3A_404 : memref<1x512x32xf32, #tpu.memory_space<vmem>> -> memref<512x32xf32, #tpu.memory_space<vmem>>
        %gather3A_406 = tpu.vector_load_idx %gather3A_405[%add3A_356, %broadcast_in_dim3A_401] : memref<512x32xf32, #tpu.memory_space<vmem>>[vector<16xi32>, vector<16xi32>], vector<16xf32>,
        %mul3A_407 = arith.mulf %gather3A_406, %gather3A_406 : vector<16xf32>
        %add3A_408 = arith.addf %broadcast_in_dim3A_399, %mul3A_407 : vector<16xf32>
        %broadcast_in_dim3A_409 = arith.constant 1 : i32
        %broadcast_in_dim3A_410 = vector.broadcast %broadcast_in_dim3A_409 : i32 to vector<16xi32>
        %gather3A_411 = arith.constant 0 : i32
        %gather3A_412 = arith.constant 0 : i32
        %gather3A_413 = arith.constant 0 : i32
        %gather3A_414 = tpu.memref_slice %arg6[%gather3A_411, %gather3A_412, %gather3A_413] : memref<2x512x32xf32, #tpu.memory_space<vmem>> -> memref<1x512x32xf32, #tpu.memory_space<vmem>>
        %gather3A_415 = tpu.memref_squeeze %gather3A_414 : memref<1x512x32xf32, #tpu.memory_space<vmem>> -> memref<512x32xf32, #tpu.memory_space<vmem>>
        %gather3A_416 = tpu.vector_load_idx %gather3A_415[%add3A_356, %broadcast_in_dim3A_410] : memref<512x32xf32, #tpu.memory_space<vmem>>[vector<16xi32>, vector<16xi32>], vector<16xf32>,
        %mul3A_417 = arith.mulf %gather3A_416, %gather3A_416 : vector<16xf32>
        %add3A_418 = arith.addf %add3A_408, %mul3A_417 : vector<16xf32>
        %broadcast_in_dim3A_419 = arith.constant 2 : i32
        %broadcast_in_dim3A_420 = vector.broadcast %broadcast_in_dim3A_419 : i32 to vector<16xi32>
        %gather3A_421 = arith.constant 0 : i32
        %gather3A_422 = arith.constant 0 : i32
        %gather3A_423 = arith.constant 0 : i32
        %gather3A_424 = tpu.memref_slice %arg6[%gather3A_421, %gather3A_422, %gather3A_423] : memref<2x512x32xf32, #tpu.memory_space<vmem>> -> memref<1x512x32xf32, #tpu.memory_space<vmem>>
        %gather3A_425 = tpu.memref_squeeze %gather3A_424 : memref<1x512x32xf32, #tpu.memory_space<vmem>> -> memref<512x32xf32, #tpu.memory_space<vmem>>
        %gather3A_426 = tpu.vector_load_idx %gather3A_425[%add3A_356, %broadcast_in_dim3A_420] : memref<512x32xf32, #tpu.memory_space<vmem>>[vector<16xi32>, vector<16xi32>], vector<16xf32>,
        %mul3A_427 = arith.mulf %gather3A_426, %gather3A_426 : vector<16xf32>
        %add3A_428 = arith.addf %add3A_418, %mul3A_427 : vector<16xf32>
        %broadcast_in_dim3A_429 = arith.constant 3 : i32
        %broadcast_in_dim3A_430 = vector.broadcast %broadcast_in_dim3A_429 : i32 to vector<16xi32>
        %gather3A_431 = arith.constant 0 : i32
        %gather3A_432 = arith.constant 0 : i32
        %gather3A_433 = arith.constant 0 : i32
        %gather3A_434 = tpu.memref_slice %arg6[%gather3A_431, %gather3A_432, %gather3A_433] : memref<2x512x32xf32, #tpu.memory_space<vmem>> -> memref<1x512x32xf32, #tpu.memory_space<vmem>>
        %gather3A_435 = tpu.memref_squeeze %gather3A_434 : memref<1x512x32xf32, #tpu.memory_space<vmem>> -> memref<512x32xf32, #tpu.memory_space<vmem>>
        %gather3A_436 = tpu.vector_load_idx %gather3A_435[%add3A_356, %broadcast_in_dim3A_430] : memref<512x32xf32, #tpu.memory_space<vmem>>[vector<16xi32>, vector<16xi32>], vector<16xf32>,
        %mul3A_437 = arith.mulf %gather3A_436, %gather3A_436 : vector<16xf32>
        %add3A_438 = arith.addf %add3A_428, %mul3A_437 : vector<16xf32>
        %broadcast_in_dim3A_439 = arith.constant 4 : i32
        %broadcast_in_dim3A_440 = vector.broadcast %broadcast_in_dim3A_439 : i32 to vector<16xi32>
        %gather3A_441 = arith.constant 0 : i32
        %gather3A_442 = arith.constant 0 : i32
        %gather3A_443 = arith.constant 0 : i32
        %gather3A_444 = tpu.memref_slice %arg6[%gather3A_441, %gather3A_442, %gather3A_443] : memref<2x512x32xf32, #tpu.memory_space<vmem>> -> memref<1x512x32xf32, #tpu.memory_space<vmem>>
        %gather3A_445 = tpu.memref_squeeze %gather3A_444 : memref<1x512x32xf32, #tpu.memory_space<vmem>> -> memref<512x32xf32, #tpu.memory_space<vmem>>
        %gather3A_446 = tpu.vector_load_idx %gather3A_445[%add3A_356, %broadcast_in_dim3A_440] : memref<512x32xf32, #tpu.memory_space<vmem>>[vector<16xi32>, vector<16xi32>], vector<16xf32>,
        %mul3A_447 = arith.mulf %gather3A_446, %gather3A_446 : vector<16xf32>
        %add3A_448 = arith.addf %add3A_438, %mul3A_447 : vector<16xf32>
        %broadcast_in_dim3A_449 = arith.constant 5 : i32
        %broadcast_in_dim3A_450 = vector.broadcast %broadcast_in_dim3A_449 : i32 to vector<16xi32>
        %gather3A_451 = arith.constant 0 : i32
        %gather3A_452 = arith.constant 0 : i32
        %gather3A_453 = arith.constant 0 : i32
        %gather3A_454 = tpu.memref_slice %arg6[%gather3A_451, %gather3A_452, %gather3A_453] : memref<2x512x32xf32, #tpu.memory_space<vmem>> -> memref<1x512x32xf32, #tpu.memory_space<vmem>>
        %gather3A_455 = tpu.memref_squeeze %gather3A_454 : memref<1x512x32xf32, #tpu.memory_space<vmem>> -> memref<512x32xf32, #tpu.memory_space<vmem>>
        %gather3A_456 = tpu.vector_load_idx %gather3A_455[%add3A_356, %broadcast_in_dim3A_450] : memref<512x32xf32, #tpu.memory_space<vmem>>[vector<16xi32>, vector<16xi32>], vector<16xf32>,
        %mul3A_457 = arith.mulf %gather3A_456, %gather3A_456 : vector<16xf32>
        %add3A_458 = arith.addf %add3A_448, %mul3A_457 : vector<16xf32>
        %broadcast_in_dim3A_459 = arith.constant 6 : i32
        %broadcast_in_dim3A_460 = vector.broadcast %broadcast_in_dim3A_459 : i32 to vector<16xi32>
        %gather3A_461 = arith.constant 0 : i32
        %gather3A_462 = arith.constant 0 : i32
        %gather3A_463 = arith.constant 0 : i32
        %gather3A_464 = tpu.memref_slice %arg6[%gather3A_461, %gather3A_462, %gather3A_463] : memref<2x512x32xf32, #tpu.memory_space<vmem>> -> memref<1x512x32xf32, #tpu.memory_space<vmem>>
        %gather3A_465 = tpu.memref_squeeze %gather3A_464 : memref<1x512x32xf32, #tpu.memory_space<vmem>> -> memref<512x32xf32, #tpu.memory_space<vmem>>
        %gather3A_466 = tpu.vector_load_idx %gather3A_465[%add3A_356, %broadcast_in_dim3A_460] : memref<512x32xf32, #tpu.memory_space<vmem>>[vector<16xi32>, vector<16xi32>], vector<16xf32>,
        %mul3A_467 = arith.mulf %gather3A_466, %gather3A_466 : vector<16xf32>
        %add3A_468 = arith.addf %add3A_458, %mul3A_467 : vector<16xf32>
        %broadcast_in_dim3A_469 = arith.constant 7 : i32
        %broadcast_in_dim3A_470 = vector.broadcast %broadcast_in_dim3A_469 : i32 to vector<16xi32>
        %gather3A_471 = arith.constant 0 : i32
        %gather3A_472 = arith.constant 0 : i32
        %gather3A_473 = arith.constant 0 : i32
        %gather3A_474 = tpu.memref_slice %arg6[%gather3A_471, %gather3A_472, %gather3A_473] : memref<2x512x32xf32, #tpu.memory_space<vmem>> -> memref<1x512x32xf32, #tpu.memory_space<vmem>>
        %gather3A_475 = tpu.memref_squeeze %gather3A_474 : memref<1x512x32xf32, #tpu.memory_space<vmem>> -> memref<512x32xf32, #tpu.memory_space<vmem>>
        %gather3A_476 = tpu.vector_load_idx %gather3A_475[%add3A_356, %broadcast_in_dim3A_470] : memref<512x32xf32, #tpu.memory_space<vmem>>[vector<16xi32>, vector<16xi32>], vector<16xf32>,
        %mul3A_477 = arith.mulf %gather3A_476, %gather3A_476 : vector<16xf32>
        %add3A_478 = arith.addf %add3A_468, %mul3A_477 : vector<16xf32>
        %broadcast_in_dim3A_479 = arith.constant 8 : i32
        %broadcast_in_dim3A_480 = vector.broadcast %broadcast_in_dim3A_479 : i32 to vector<16xi32>
        %gather3A_481 = arith.constant 0 : i32
        %gather3A_482 = arith.constant 0 : i32
        %gather3A_483 = arith.constant 0 : i32
        %gather3A_484 = tpu.memref_slice %arg6[%gather3A_481, %gather3A_482, %gather3A_483] : memref<2x512x32xf32, #tpu.memory_space<vmem>> -> memref<1x512x32xf32, #tpu.memory_space<vmem>>
        %gather3A_485 = tpu.memref_squeeze %gather3A_484 : memref<1x512x32xf32, #tpu.memory_space<vmem>> -> memref<512x32xf32, #tpu.memory_space<vmem>>
        %gather3A_486 = tpu.vector_load_idx %gather3A_485[%add3A_356, %broadcast_in_dim3A_480] : memref<512x32xf32, #tpu.memory_space<vmem>>[vector<16xi32>, vector<16xi32>], vector<16xf32>,
        %mul3A_487 = arith.mulf %gather3A_486, %gather3A_486 : vector<16xf32>
        %add3A_488 = arith.addf %add3A_478, %mul3A_487 : vector<16xf32>
        %broadcast_in_dim3A_489 = arith.constant 9 : i32
        %broadcast_in_dim3A_490 = vector.broadcast %broadcast_in_dim3A_489 : i32 to vector<16xi32>
        %gather3A_491 = arith.constant 0 : i32
        %gather3A_492 = arith.constant 0 : i32
        %gather3A_493 = arith.constant 0 : i32
        %gather3A_494 = tpu.memref_slice %arg6[%gather3A_491, %gather3A_492, %gather3A_493] : memref<2x512x32xf32, #tpu.memory_space<vmem>> -> memref<1x512x32xf32, #tpu.memory_space<vmem>>
        %gather3A_495 = tpu.memref_squeeze %gather3A_494 : memref<1x512x32xf32, #tpu.memory_space<vmem>> -> memref<512x32xf32, #tpu.memory_space<vmem>>
        %gather3A_496 = tpu.vector_load_idx %gather3A_495[%add3A_356, %broadcast_in_dim3A_490] : memref<512x32xf32, #tpu.memory_space<vmem>>[vector<16xi32>, vector<16xi32>], vector<16xf32>,
        %mul3A_497 = arith.mulf %gather3A_496, %gather3A_496 : vector<16xf32>
        %add3A_498 = arith.addf %add3A_488, %mul3A_497 : vector<16xf32>
        %broadcast_in_dim3A_499 = arith.constant 10 : i32
        %broadcast_in_dim3A_500 = vector.broadcast %broadcast_in_dim3A_499 : i32 to vector<16xi32>
        %gather3A_501 = arith.constant 0 : i32
        %gather3A_502 = arith.constant 0 : i32
        %gather3A_503 = arith.constant 0 : i32
        %gather3A_504 = tpu.memref_slice %arg6[%gather3A_501, %gather3A_502, %gather3A_503] : memref<2x512x32xf32, #tpu.memory_space<vmem>> -> memref<1x512x32xf32, #tpu.memory_space<vmem>>
        %gather3A_505 = tpu.memref_squeeze %gather3A_504 : memref<1x512x32xf32, #tpu.memory_space<vmem>> -> memref<512x32xf32, #tpu.memory_space<vmem>>
        %gather3A_506 = tpu.vector_load_idx %gather3A_505[%add3A_356, %broadcast_in_dim3A_500] : memref<512x32xf32, #tpu.memory_space<vmem>>[vector<16xi32>, vector<16xi32>], vector<16xf32>,
        %mul3A_507 = arith.mulf %gather3A_506, %gather3A_506 : vector<16xf32>
        %add3A_508 = arith.addf %add3A_498, %mul3A_507 : vector<16xf32>
        %broadcast_in_dim3A_509 = arith.constant 11 : i32
        %broadcast_in_dim3A_510 = vector.broadcast %broadcast_in_dim3A_509 : i32 to vector<16xi32>
        %gather3A_511 = arith.constant 0 : i32
        %gather3A_512 = arith.constant 0 : i32
        %gather3A_513 = arith.constant 0 : i32
        %gather3A_514 = tpu.memref_slice %arg6[%gather3A_511, %gather3A_512, %gather3A_513] : memref<2x512x32xf32, #tpu.memory_space<vmem>> -> memref<1x512x32xf32, #tpu.memory_space<vmem>>
        %gather3A_515 = tpu.memref_squeeze %gather3A_514 : memref<1x512x32xf32, #tpu.memory_space<vmem>> -> memref<512x32xf32, #tpu.memory_space<vmem>>
        %gather3A_516 = tpu.vector_load_idx %gather3A_515[%add3A_356, %broadcast_in_dim3A_510] : memref<512x32xf32, #tpu.memory_space<vmem>>[vector<16xi32>, vector<16xi32>], vector<16xf32>,
        %mul3A_517 = arith.mulf %gather3A_516, %gather3A_516 : vector<16xf32>
        %add3A_518 = arith.addf %add3A_508, %mul3A_517 : vector<16xf32>
        %broadcast_in_dim3A_519 = arith.constant 12 : i32
        %broadcast_in_dim3A_520 = vector.broadcast %broadcast_in_dim3A_519 : i32 to vector<16xi32>
        %gather3A_521 = arith.constant 0 : i32
        %gather3A_522 = arith.constant 0 : i32
        %gather3A_523 = arith.constant 0 : i32
        %gather3A_524 = tpu.memref_slice %arg6[%gather3A_521, %gather3A_522, %gather3A_523] : memref<2x512x32xf32, #tpu.memory_space<vmem>> -> memref<1x512x32xf32, #tpu.memory_space<vmem>>
        %gather3A_525 = tpu.memref_squeeze %gather3A_524 : memref<1x512x32xf32, #tpu.memory_space<vmem>> -> memref<512x32xf32, #tpu.memory_space<vmem>>
        %gather3A_526 = tpu.vector_load_idx %gather3A_525[%add3A_356, %broadcast_in_dim3A_520] : memref<512x32xf32, #tpu.memory_space<vmem>>[vector<16xi32>, vector<16xi32>], vector<16xf32>,
        %mul3A_527 = arith.mulf %gather3A_526, %gather3A_526 : vector<16xf32>
        %add3A_528 = arith.addf %add3A_518, %mul3A_527 : vector<16xf32>
        %broadcast_in_dim3A_529 = arith.constant 13 : i32
        %broadcast_in_dim3A_530 = vector.broadcast %broadcast_in_dim3A_529 : i32 to vector<16xi32>
        %gather3A_531 = arith.constant 0 : i32
        %gather3A_532 = arith.constant 0 : i32
        %gather3A_533 = arith.constant 0 : i32
        %gather3A_534 = tpu.memref_slice %arg6[%gather3A_531, %gather3A_532, %gather3A_533] : memref<2x512x32xf32, #tpu.memory_space<vmem>> -> memref<1x512x32xf32, #tpu.memory_space<vmem>>
        %gather3A_535 = tpu.memref_squeeze %gather3A_534 : memref<1x512x32xf32, #tpu.memory_space<vmem>> -> memref<512x32xf32, #tpu.memory_space<vmem>>
        %gather3A_536 = tpu.vector_load_idx %gather3A_535[%add3A_356, %broadcast_in_dim3A_530] : memref<512x32xf32, #tpu.memory_space<vmem>>[vector<16xi32>, vector<16xi32>], vector<16xf32>,
        %mul3A_537 = arith.mulf %gather3A_536, %gather3A_536 : vector<16xf32>
        %add3A_538 = arith.addf %add3A_528, %mul3A_537 : vector<16xf32>
        %broadcast_in_dim3A_539 = arith.constant 14 : i32
        %broadcast_in_dim3A_540 = vector.broadcast %broadcast_in_dim3A_539 : i32 to vector<16xi32>
        %gather3A_541 = arith.constant 0 : i32
        %gather3A_542 = arith.constant 0 : i32
        %gather3A_543 = arith.constant 0 : i32
        %gather3A_544 = tpu.memref_slice %arg6[%gather3A_541, %gather3A_542, %gather3A_543] : memref<2x512x32xf32, #tpu.memory_space<vmem>> -> memref<1x512x32xf32, #tpu.memory_space<vmem>>
        %gather3A_545 = tpu.memref_squeeze %gather3A_544 : memref<1x512x32xf32, #tpu.memory_space<vmem>> -> memref<512x32xf32, #tpu.memory_space<vmem>>
        %gather3A_546 = tpu.vector_load_idx %gather3A_545[%add3A_356, %broadcast_in_dim3A_540] : memref<512x32xf32, #tpu.memory_space<vmem>>[vector<16xi32>, vector<16xi32>], vector<16xf32>,
        %mul3A_547 = arith.mulf %gather3A_546, %gather3A_546 : vector<16xf32>
        %add3A_548 = arith.addf %add3A_538, %mul3A_547 : vector<16xf32>
        %broadcast_in_dim3A_549 = arith.constant 15 : i32
        %broadcast_in_dim3A_550 = vector.broadcast %broadcast_in_dim3A_549 : i32 to vector<16xi32>
        %gather3A_551 = arith.constant 0 : i32
        %gather3A_552 = arith.constant 0 : i32
        %gather3A_553 = arith.constant 0 : i32
        %gather3A_554 = tpu.memref_slice %arg6[%gather3A_551, %gather3A_552, %gather3A_553] : memref<2x512x32xf32, #tpu.memory_space<vmem>> -> memref<1x512x32xf32, #tpu.memory_space<vmem>>
        %gather3A_555 = tpu.memref_squeeze %gather3A_554 : memref<1x512x32xf32, #tpu.memory_space<vmem>> -> memref<512x32xf32, #tpu.memory_space<vmem>>
        %gather3A_556 = tpu.vector_load_idx %gather3A_555[%add3A_356, %broadcast_in_dim3A_550] : memref<512x32xf32, #tpu.memory_space<vmem>>[vector<16xi32>, vector<16xi32>], vector<16xf32>,
        %mul3A_557 = arith.mulf %gather3A_556, %gather3A_556 : vector<16xf32>
        %add3A_558 = arith.addf %add3A_548, %mul3A_557 : vector<16xf32>
        %broadcast_in_dim3A_559 = arith.constant 16 : i32
        %broadcast_in_dim3A_560 = vector.broadcast %broadcast_in_dim3A_559 : i32 to vector<16xi32>
        %gather3A_561 = arith.constant 0 : i32
        %gather3A_562 = arith.constant 0 : i32
        %gather3A_563 = arith.constant 0 : i32
        %gather3A_564 = tpu.memref_slice %arg6[%gather3A_561, %gather3A_562, %gather3A_563] : memref<2x512x32xf32, #tpu.memory_space<vmem>> -> memref<1x512x32xf32, #tpu.memory_space<vmem>>
        %gather3A_565 = tpu.memref_squeeze %gather3A_564 : memref<1x512x32xf32, #tpu.memory_space<vmem>> -> memref<512x32xf32, #tpu.memory_space<vmem>>
        %gather3A_566 = tpu.vector_load_idx %gather3A_565[%add3A_356, %broadcast_in_dim3A_560] : memref<512x32xf32, #tpu.memory_space<vmem>>[vector<16xi32>, vector<16xi32>], vector<16xf32>,
        %mul3A_567 = arith.mulf %gather3A_566, %gather3A_566 : vector<16xf32>
        %add3A_568 = arith.addf %add3A_558, %mul3A_567 : vector<16xf32>
        %broadcast_in_dim3A_569 = arith.constant 17 : i32
        %broadcast_in_dim3A_570 = vector.broadcast %broadcast_in_dim3A_569 : i32 to vector<16xi32>
        %gather3A_571 = arith.constant 0 : i32
        %gather3A_572 = arith.constant 0 : i32
        %gather3A_573 = arith.constant 0 : i32
        %gather3A_574 = tpu.memref_slice %arg6[%gather3A_571, %gather3A_572, %gather3A_573] : memref<2x512x32xf32, #tpu.memory_space<vmem>> -> memref<1x512x32xf32, #tpu.memory_space<vmem>>
        %gather3A_575 = tpu.memref_squeeze %gather3A_574 : memref<1x512x32xf32, #tpu.memory_space<vmem>> -> memref<512x32xf32, #tpu.memory_space<vmem>>
        %gather3A_576 = tpu.vector_load_idx %gather3A_575[%add3A_356, %broadcast_in_dim3A_570] : memref<512x32xf32, #tpu.memory_space<vmem>>[vector<16xi32>, vector<16xi32>], vector<16xf32>,
        %mul3A_577 = arith.mulf %gather3A_576, %gather3A_576 : vector<16xf32>
        %add3A_578 = arith.addf %add3A_568, %mul3A_577 : vector<16xf32>
        %broadcast_in_dim3A_579 = arith.constant 18 : i32
        %broadcast_in_dim3A_580 = vector.broadcast %broadcast_in_dim3A_579 : i32 to vector<16xi32>
        %gather3A_581 = arith.constant 0 : i32
        %gather3A_582 = arith.constant 0 : i32
        %gather3A_583 = arith.constant 0 : i32
        %gather3A_584 = tpu.memref_slice %arg6[%gather3A_581, %gather3A_582, %gather3A_583] : memref<2x512x32xf32, #tpu.memory_space<vmem>> -> memref<1x512x32xf32, #tpu.memory_space<vmem>>
        %gather3A_585 = tpu.memref_squeeze %gather3A_584 : memref<1x512x32xf32, #tpu.memory_space<vmem>> -> memref<512x32xf32, #tpu.memory_space<vmem>>
        %gather3A_586 = tpu.vector_load_idx %gather3A_585[%add3A_356, %broadcast_in_dim3A_580] : memref<512x32xf32, #tpu.memory_space<vmem>>[vector<16xi32>, vector<16xi32>], vector<16xf32>,
        %mul3A_587 = arith.mulf %gather3A_586, %gather3A_586 : vector<16xf32>
        %add3A_588 = arith.addf %add3A_578, %mul3A_587 : vector<16xf32>
        %broadcast_in_dim3A_589 = arith.constant 19 : i32
        %broadcast_in_dim3A_590 = vector.broadcast %broadcast_in_dim3A_589 : i32 to vector<16xi32>
        %gather3A_591 = arith.constant 0 : i32
        %gather3A_592 = arith.constant 0 : i32
        %gather3A_593 = arith.constant 0 : i32
        %gather3A_594 = tpu.memref_slice %arg6[%gather3A_591, %gather3A_592, %gather3A_593] : memref<2x512x32xf32, #tpu.memory_space<vmem>> -> memref<1x512x32xf32, #tpu.memory_space<vmem>>
        %gather3A_595 = tpu.memref_squeeze %gather3A_594 : memref<1x512x32xf32, #tpu.memory_space<vmem>> -> memref<512x32xf32, #tpu.memory_space<vmem>>
        %gather3A_596 = tpu.vector_load_idx %gather3A_595[%add3A_356, %broadcast_in_dim3A_590] : memref<512x32xf32, #tpu.memory_space<vmem>>[vector<16xi32>, vector<16xi32>], vector<16xf32>,
        %mul3A_597 = arith.mulf %gather3A_596, %gather3A_596 : vector<16xf32>
        %add3A_598 = arith.addf %add3A_588, %mul3A_597 : vector<16xf32>
        %broadcast_in_dim3A_599 = arith.constant 20 : i32
        %broadcast_in_dim3A_600 = vector.broadcast %broadcast_in_dim3A_599 : i32 to vector<16xi32>
        %gather3A_601 = arith.constant 0 : i32
        %gather3A_602 = arith.constant 0 : i32
        %gather3A_603 = arith.constant 0 : i32
        %gather3A_604 = tpu.memref_slice %arg6[%gather3A_601, %gather3A_602, %gather3A_603] : memref<2x512x32xf32, #tpu.memory_space<vmem>> -> memref<1x512x32xf32, #tpu.memory_space<vmem>>
        %gather3A_605 = tpu.memref_squeeze %gather3A_604 : memref<1x512x32xf32, #tpu.memory_space<vmem>> -> memref<512x32xf32, #tpu.memory_space<vmem>>
        %gather3A_606 = tpu.vector_load_idx %gather3A_605[%add3A_356, %broadcast_in_dim3A_600] : memref<512x32xf32, #tpu.memory_space<vmem>>[vector<16xi32>, vector<16xi32>], vector<16xf32>,
        %mul3A_607 = arith.mulf %gather3A_606, %gather3A_606 : vector<16xf32>
        %add3A_608 = arith.addf %add3A_598, %mul3A_607 : vector<16xf32>
        %broadcast_in_dim3A_609 = arith.constant 21 : i32
        %broadcast_in_dim3A_610 = vector.broadcast %broadcast_in_dim3A_609 : i32 to vector<16xi32>
        %gather3A_611 = arith.constant 0 : i32
        %gather3A_612 = arith.constant 0 : i32
        %gather3A_613 = arith.constant 0 : i32
        %gather3A_614 = tpu.memref_slice %arg6[%gather3A_611, %gather3A_612, %gather3A_613] : memref<2x512x32xf32, #tpu.memory_space<vmem>> -> memref<1x512x32xf32, #tpu.memory_space<vmem>>
        %gather3A_615 = tpu.memref_squeeze %gather3A_614 : memref<1x512x32xf32, #tpu.memory_space<vmem>> -> memref<512x32xf32, #tpu.memory_space<vmem>>
        %gather3A_616 = tpu.vector_load_idx %gather3A_615[%add3A_356, %broadcast_in_dim3A_610] : memref<512x32xf32, #tpu.memory_space<vmem>>[vector<16xi32>, vector<16xi32>], vector<16xf32>,
        %mul3A_617 = arith.mulf %gather3A_616, %gather3A_616 : vector<16xf32>
        %add3A_618 = arith.addf %add3A_608, %mul3A_617 : vector<16xf32>
        %broadcast_in_dim3A_619 = arith.constant 22 : i32
        %broadcast_in_dim3A_620 = vector.broadcast %broadcast_in_dim3A_619 : i32 to vector<16xi32>
        %gather3A_621 = arith.constant 0 : i32
        %gather3A_622 = arith.constant 0 : i32
        %gather3A_623 = arith.constant 0 : i32
        %gather3A_624 = tpu.memref_slice %arg6[%gather3A_621, %gather3A_622, %gather3A_623] : memref<2x512x32xf32, #tpu.memory_space<vmem>> -> memref<1x512x32xf32, #tpu.memory_space<vmem>>
        %gather3A_625 = tpu.memref_squeeze %gather3A_624 : memref<1x512x32xf32, #tpu.memory_space<vmem>> -> memref<512x32xf32, #tpu.memory_space<vmem>>
        %gather3A_626 = tpu.vector_load_idx %gather3A_625[%add3A_356, %broadcast_in_dim3A_620] : memref<512x32xf32, #tpu.memory_space<vmem>>[vector<16xi32>, vector<16xi32>], vector<16xf32>,
        %mul3A_627 = arith.mulf %gather3A_626, %gather3A_626 : vector<16xf32>
        %add3A_628 = arith.addf %add3A_618, %mul3A_627 : vector<16xf32>
        %broadcast_in_dim3A_629 = arith.constant 23 : i32
        %broadcast_in_dim3A_630 = vector.broadcast %broadcast_in_dim3A_629 : i32 to vector<16xi32>
        %gather3A_631 = arith.constant 0 : i32
        %gather3A_632 = arith.constant 0 : i32
        %gather3A_633 = arith.constant 0 : i32
        %gather3A_634 = tpu.memref_slice %arg6[%gather3A_631, %gather3A_632, %gather3A_633] : memref<2x512x32xf32, #tpu.memory_space<vmem>> -> memref<1x512x32xf32, #tpu.memory_space<vmem>>
        %gather3A_635 = tpu.memref_squeeze %gather3A_634 : memref<1x512x32xf32, #tpu.memory_space<vmem>> -> memref<512x32xf32, #tpu.memory_space<vmem>>
        %gather3A_636 = tpu.vector_load_idx %gather3A_635[%add3A_356, %broadcast_in_dim3A_630] : memref<512x32xf32, #tpu.memory_space<vmem>>[vector<16xi32>, vector<16xi32>], vector<16xf32>,
        %mul3A_637 = arith.mulf %gather3A_636, %gather3A_636 : vector<16xf32>
        %add3A_638 = arith.addf %add3A_628, %mul3A_637 : vector<16xf32>
        %broadcast_in_dim3A_639 = arith.constant 24 : i32
        %broadcast_in_dim3A_640 = vector.broadcast %broadcast_in_dim3A_639 : i32 to vector<16xi32>
        %gather3A_641 = arith.constant 0 : i32
        %gather3A_642 = arith.constant 0 : i32
        %gather3A_643 = arith.constant 0 : i32
        %gather3A_644 = tpu.memref_slice %arg6[%gather3A_641, %gather3A_642, %gather3A_643] : memref<2x512x32xf32, #tpu.memory_space<vmem>> -> memref<1x512x32xf32, #tpu.memory_space<vmem>>
        %gather3A_645 = tpu.memref_squeeze %gather3A_644 : memref<1x512x32xf32, #tpu.memory_space<vmem>> -> memref<512x32xf32, #tpu.memory_space<vmem>>
        %gather3A_646 = tpu.vector_load_idx %gather3A_645[%add3A_356, %broadcast_in_dim3A_640] : memref<512x32xf32, #tpu.memory_space<vmem>>[vector<16xi32>, vector<16xi32>], vector<16xf32>,
        %mul3A_647 = arith.mulf %gather3A_646, %gather3A_646 : vector<16xf32>
        %add3A_648 = arith.addf %add3A_638, %mul3A_647 : vector<16xf32>
        %broadcast_in_dim3A_649 = arith.constant 25 : i32
        %broadcast_in_dim3A_650 = vector.broadcast %broadcast_in_dim3A_649 : i32 to vector<16xi32>
        %gather3A_651 = arith.constant 0 : i32
        %gather3A_652 = arith.constant 0 : i32
        %gather3A_653 = arith.constant 0 : i32
        %gather3A_654 = tpu.memref_slice %arg6[%gather3A_651, %gather3A_652, %gather3A_653] : memref<2x512x32xf32, #tpu.memory_space<vmem>> -> memref<1x512x32xf32, #tpu.memory_space<vmem>>
        %gather3A_655 = tpu.memref_squeeze %gather3A_654 : memref<1x512x32xf32, #tpu.memory_space<vmem>> -> memref<512x32xf32, #tpu.memory_space<vmem>>
        %gather3A_656 = tpu.vector_load_idx %gather3A_655[%add3A_356, %broadcast_in_dim3A_650] : memref<512x32xf32, #tpu.memory_space<vmem>>[vector<16xi32>, vector<16xi32>], vector<16xf32>,
        %mul3A_657 = arith.mulf %gather3A_656, %gather3A_656 : vector<16xf32>
        %add3A_658 = arith.addf %add3A_648, %mul3A_657 : vector<16xf32>
        %broadcast_in_dim3A_659 = arith.constant 26 : i32
        %broadcast_in_dim3A_660 = vector.broadcast %broadcast_in_dim3A_659 : i32 to vector<16xi32>
        %gather3A_661 = arith.constant 0 : i32
        %gather3A_662 = arith.constant 0 : i32
        %gather3A_663 = arith.constant 0 : i32
        %gather3A_664 = tpu.memref_slice %arg6[%gather3A_661, %gather3A_662, %gather3A_663] : memref<2x512x32xf32, #tpu.memory_space<vmem>> -> memref<1x512x32xf32, #tpu.memory_space<vmem>>
        %gather3A_665 = tpu.memref_squeeze %gather3A_664 : memref<1x512x32xf32, #tpu.memory_space<vmem>> -> memref<512x32xf32, #tpu.memory_space<vmem>>
        %gather3A_666 = tpu.vector_load_idx %gather3A_665[%add3A_356, %broadcast_in_dim3A_660] : memref<512x32xf32, #tpu.memory_space<vmem>>[vector<16xi32>, vector<16xi32>], vector<16xf32>,
        %mul3A_667 = arith.mulf %gather3A_666, %gather3A_666 : vector<16xf32>
        %add3A_668 = arith.addf %add3A_658, %mul3A_667 : vector<16xf32>
        %broadcast_in_dim3A_669 = arith.constant 27 : i32
        %broadcast_in_dim3A_670 = vector.broadcast %broadcast_in_dim3A_669 : i32 to vector<16xi32>
        %gather3A_671 = arith.constant 0 : i32
        %gather3A_672 = arith.constant 0 : i32
        %gather3A_673 = arith.constant 0 : i32
        %gather3A_674 = tpu.memref_slice %arg6[%gather3A_671, %gather3A_672, %gather3A_673] : memref<2x512x32xf32, #tpu.memory_space<vmem>> -> memref<1x512x32xf32, #tpu.memory_space<vmem>>
        %gather3A_675 = tpu.memref_squeeze %gather3A_674 : memref<1x512x32xf32, #tpu.memory_space<vmem>> -> memref<512x32xf32, #tpu.memory_space<vmem>>
        %gather3A_676 = tpu.vector_load_idx %gather3A_675[%add3A_356, %broadcast_in_dim3A_670] : memref<512x32xf32, #tpu.memory_space<vmem>>[vector<16xi32>, vector<16xi32>], vector<16xf32>,
        %mul3A_677 = arith.mulf %gather3A_676, %gather3A_676 : vector<16xf32>
        %add3A_678 = arith.addf %add3A_668, %mul3A_677 : vector<16xf32>
        %broadcast_in_dim3A_679 = arith.constant 28 : i32
        %broadcast_in_dim3A_680 = vector.broadcast %broadcast_in_dim3A_679 : i32 to vector<16xi32>
        %gather3A_681 = arith.constant 0 : i32
        %gather3A_682 = arith.constant 0 : i32
        %gather3A_683 = arith.constant 0 : i32
        %gather3A_684 = tpu.memref_slice %arg6[%gather3A_681, %gather3A_682, %gather3A_683] : memref<2x512x32xf32, #tpu.memory_space<vmem>> -> memref<1x512x32xf32, #tpu.memory_space<vmem>>
        %gather3A_685 = tpu.memref_squeeze %gather3A_684 : memref<1x512x32xf32, #tpu.memory_space<vmem>> -> memref<512x32xf32, #tpu.memory_space<vmem>>
        %gather3A_686 = tpu.vector_load_idx %gather3A_685[%add3A_356, %broadcast_in_dim3A_680] : memref<512x32xf32, #tpu.memory_space<vmem>>[vector<16xi32>, vector<16xi32>], vector<16xf32>,
        %mul3A_687 = arith.mulf %gather3A_686, %gather3A_686 : vector<16xf32>
        %add3A_688 = arith.addf %add3A_678, %mul3A_687 : vector<16xf32>
        %broadcast_in_dim3A_689 = arith.constant 29 : i32
        %broadcast_in_dim3A_690 = vector.broadcast %broadcast_in_dim3A_689 : i32 to vector<16xi32>
        %gather3A_691 = arith.constant 0 : i32
        %gather3A_692 = arith.constant 0 : i32
        %gather3A_693 = arith.constant 0 : i32
        %gather3A_694 = tpu.memref_slice %arg6[%gather3A_691, %gather3A_692, %gather3A_693] : memref<2x512x32xf32, #tpu.memory_space<vmem>> -> memref<1x512x32xf32, #tpu.memory_space<vmem>>
        %gather3A_695 = tpu.memref_squeeze %gather3A_694 : memref<1x512x32xf32, #tpu.memory_space<vmem>> -> memref<512x32xf32, #tpu.memory_space<vmem>>
        %gather3A_696 = tpu.vector_load_idx %gather3A_695[%add3A_356, %broadcast_in_dim3A_690] : memref<512x32xf32, #tpu.memory_space<vmem>>[vector<16xi32>, vector<16xi32>], vector<16xf32>,
        %mul3A_697 = arith.mulf %gather3A_696, %gather3A_696 : vector<16xf32>
        %add3A_698 = arith.addf %add3A_688, %mul3A_697 : vector<16xf32>
        %broadcast_in_dim3A_699 = arith.constant 30 : i32
        %broadcast_in_dim3A_700 = vector.broadcast %broadcast_in_dim3A_699 : i32 to vector<16xi32>
        %gather3A_701 = arith.constant 0 : i32
        %gather3A_702 = arith.constant 0 : i32
        %gather3A_703 = arith.constant 0 : i32
        %gather3A_704 = tpu.memref_slice %arg6[%gather3A_701, %gather3A_702, %gather3A_703] : memref<2x512x32xf32, #tpu.memory_space<vmem>> -> memref<1x512x32xf32, #tpu.memory_space<vmem>>
        %gather3A_705 = tpu.memref_squeeze %gather3A_704 : memref<1x512x32xf32, #tpu.memory_space<vmem>> -> memref<512x32xf32, #tpu.memory_space<vmem>>
        %gather3A_706 = tpu.vector_load_idx %gather3A_705[%add3A_356, %broadcast_in_dim3A_700] : memref<512x32xf32, #tpu.memory_space<vmem>>[vector<16xi32>, vector<16xi32>], vector<16xf32>,
        %mul3A_707 = arith.mulf %gather3A_706, %gather3A_706 : vector<16xf32>
        %add3A_708 = arith.addf %add3A_698, %mul3A_707 : vector<16xf32>
        %broadcast_in_dim3A_709 = arith.constant 31 : i32
        %broadcast_in_dim3A_710 = vector.broadcast %broadcast_in_dim3A_709 : i32 to vector<16xi32>
        %gather3A_711 = arith.constant 0 : i32
        %gather3A_712 = arith.constant 0 : i32
        %gather3A_713 = arith.constant 0 : i32
        %gather3A_714 = tpu.memref_slice %arg6[%gather3A_711, %gather3A_712, %gather3A_713] : memref<2x512x32xf32, #tpu.memory_space<vmem>> -> memref<1x512x32xf32, #tpu.memory_space<vmem>>
        %gather3A_715 = tpu.memref_squeeze %gather3A_714 : memref<1x512x32xf32, #tpu.memory_space<vmem>> -> memref<512x32xf32, #tpu.memory_space<vmem>>
        %gather3A_716 = tpu.vector_load_idx %gather3A_715[%add3A_356, %broadcast_in_dim3A_710] : memref<512x32xf32, #tpu.memory_space<vmem>>[vector<16xi32>, vector<16xi32>], vector<16xf32>,
        %mul3A_717 = arith.mulf %gather3A_716, %gather3A_716 : vector<16xf32>
        %add3A_718 = arith.addf %add3A_708, %mul3A_717 : vector<16xf32>
        %bitcast3A = vector.bitcast %add3A_718 : vector<16xf32> to vector<16xi32>
        %shift_right_logical3A = arith.constant 1 : i32
        %shift_right_logical3A_719 = vector.broadcast %shift_right_logical3A : i32 to vector<16xi32>
        %shift_right_logical3A_720 = arith.shrui %bitcast3A, %shift_right_logical3A_719 : vector<16xi32>
        %sub3A_721 = arith.constant 1597463007 : i32
        %sub3A_722 = vector.broadcast %sub3A_721 : i32 to vector<16xi32>
        %sub3A_723 = arith.subi %sub3A_722, %shift_right_logical3A_720 : vector<16xi32>
        %bitcast3A_724 = vector.bitcast %sub3A_723 : vector<16xi32> to vector<16xf32>
        %mul3A_725 = arith.constant 5.000000e-01 : f32
        %mul3A_726 = vector.broadcast %mul3A_725 : f32 to vector<16xf32>
        %mul3A_727 = arith.mulf %mul3A_726, %add3A_718 : vector<16xf32>
        %mul3A_728 = arith.mulf %mul3A_727, %bitcast3A_724 : vector<16xf32>
        %mul3A_729 = arith.mulf %mul3A_728, %bitcast3A_724 : vector<16xf32>
        %sub3A_730 = arith.constant 1.500000e+00 : f32
        %sub3A_731 = vector.broadcast %sub3A_730 : f32 to vector<16xf32>
        %sub3A_732 = arith.subf %sub3A_731, %mul3A_729 : vector<16xf32>
        %mul3A_733 = arith.mulf %bitcast3A_724, %sub3A_732 : vector<16xf32>
        %mul3A_734 = arith.constant 5.000000e-01 : f32
        %mul3A_735 = vector.broadcast %mul3A_734 : f32 to vector<16xf32>
        %mul3A_736 = arith.mulf %mul3A_735, %add3A_718 : vector<16xf32>
        %mul3A_737 = arith.mulf %mul3A_736, %mul3A_733 : vector<16xf32>
        %mul3A_738 = arith.mulf %mul3A_737, %mul3A_733 : vector<16xf32>
        %sub3A_739 = arith.constant 1.500000e+00 : f32
        %sub3A_740 = vector.broadcast %sub3A_739 : f32 to vector<16xf32>
        %sub3A_741 = arith.subf %sub3A_740, %mul3A_738 : vector<16xf32>
        %mul3A_742 = arith.mulf %mul3A_733, %sub3A_741 : vector<16xf32>
        %mul3A_743 = arith.constant 5.000000e-01 : f32
        %mul3A_744 = vector.broadcast %mul3A_743 : f32 to vector<16xf32>
        %mul3A_745 = arith.mulf %mul3A_744, %add3A_718 : vector<16xf32>
        %mul3A_746 = arith.mulf %mul3A_745, %mul3A_742 : vector<16xf32>
        %mul3A_747 = arith.mulf %mul3A_746, %mul3A_742 : vector<16xf32>
        %sub3A_748 = arith.constant 1.500000e+00 : f32
        %sub3A_749 = vector.broadcast %sub3A_748 : f32 to vector<16xf32>
        %sub3A_750 = arith.subf %sub3A_749, %mul3A_747 : vector<16xf32>
        %mul3A_751 = arith.mulf %mul3A_742, %sub3A_750 : vector<16xf32>
        %min3A = arith.constant 9.99999995E+11 : f32
        %min3A_752 = vector.broadcast %min3A : f32 to vector<16xf32>
        %min3A_753 = arith.minimumf %mul3A_751, %min3A_752 : vector<16xf32>
        %mul3A_754 = arith.mulf %gather3A_406, %min3A_753 : vector<16xf32>
        %swap3A = arith.constant 0 : i32
        %swap3A_755 = arith.constant 0 : i32
        %swap3A_756 = arith.constant 0 : i32
        %swap3A_757 = arith.index_cast %swap3A : i32 to index
        %swap3A_758 = arith.index_cast %swap3A_755 : i32 to index
        %swap3A_759 = arith.index_cast %select_n3A_380 : i32 to index
        %swap3A_760 = arith.index_cast %swap3A_756 : i32 to index
        %swap3A_761 = arith.index_cast %mul3A_398 : i32 to index
        %swap3A_762 = tpu.vector_load %arg7[%swap3A_757, %swap3A_758, %swap3A_759, %swap3A_760, %swap3A_761] {strides = array<i32>} : memref<2x4x4x8x128xf32, #tpu.memory_space<vmem>>, vector<16xf32>,
        tpu.vector_store %arg7[%swap3A_757, %swap3A_758, %swap3A_759, %swap3A_760, %swap3A_761], %mul3A_754 {strides = array<i32>} : memref<2x4x4x8x128xf32, #tpu.memory_space<vmem>>, vector<16xf32>,
        %mul3A_763 = arith.mulf %gather3A_416, %min3A_753 : vector<16xf32>
        %swap3A_764 = arith.constant 0 : i32
        %swap3A_765 = arith.constant 0 : i32
        %swap3A_766 = arith.constant 1 : i32
        %swap3A_767 = arith.index_cast %swap3A_764 : i32 to index
        %swap3A_768 = arith.index_cast %swap3A_765 : i32 to index
        %swap3A_769 = arith.index_cast %select_n3A_380 : i32 to index
        %swap3A_770 = arith.index_cast %swap3A_766 : i32 to index
        %swap3A_771 = arith.index_cast %mul3A_398 : i32 to index
        %swap3A_772 = tpu.vector_load %arg7[%swap3A_767, %swap3A_768, %swap3A_769, %swap3A_770, %swap3A_771] {strides = array<i32>} : memref<2x4x4x8x128xf32, #tpu.memory_space<vmem>>, vector<16xf32>,
        tpu.vector_store %arg7[%swap3A_767, %swap3A_768, %swap3A_769, %swap3A_770, %swap3A_771], %mul3A_763 {strides = array<i32>} : memref<2x4x4x8x128xf32, #tpu.memory_space<vmem>>, vector<16xf32>,
        %mul3A_773 = arith.mulf %gather3A_426, %min3A_753 : vector<16xf32>
        %swap3A_774 = arith.constant 0 : i32
        %swap3A_775 = arith.constant 0 : i32
        %swap3A_776 = arith.constant 2 : i32
        %swap3A_777 = arith.index_cast %swap3A_774 : i32 to index
        %swap3A_778 = arith.index_cast %swap3A_775 : i32 to index
        %swap3A_779 = arith.index_cast %select_n3A_380 : i32 to index
        %swap3A_780 = arith.index_cast %swap3A_776 : i32 to index
        %swap3A_781 = arith.index_cast %mul3A_398 : i32 to index
        %swap3A_782 = tpu.vector_load %arg7[%swap3A_777, %swap3A_778, %swap3A_779, %swap3A_780, %swap3A_781] {strides = array<i32>} : memref<2x4x4x8x128xf32, #tpu.memory_space<vmem>>, vector<16xf32>,
        tpu.vector_store %arg7[%swap3A_777, %swap3A_778, %swap3A_779, %swap3A_780, %swap3A_781], %mul3A_773 {strides = array<i32>} : memref<2x4x4x8x128xf32, #tpu.memory_space<vmem>>, vector<16xf32>,
        %mul3A_783 = arith.mulf %gather3A_436, %min3A_753 : vector<16xf32>
        %swap3A_784 = arith.constant 0 : i32
        %swap3A_785 = arith.constant 0 : i32
        %swap3A_786 = arith.constant 3 : i32
        %swap3A_787 = arith.index_cast %swap3A_784 : i32 to index
        %swap3A_788 = arith.index_cast %swap3A_785 : i32 to index
        %swap3A_789 = arith.index_cast %select_n3A_380 : i32 to index
        %swap3A_790 = arith.index_cast %swap3A_786 : i32 to index
        %swap3A_791 = arith.index_cast %mul3A_398 : i32 to index
        %swap3A_792 = tpu.vector_load %arg7[%swap3A_787, %swap3A_788, %swap3A_789, %swap3A_790, %swap3A_791] {strides = array<i32>} : memref<2x4x4x8x128xf32, #tpu.memory_space<vmem>>, vector<16xf32>,
        tpu.vector_store %arg7[%swap3A_787, %swap3A_788, %swap3A_789, %swap3A_790, %swap3A_791], %mul3A_783 {strides = array<i32>} : memref<2x4x4x8x128xf32, #tpu.memory_space<vmem>>, vector<16xf32>,
        %mul3A_793 = arith.mulf %gather3A_446, %min3A_753 : vector<16xf32>
        %swap3A_794 = arith.constant 0 : i32
        %swap3A_795 = arith.constant 0 : i32
        %swap3A_796 = arith.constant 4 : i32
        %swap3A_797 = arith.index_cast %swap3A_794 : i32 to index
        %swap3A_798 = arith.index_cast %swap3A_795 : i32 to index
        %swap3A_799 = arith.index_cast %select_n3A_380 : i32 to index
        %swap3A_800 = arith.index_cast %swap3A_796 : i32 to index
        %swap3A_801 = arith.index_cast %mul3A_398 : i32 to index
        %swap3A_802 = tpu.vector_load %arg7[%swap3A_797, %swap3A_798, %swap3A_799, %swap3A_800, %swap3A_801] {strides = array<i32>} : memref<2x4x4x8x128xf32, #tpu.memory_space<vmem>>, vector<16xf32>,
        tpu.vector_store %arg7[%swap3A_797, %swap3A_798, %swap3A_799, %swap3A_800, %swap3A_801], %mul3A_793 {strides = array<i32>} : memref<2x4x4x8x128xf32, #tpu.memory_space<vmem>>, vector<16xf32>,
        %mul3A_803 = arith.mulf %gather3A_456, %min3A_753 : vector<16xf32>
        %swap3A_804 = arith.constant 0 : i32
        %swap3A_805 = arith.constant 0 : i32
        %swap3A_806 = arith.constant 5 : i32
        %swap3A_807 = arith.index_cast %swap3A_804 : i32 to index
        %swap3A_808 = arith.index_cast %swap3A_805 : i32 to index
        %swap3A_809 = arith.index_cast %select_n3A_380 : i32 to index
        %swap3A_810 = arith.index_cast %swap3A_806 : i32 to index
        %swap3A_811 = arith.index_cast %mul3A_398 : i32 to index
        %swap3A_812 = tpu.vector_load %arg7[%swap3A_807, %swap3A_808, %swap3A_809, %swap3A_810, %swap3A_811] {strides = array<i32>} : memref<2x4x4x8x128xf32, #tpu.memory_space<vmem>>, vector<16xf32>,
        tpu.vector_store %arg7[%swap3A_807, %swap3A_808, %swap3A_809, %swap3A_810, %swap3A_811], %mul3A_803 {strides = array<i32>} : memref<2x4x4x8x128xf32, #tpu.memory_space<vmem>>, vector<16xf32>,
        %mul3A_813 = arith.mulf %gather3A_466, %min3A_753 : vector<16xf32>
        %swap3A_814 = arith.constant 0 : i32
        %swap3A_815 = arith.constant 0 : i32
        %swap3A_816 = arith.constant 6 : i32
        %swap3A_817 = arith.index_cast %swap3A_814 : i32 to index
        %swap3A_818 = arith.index_cast %swap3A_815 : i32 to index
        %swap3A_819 = arith.index_cast %select_n3A_380 : i32 to index
        %swap3A_820 = arith.index_cast %swap3A_816 : i32 to index
        %swap3A_821 = arith.index_cast %mul3A_398 : i32 to index
        %swap3A_822 = tpu.vector_load %arg7[%swap3A_817, %swap3A_818, %swap3A_819, %swap3A_820, %swap3A_821] {strides = array<i32>} : memref<2x4x4x8x128xf32, #tpu.memory_space<vmem>>, vector<16xf32>,
        tpu.vector_store %arg7[%swap3A_817, %swap3A_818, %swap3A_819, %swap3A_820, %swap3A_821], %mul3A_813 {strides = array<i32>} : memref<2x4x4x8x128xf32, #tpu.memory_space<vmem>>, vector<16xf32>,
        %mul3A_823 = arith.mulf %gather3A_476, %min3A_753 : vector<16xf32>
        %swap3A_824 = arith.constant 0 : i32
        %swap3A_825 = arith.constant 0 : i32
        %swap3A_826 = arith.constant 7 : i32
        %swap3A_827 = arith.index_cast %swap3A_824 : i32 to index
        %swap3A_828 = arith.index_cast %swap3A_825 : i32 to index
        %swap3A_829 = arith.index_cast %select_n3A_380 : i32 to index
        %swap3A_830 = arith.index_cast %swap3A_826 : i32 to index
        %swap3A_831 = arith.index_cast %mul3A_398 : i32 to index
        %swap3A_832 = tpu.vector_load %arg7[%swap3A_827, %swap3A_828, %swap3A_829, %swap3A_830, %swap3A_831] {strides = array<i32>} : memref<2x4x4x8x128xf32, #tpu.memory_space<vmem>>, vector<16xf32>,
        tpu.vector_store %arg7[%swap3A_827, %swap3A_828, %swap3A_829, %swap3A_830, %swap3A_831], %mul3A_823 {strides = array<i32>} : memref<2x4x4x8x128xf32, #tpu.memory_space<vmem>>, vector<16xf32>,
        %mul3A_833 = arith.mulf %gather3A_486, %min3A_753 : vector<16xf32>
        %swap3A_834 = arith.constant 0 : i32
        %swap3A_835 = arith.constant 1 : i32
        %swap3A_836 = arith.constant 0 : i32
        %swap3A_837 = arith.index_cast %swap3A_834 : i32 to index
        %swap3A_838 = arith.index_cast %swap3A_835 : i32 to index
        %swap3A_839 = arith.index_cast %select_n3A_380 : i32 to index
        %swap3A_840 = arith.index_cast %swap3A_836 : i32 to index
        %swap3A_841 = arith.index_cast %mul3A_398 : i32 to index
        %swap3A_842 = tpu.vector_load %arg7[%swap3A_837, %swap3A_838, %swap3A_839, %swap3A_840, %swap3A_841] {strides = array<i32>} : memref<2x4x4x8x128xf32, #tpu.memory_space<vmem>>, vector<16xf32>,
        tpu.vector_store %arg7[%swap3A_837, %swap3A_838, %swap3A_839, %swap3A_840, %swap3A_841], %mul3A_833 {strides = array<i32>} : memref<2x4x4x8x128xf32, #tpu.memory_space<vmem>>, vector<16xf32>,
        %mul3A_843 = arith.mulf %gather3A_496, %min3A_753 : vector<16xf32>
        %swap3A_844 = arith.constant 0 : i32
        %swap3A_845 = arith.constant 1 : i32
        %swap3A_846 = arith.constant 1 : i32
        %swap3A_847 = arith.index_cast %swap3A_844 : i32 to index
        %swap3A_848 = arith.index_cast %swap3A_845 : i32 to index
        %swap3A_849 = arith.index_cast %select_n3A_380 : i32 to index
        %swap3A_850 = arith.index_cast %swap3A_846 : i32 to index
        %swap3A_851 = arith.index_cast %mul3A_398 : i32 to index
        %swap3A_852 = tpu.vector_load %arg7[%swap3A_847, %swap3A_848, %swap3A_849, %swap3A_850, %swap3A_851] {strides = array<i32>} : memref<2x4x4x8x128xf32, #tpu.memory_space<vmem>>, vector<16xf32>,
        tpu.vector_store %arg7[%swap3A_847, %swap3A_848, %swap3A_849, %swap3A_850, %swap3A_851], %mul3A_843 {strides = array<i32>} : memref<2x4x4x8x128xf32, #tpu.memory_space<vmem>>, vector<16xf32>,
        %mul3A_853 = arith.mulf %gather3A_506, %min3A_753 : vector<16xf32>
        %swap3A_854 = arith.constant 0 : i32
        %swap3A_855 = arith.constant 1 : i32
        %swap3A_856 = arith.constant 2 : i32
        %swap3A_857 = arith.index_cast %swap3A_854 : i32 to index
        %swap3A_858 = arith.index_cast %swap3A_855 : i32 to index
        %swap3A_859 = arith.index_cast %select_n3A_380 : i32 to index
        %swap3A_860 = arith.index_cast %swap3A_856 : i32 to index
        %swap3A_861 = arith.index_cast %mul3A_398 : i32 to index
        %swap3A_862 = tpu.vector_load %arg7[%swap3A_857, %swap3A_858, %swap3A_859, %swap3A_860, %swap3A_861] {strides = array<i32>} : memref<2x4x4x8x128xf32, #tpu.memory_space<vmem>>, vector<16xf32>,
        tpu.vector_store %arg7[%swap3A_857, %swap3A_858, %swap3A_859, %swap3A_860, %swap3A_861], %mul3A_853 {strides = array<i32>} : memref<2x4x4x8x128xf32, #tpu.memory_space<vmem>>, vector<16xf32>,
        %mul3A_863 = arith.mulf %gather3A_516, %min3A_753 : vector<16xf32>
        %swap3A_864 = arith.constant 0 : i32
        %swap3A_865 = arith.constant 1 : i32
        %swap3A_866 = arith.constant 3 : i32
        %swap3A_867 = arith.index_cast %swap3A_864 : i32 to index
        %swap3A_868 = arith.index_cast %swap3A_865 : i32 to index
        %swap3A_869 = arith.index_cast %select_n3A_380 : i32 to index
        %swap3A_870 = arith.index_cast %swap3A_866 : i32 to index
        %swap3A_871 = arith.index_cast %mul3A_398 : i32 to index
        %swap3A_872 = tpu.vector_load %arg7[%swap3A_867, %swap3A_868, %swap3A_869, %swap3A_870, %swap3A_871] {strides = array<i32>} : memref<2x4x4x8x128xf32, #tpu.memory_space<vmem>>, vector<16xf32>,
        tpu.vector_store %arg7[%swap3A_867, %swap3A_868, %swap3A_869, %swap3A_870, %swap3A_871], %mul3A_863 {strides = array<i32>} : memref<2x4x4x8x128xf32, #tpu.memory_space<vmem>>, vector<16xf32>,
        %mul3A_873 = arith.mulf %gather3A_526, %min3A_753 : vector<16xf32>
        %swap3A_874 = arith.constant 0 : i32
        %swap3A_875 = arith.constant 1 : i32
        %swap3A_876 = arith.constant 4 : i32
        %swap3A_877 = arith.index_cast %swap3A_874 : i32 to index
        %swap3A_878 = arith.index_cast %swap3A_875 : i32 to index
        %swap3A_879 = arith.index_cast %select_n3A_380 : i32 to index
        %swap3A_880 = arith.index_cast %swap3A_876 : i32 to index
        %swap3A_881 = arith.index_cast %mul3A_398 : i32 to index
        %swap3A_882 = tpu.vector_load %arg7[%swap3A_877, %swap3A_878, %swap3A_879, %swap3A_880, %swap3A_881] {strides = array<i32>} : memref<2x4x4x8x128xf32, #tpu.memory_space<vmem>>, vector<16xf32>,
        tpu.vector_store %arg7[%swap3A_877, %swap3A_878, %swap3A_879, %swap3A_880, %swap3A_881], %mul3A_873 {strides = array<i32>} : memref<2x4x4x8x128xf32, #tpu.memory_space<vmem>>, vector<16xf32>,
        %mul3A_883 = arith.mulf %gather3A_536, %min3A_753 : vector<16xf32>
        %swap3A_884 = arith.constant 0 : i32
        %swap3A_885 = arith.constant 1 : i32
        %swap3A_886 = arith.constant 5 : i32
        %swap3A_887 = arith.index_cast %swap3A_884 : i32 to index
        %swap3A_888 = arith.index_cast %swap3A_885 : i32 to index
        %swap3A_889 = arith.index_cast %select_n3A_380 : i32 to index
        %swap3A_890 = arith.index_cast %swap3A_886 : i32 to index
        %swap3A_891 = arith.index_cast %mul3A_398 : i32 to index
        %swap3A_892 = tpu.vector_load %arg7[%swap3A_887, %swap3A_888, %swap3A_889, %swap3A_890, %swap3A_891] {strides = array<i32>} : memref<2x4x4x8x128xf32, #tpu.memory_space<vmem>>, vector<16xf32>,
        tpu.vector_store %arg7[%swap3A_887, %swap3A_888, %swap3A_889, %swap3A_890, %swap3A_891], %mul3A_883 {strides = array<i32>} : memref<2x4x4x8x128xf32, #tpu.memory_space<vmem>>, vector<16xf32>,
        %mul3A_893 = arith.mulf %gather3A_546, %min3A_753 : vector<16xf32>
        %swap3A_894 = arith.constant 0 : i32
        %swap3A_895 = arith.constant 1 : i32
        %swap3A_896 = arith.constant 6 : i32
        %swap3A_897 = arith.index_cast %swap3A_894 : i32 to index
        %swap3A_898 = arith.index_cast %swap3A_895 : i32 to index
        %swap3A_899 = arith.index_cast %select_n3A_380 : i32 to index
        %swap3A_900 = arith.index_cast %swap3A_896 : i32 to index
        %swap3A_901 = arith.index_cast %mul3A_398 : i32 to index
        %swap3A_902 = tpu.vector_load %arg7[%swap3A_897, %swap3A_898, %swap3A_899, %swap3A_900, %swap3A_901] {strides = array<i32>} : memref<2x4x4x8x128xf32, #tpu.memory_space<vmem>>, vector<16xf32>,
        tpu.vector_store %arg7[%swap3A_897, %swap3A_898, %swap3A_899, %swap3A_900, %swap3A_901], %mul3A_893 {strides = array<i32>} : memref<2x4x4x8x128xf32, #tpu.memory_space<vmem>>, vector<16xf32>,
        %mul3A_903 = arith.mulf %gather3A_556, %min3A_753 : vector<16xf32>
        %swap3A_904 = arith.constant 0 : i32
        %swap3A_905 = arith.constant 1 : i32
        %swap3A_906 = arith.constant 7 : i32
        %swap3A_907 = arith.index_cast %swap3A_904 : i32 to index
        %swap3A_908 = arith.index_cast %swap3A_905 : i32 to index
        %swap3A_909 = arith.index_cast %select_n3A_380 : i32 to index
        %swap3A_910 = arith.index_cast %swap3A_906 : i32 to index
        %swap3A_911 = arith.index_cast %mul3A_398 : i32 to index
        %swap3A_912 = tpu.vector_load %arg7[%swap3A_907, %swap3A_908, %swap3A_909, %swap3A_910, %swap3A_911] {strides = array<i32>} : memref<2x4x4x8x128xf32, #tpu.memory_space<vmem>>, vector<16xf32>,
        tpu.vector_store %arg7[%swap3A_907, %swap3A_908, %swap3A_909, %swap3A_910, %swap3A_911], %mul3A_903 {strides = array<i32>} : memref<2x4x4x8x128xf32, #tpu.memory_space<vmem>>, vector<16xf32>,
        %mul3A_913 = arith.mulf %gather3A_566, %min3A_753 : vector<16xf32>
        %swap3A_914 = arith.constant 0 : i32
        %swap3A_915 = arith.constant 2 : i32
        %swap3A_916 = arith.constant 0 : i32
        %swap3A_917 = arith.index_cast %swap3A_914 : i32 to index
        %swap3A_918 = arith.index_cast %swap3A_915 : i32 to index
        %swap3A_919 = arith.index_cast %select_n3A_380 : i32 to index
        %swap3A_920 = arith.index_cast %swap3A_916 : i32 to index
        %swap3A_921 = arith.index_cast %mul3A_398 : i32 to index
        %swap3A_922 = tpu.vector_load %arg7[%swap3A_917, %swap3A_918, %swap3A_919, %swap3A_920, %swap3A_921] {strides = array<i32>} : memref<2x4x4x8x128xf32, #tpu.memory_space<vmem>>, vector<16xf32>,
        tpu.vector_store %arg7[%swap3A_917, %swap3A_918, %swap3A_919, %swap3A_920, %swap3A_921], %mul3A_913 {strides = array<i32>} : memref<2x4x4x8x128xf32, #tpu.memory_space<vmem>>, vector<16xf32>,
        %mul3A_923 = arith.mulf %gather3A_576, %min3A_753 : vector<16xf32>
        %swap3A_924 = arith.constant 0 : i32
        %swap3A_925 = arith.constant 2 : i32
        %swap3A_926 = arith.constant 1 : i32
        %swap3A_927 = arith.index_cast %swap3A_924 : i32 to index
        %swap3A_928 = arith.index_cast %swap3A_925 : i32 to index
        %swap3A_929 = arith.index_cast %select_n3A_380 : i32 to index
        %swap3A_930 = arith.index_cast %swap3A_926 : i32 to index
        %swap3A_931 = arith.index_cast %mul3A_398 : i32 to index
        %swap3A_932 = tpu.vector_load %arg7[%swap3A_927, %swap3A_928, %swap3A_929, %swap3A_930, %swap3A_931] {strides = array<i32>} : memref<2x4x4x8x128xf32, #tpu.memory_space<vmem>>, vector<16xf32>,
        tpu.vector_store %arg7[%swap3A_927, %swap3A_928, %swap3A_929, %swap3A_930, %swap3A_931], %mul3A_923 {strides = array<i32>} : memref<2x4x4x8x128xf32, #tpu.memory_space<vmem>>, vector<16xf32>,
        %mul3A_933 = arith.mulf %gather3A_586, %min3A_753 : vector<16xf32>
        %swap3A_934 = arith.constant 0 : i32
        %swap3A_935 = arith.constant 2 : i32
        %swap3A_936 = arith.constant 2 : i32
        %swap3A_937 = arith.index_cast %swap3A_934 : i32 to index
        %swap3A_938 = arith.index_cast %swap3A_935 : i32 to index
        %swap3A_939 = arith.index_cast %select_n3A_380 : i32 to index
        %swap3A_940 = arith.index_cast %swap3A_936 : i32 to index
        %swap3A_941 = arith.index_cast %mul3A_398 : i32 to index
        %swap3A_942 = tpu.vector_load %arg7[%swap3A_937, %swap3A_938, %swap3A_939, %swap3A_940, %swap3A_941] {strides = array<i32>} : memref<2x4x4x8x128xf32, #tpu.memory_space<vmem>>, vector<16xf32>,
        tpu.vector_store %arg7[%swap3A_937, %swap3A_938, %swap3A_939, %swap3A_940, %swap3A_941], %mul3A_933 {strides = array<i32>} : memref<2x4x4x8x128xf32, #tpu.memory_space<vmem>>, vector<16xf32>,
        %mul3A_943 = arith.mulf %gather3A_596, %min3A_753 : vector<16xf32>
        %swap3A_944 = arith.constant 0 : i32
        %swap3A_945 = arith.constant 2 : i32
        %swap3A_946 = arith.constant 3 : i32
        %swap3A_947 = arith.index_cast %swap3A_944 : i32 to index
        %swap3A_948 = arith.index_cast %swap3A_945 : i32 to index
        %swap3A_949 = arith.index_cast %select_n3A_380 : i32 to index
        %swap3A_950 = arith.index_cast %swap3A_946 : i32 to index
        %swap3A_951 = arith.index_cast %mul3A_398 : i32 to index
        %swap3A_952 = tpu.vector_load %arg7[%swap3A_947, %swap3A_948, %swap3A_949, %swap3A_950, %swap3A_951] {strides = array<i32>} : memref<2x4x4x8x128xf32, #tpu.memory_space<vmem>>, vector<16xf32>,
        tpu.vector_store %arg7[%swap3A_947, %swap3A_948, %swap3A_949, %swap3A_950, %swap3A_951], %mul3A_943 {strides = array<i32>} : memref<2x4x4x8x128xf32, #tpu.memory_space<vmem>>, vector<16xf32>,
        %mul3A_953 = arith.mulf %gather3A_606, %min3A_753 : vector<16xf32>
        %swap3A_954 = arith.constant 0 : i32
        %swap3A_955 = arith.constant 2 : i32
        %swap3A_956 = arith.constant 4 : i32
        %swap3A_957 = arith.index_cast %swap3A_954 : i32 to index
        %swap3A_958 = arith.index_cast %swap3A_955 : i32 to index
        %swap3A_959 = arith.index_cast %select_n3A_380 : i32 to index
        %swap3A_960 = arith.index_cast %swap3A_956 : i32 to index
        %swap3A_961 = arith.index_cast %mul3A_398 : i32 to index
        %swap3A_962 = tpu.vector_load %arg7[%swap3A_957, %swap3A_958, %swap3A_959, %swap3A_960, %swap3A_961] {strides = array<i32>} : memref<2x4x4x8x128xf32, #tpu.memory_space<vmem>>, vector<16xf32>,
        tpu.vector_store %arg7[%swap3A_957, %swap3A_958, %swap3A_959, %swap3A_960, %swap3A_961], %mul3A_953 {strides = array<i32>} : memref<2x4x4x8x128xf32, #tpu.memory_space<vmem>>, vector<16xf32>,
        %mul3A_963 = arith.mulf %gather3A_616, %min3A_753 : vector<16xf32>
        %swap3A_964 = arith.constant 0 : i32
        %swap3A_965 = arith.constant 2 : i32
        %swap3A_966 = arith.constant 5 : i32
        %swap3A_967 = arith.index_cast %swap3A_964 : i32 to index
        %swap3A_968 = arith.index_cast %swap3A_965 : i32 to index
        %swap3A_969 = arith.index_cast %select_n3A_380 : i32 to index
        %swap3A_970 = arith.index_cast %swap3A_966 : i32 to index
        %swap3A_971 = arith.index_cast %mul3A_398 : i32 to index
        %swap3A_972 = tpu.vector_load %arg7[%swap3A_967, %swap3A_968, %swap3A_969, %swap3A_970, %swap3A_971] {strides = array<i32>} : memref<2x4x4x8x128xf32, #tpu.memory_space<vmem>>, vector<16xf32>,
        tpu.vector_store %arg7[%swap3A_967, %swap3A_968, %swap3A_969, %swap3A_970, %swap3A_971], %mul3A_963 {strides = array<i32>} : memref<2x4x4x8x128xf32, #tpu.memory_space<vmem>>, vector<16xf32>,
        %mul3A_973 = arith.mulf %gather3A_626, %min3A_753 : vector<16xf32>
        %swap3A_974 = arith.constant 0 : i32
        %swap3A_975 = arith.constant 2 : i32
        %swap3A_976 = arith.constant 6 : i32
        %swap3A_977 = arith.index_cast %swap3A_974 : i32 to index
        %swap3A_978 = arith.index_cast %swap3A_975 : i32 to index
        %swap3A_979 = arith.index_cast %select_n3A_380 : i32 to index
        %swap3A_980 = arith.index_cast %swap3A_976 : i32 to index
        %swap3A_981 = arith.index_cast %mul3A_398 : i32 to index
        %swap3A_982 = tpu.vector_load %arg7[%swap3A_977, %swap3A_978, %swap3A_979, %swap3A_980, %swap3A_981] {strides = array<i32>} : memref<2x4x4x8x128xf32, #tpu.memory_space<vmem>>, vector<16xf32>,
        tpu.vector_store %arg7[%swap3A_977, %swap3A_978, %swap3A_979, %swap3A_980, %swap3A_981], %mul3A_973 {strides = array<i32>} : memref<2x4x4x8x128xf32, #tpu.memory_space<vmem>>, vector<16xf32>,
        %mul3A_983 = arith.mulf %gather3A_636, %min3A_753 : vector<16xf32>
        %swap3A_984 = arith.constant 0 : i32
        %swap3A_985 = arith.constant 2 : i32
        %swap3A_986 = arith.constant 7 : i32
        %swap3A_987 = arith.index_cast %swap3A_984 : i32 to index
        %swap3A_988 = arith.index_cast %swap3A_985 : i32 to index
        %swap3A_989 = arith.index_cast %select_n3A_380 : i32 to index
        %swap3A_990 = arith.index_cast %swap3A_986 : i32 to index
        %swap3A_991 = arith.index_cast %mul3A_398 : i32 to index
        %swap3A_992 = tpu.vector_load %arg7[%swap3A_987, %swap3A_988, %swap3A_989, %swap3A_990, %swap3A_991] {strides = array<i32>} : memref<2x4x4x8x128xf32, #tpu.memory_space<vmem>>, vector<16xf32>,
        tpu.vector_store %arg7[%swap3A_987, %swap3A_988, %swap3A_989, %swap3A_990, %swap3A_991], %mul3A_983 {strides = array<i32>} : memref<2x4x4x8x128xf32, #tpu.memory_space<vmem>>, vector<16xf32>,
        %mul3A_993 = arith.mulf %gather3A_646, %min3A_753 : vector<16xf32>
        %swap3A_994 = arith.constant 0 : i32
        %swap3A_995 = arith.constant 3 : i32
        %swap3A_996 = arith.constant 0 : i32
        %swap3A_997 = arith.index_cast %swap3A_994 : i32 to index
        %swap3A_998 = arith.index_cast %swap3A_995 : i32 to index
        %swap3A_999 = arith.index_cast %select_n3A_380 : i32 to index
        %swap3A_1000 = arith.index_cast %swap3A_996 : i32 to index
        %swap3A_1001 = arith.index_cast %mul3A_398 : i32 to index
        %swap3A_1002 = tpu.vector_load %arg7[%swap3A_997, %swap3A_998, %swap3A_999, %swap3A_1000, %swap3A_1001] {strides = array<i32>} : memref<2x4x4x8x128xf32, #tpu.memory_space<vmem>>, vector<16xf32>,
        tpu.vector_store %arg7[%swap3A_997, %swap3A_998, %swap3A_999, %swap3A_1000, %swap3A_1001], %mul3A_993 {strides = array<i32>} : memref<2x4x4x8x128xf32, #tpu.memory_space<vmem>>, vector<16xf32>,
        %mul3A_1003 = arith.mulf %gather3A_656, %min3A_753 : vector<16xf32>
        %swap3A_1004 = arith.constant 0 : i32
        %swap3A_1005 = arith.constant 3 : i32
        %swap3A_1006 = arith.constant 1 : i32
        %swap3A_1007 = arith.index_cast %swap3A_1004 : i32 to index
        %swap3A_1008 = arith.index_cast %swap3A_1005 : i32 to index
        %swap3A_1009 = arith.index_cast %select_n3A_380 : i32 to index
        %swap3A_1010 = arith.index_cast %swap3A_1006 : i32 to index
        %swap3A_1011 = arith.index_cast %mul3A_398 : i32 to index
        %swap3A_1012 = tpu.vector_load %arg7[%swap3A_1007, %swap3A_1008, %swap3A_1009, %swap3A_1010, %swap3A_1011] {strides = array<i32>} : memref<2x4x4x8x128xf32, #tpu.memory_space<vmem>>, vector<16xf32>,
        tpu.vector_store %arg7[%swap3A_1007, %swap3A_1008, %swap3A_1009, %swap3A_1010, %swap3A_1011], %mul3A_1003 {strides = array<i32>} : memref<2x4x4x8x128xf32, #tpu.memory_space<vmem>>, vector<16xf32>,
        %mul3A_1013 = arith.mulf %gather3A_666, %min3A_753 : vector<16xf32>
        %swap3A_1014 = arith.constant 0 : i32
        %swap3A_1015 = arith.constant 3 : i32
        %swap3A_1016 = arith.constant 2 : i32
        %swap3A_1017 = arith.index_cast %swap3A_1014 : i32 to index
        %swap3A_1018 = arith.index_cast %swap3A_1015 : i32 to index
        %swap3A_1019 = arith.index_cast %select_n3A_380 : i32 to index
        %swap3A_1020 = arith.index_cast %swap3A_1016 : i32 to index
        %swap3A_1021 = arith.index_cast %mul3A_398 : i32 to index
        %swap3A_1022 = tpu.vector_load %arg7[%swap3A_1017, %swap3A_1018, %swap3A_1019, %swap3A_1020, %swap3A_1021] {strides = array<i32>} : memref<2x4x4x8x128xf32, #tpu.memory_space<vmem>>, vector<16xf32>,
        tpu.vector_store %arg7[%swap3A_1017, %swap3A_1018, %swap3A_1019, %swap3A_1020, %swap3A_1021], %mul3A_1013 {strides = array<i32>} : memref<2x4x4x8x128xf32, #tpu.memory_space<vmem>>, vector<16xf32>,
        %mul3A_1023 = arith.mulf %gather3A_676, %min3A_753 : vector<16xf32>
        %swap3A_1024 = arith.constant 0 : i32
        %swap3A_1025 = arith.constant 3 : i32
        %swap3A_1026 = arith.constant 3 : i32
        %swap3A_1027 = arith.index_cast %swap3A_1024 : i32 to index
        %swap3A_1028 = arith.index_cast %swap3A_1025 : i32 to index
        %swap3A_1029 = arith.index_cast %select_n3A_380 : i32 to index
        %swap3A_1030 = arith.index_cast %swap3A_1026 : i32 to index
        %swap3A_1031 = arith.index_cast %mul3A_398 : i32 to index
        %swap3A_1032 = tpu.vector_load %arg7[%swap3A_1027, %swap3A_1028, %swap3A_1029, %swap3A_1030, %swap3A_1031] {strides = array<i32>} : memref<2x4x4x8x128xf32, #tpu.memory_space<vmem>>, vector<16xf32>,
        tpu.vector_store %arg7[%swap3A_1027, %swap3A_1028, %swap3A_1029, %swap3A_1030, %swap3A_1031], %mul3A_1023 {strides = array<i32>} : memref<2x4x4x8x128xf32, #tpu.memory_space<vmem>>, vector<16xf32>,
        %mul3A_1033 = arith.mulf %gather3A_686, %min3A_753 : vector<16xf32>
        %swap3A_1034 = arith.constant 0 : i32
        %swap3A_1035 = arith.constant 3 : i32
        %swap3A_1036 = arith.constant 4 : i32
        %swap3A_1037 = arith.index_cast %swap3A_1034 : i32 to index
        %swap3A_1038 = arith.index_cast %swap3A_1035 : i32 to index
        %swap3A_1039 = arith.index_cast %select_n3A_380 : i32 to index
        %swap3A_1040 = arith.index_cast %swap3A_1036 : i32 to index
        %swap3A_1041 = arith.index_cast %mul3A_398 : i32 to index
        %swap3A_1042 = tpu.vector_load %arg7[%swap3A_1037, %swap3A_1038, %swap3A_1039, %swap3A_1040, %swap3A_1041] {strides = array<i32>} : memref<2x4x4x8x128xf32, #tpu.memory_space<vmem>>, vector<16xf32>,
        tpu.vector_store %arg7[%swap3A_1037, %swap3A_1038, %swap3A_1039, %swap3A_1040, %swap3A_1041], %mul3A_1033 {strides = array<i32>} : memref<2x4x4x8x128xf32, #tpu.memory_space<vmem>>, vector<16xf32>,
        %mul3A_1043 = arith.mulf %gather3A_696, %min3A_753 : vector<16xf32>
        %swap3A_1044 = arith.constant 0 : i32
        %swap3A_1045 = arith.constant 3 : i32
        %swap3A_1046 = arith.constant 5 : i32
        %swap3A_1047 = arith.index_cast %swap3A_1044 : i32 to index
        %swap3A_1048 = arith.index_cast %swap3A_1045 : i32 to index
        %swap3A_1049 = arith.index_cast %select_n3A_380 : i32 to index
        %swap3A_1050 = arith.index_cast %swap3A_1046 : i32 to index
        %swap3A_1051 = arith.index_cast %mul3A_398 : i32 to index
        %swap3A_1052 = tpu.vector_load %arg7[%swap3A_1047, %swap3A_1048, %swap3A_1049, %swap3A_1050, %swap3A_1051] {strides = array<i32>} : memref<2x4x4x8x128xf32, #tpu.memory_space<vmem>>, vector<16xf32>,
        tpu.vector_store %arg7[%swap3A_1047, %swap3A_1048, %swap3A_1049, %swap3A_1050, %swap3A_1051], %mul3A_1043 {strides = array<i32>} : memref<2x4x4x8x128xf32, #tpu.memory_space<vmem>>, vector<16xf32>,
        %mul3A_1053 = arith.mulf %gather3A_706, %min3A_753 : vector<16xf32>
        %swap3A_1054 = arith.constant 0 : i32
        %swap3A_1055 = arith.constant 3 : i32
        %swap3A_1056 = arith.constant 6 : i32
        %swap3A_1057 = arith.index_cast %swap3A_1054 : i32 to index
        %swap3A_1058 = arith.index_cast %swap3A_1055 : i32 to index
        %swap3A_1059 = arith.index_cast %select_n3A_380 : i32 to index
        %swap3A_1060 = arith.index_cast %swap3A_1056 : i32 to index
        %swap3A_1061 = arith.index_cast %mul3A_398 : i32 to index
        %swap3A_1062 = tpu.vector_load %arg7[%swap3A_1057, %swap3A_1058, %swap3A_1059, %swap3A_1060, %swap3A_1061] {strides = array<i32>} : memref<2x4x4x8x128xf32, #tpu.memory_space<vmem>>, vector<16xf32>,
        tpu.vector_store %arg7[%swap3A_1057, %swap3A_1058, %swap3A_1059, %swap3A_1060, %swap3A_1061], %mul3A_1053 {strides = array<i32>} : memref<2x4x4x8x128xf32, #tpu.memory_space<vmem>>, vector<16xf32>,
        %mul3A_1063 = arith.mulf %gather3A_716, %min3A_753 : vector<16xf32>
        %swap3A_1064 = arith.constant 0 : i32
        %swap3A_1065 = arith.constant 3 : i32
        %swap3A_1066 = arith.constant 7 : i32
        %swap3A_1067 = arith.index_cast %swap3A_1064 : i32 to index
        %swap3A_1068 = arith.index_cast %swap3A_1065 : i32 to index
        %swap3A_1069 = arith.index_cast %select_n3A_380 : i32 to index
        %swap3A_1070 = arith.index_cast %swap3A_1066 : i32 to index
        %swap3A_1071 = arith.index_cast %mul3A_398 : i32 to index
        %swap3A_1072 = tpu.vector_load %arg7[%swap3A_1067, %swap3A_1068, %swap3A_1069, %swap3A_1070, %swap3A_1071] {strides = array<i32>} : memref<2x4x4x8x128xf32, #tpu.memory_space<vmem>>, vector<16xf32>,
        tpu.vector_store %arg7[%swap3A_1067, %swap3A_1068, %swap3A_1069, %swap3A_1070, %swap3A_1071], %mul3A_1063 {strides = array<i32>} : memref<2x4x4x8x128xf32, #tpu.memory_space<vmem>>, vector<16xf32>,
      }
      %scan3A_180 = arith.constant 32 : i32
      %add3A_181 = arith.addi %mul3A_2, %add3A_160 : i32
      %jit3A_182 = arith.constant 8 : i32
      %div3A_183 = arith.divsi %add3A_181, %jit3A_182 : i32
      %sign3A_184 = arith.constant 0 : i32
      %sign3A_185 = arith.cmpi sgt, %add3A_181, %sign3A_184 : i32
      %sign3A_186 = arith.extui %sign3A_185 : i1 to i32
      %sign3A_187 = arith.constant 0 : i32
      %sign3A_188 = arith.cmpi slt, %add3A_181, %sign3A_187 : i32
      %sign3A_189 = arith.extui %sign3A_188 : i1 to i32
      %sign3A_190 = arith.subi %sign3A_186, %sign3A_189 : i32
      %sign3A_191 = arith.constant 0 : i32
      %sign3A_192 = arith.cmpi sgt, %jit3A_182, %sign3A_191 : i32
      %sign3A_193 = arith.extui %sign3A_192 : i1 to i32
      %sign3A_194 = arith.constant 0 : i32
      %sign3A_195 = arith.cmpi slt, %jit3A_182, %sign3A_194 : i32
      %sign3A_196 = arith.extui %sign3A_195 : i1 to i32
      %sign3A_197 = arith.subi %sign3A_193, %sign3A_196 : i32
      %ne3A_198 = arith.cmpi ne, %sign3A_190, %sign3A_197 : i32
      %rem3A_199 = arith.remsi %add3A_181, %jit3A_182 : i32
      %ne3A_200 = arith.constant 0 : i32
      %ne3A_201 = arith.cmpi ne, %rem3A_199, %ne3A_200 : i32
      %and3A_202 = arith.andi %ne3A_198, %ne3A_201 : i1
      %sub3A_203 = arith.constant 1 : i32
      %sub3A_204 = arith.subi %div3A_183, %sub3A_203 : i32
      %select_n3A_205 = arith.select %and3A_202, %sub3A_204, %div3A_183 : i32
      %jit3A_206 = arith.constant 8 : i32
      %eq3A_207 = arith.constant 0 : i32
      %eq3A_208 = arith.cmpi eq, %jit3A_206, %eq3A_207 : i32
      %jit3A_209 = arith.constant 1 : i32
      %select_n3A_210 = arith.select %eq3A_208, %jit3A_209, %jit3A_206 : i32
      %rem3A_211 = arith.remsi %add3A_181, %select_n3A_210 : i32
      %ne3A_212 = arith.constant 0 : i32
      %ne3A_213 = arith.cmpi ne, %rem3A_211, %ne3A_212 : i32
      %lt3A_214 = arith.constant 0 : i32
      %lt3A_215 = arith.cmpi slt, %rem3A_211, %lt3A_214 : i32
      %lt3A_216 = arith.constant 0 : i32
      %lt3A_217 = arith.cmpi slt, %select_n3A_210, %lt3A_216 : i32
      %ne3A_218 = arith.xori %lt3A_215, %lt3A_217 : i1
      %and3A_219 = arith.andi %ne3A_218, %ne3A_213 : i1
      %add3A_220 = arith.addi %rem3A_211, %select_n3A_210 : i32
      %select_n3A_221 = arith.select %and3A_219, %add3A_220, %rem3A_211 : i32
      %mul3A_222 = arith.constant 4 : i32
      %mul3A_223 = arith.muli %select_n3A_221, %mul3A_222 : i32
      %multiple_of3A_224 = tpu.assume_multiple %mul3A_223, 4 : i32
      %dma_start3A_225 = arith.constant 0 : i32
      %dma_start3A_226 = arith.constant 0 : i32
      %dma_start3A_227 = arith.constant 0 : i32
      %dma_start3A_228 = arith.constant 0 : i32
      %dma_start3A_229 = arith.constant 0 : i32
      %dma_start3A_230 = tpu.memref_slice %arg7[%dma_start3A_225, %dma_start3A_226, %dma_start3A_227, %dma_start3A_228, %dma_start3A_229] : memref<2x4x4x8x128xf32, #tpu.memory_space<vmem>> -> memref<1x4x4x8x128xf32, #tpu.memory_space<vmem>>
      %dma_start3A_231 = tpu.memref_squeeze %dma_start3A_230 : memref<1x4x4x8x128xf32, #tpu.memory_space<vmem>> -> memref<4x4x8x128xf32, #tpu.memory_space<vmem>>
      %dma_start3A_232 = arith.constant 0 : i32
      %dma_start3A_233 = arith.constant 0 : i32
      %dma_start3A_234 = arith.constant 0 : i32
      %dma_start3A_235 = tpu.memref_slice %arg4[%select_n3A_205, %dma_start3A_232, %multiple_of3A_224, %dma_start3A_233, %dma_start3A_234] : memref<200x4x32x8x128xf32, #tpu.memory_space<hbm>> -> memref<1x4x4x8x128xf32, #tpu.memory_space<hbm>>
      %dma_start3A_236 = tpu.memref_squeeze %dma_start3A_235 : memref<1x4x4x8x128xf32, #tpu.memory_space<hbm>> -> memref<4x4x8x128xf32, #tpu.memory_space<hbm>>
      %dma_start3A_237 = arith.constant 0 : i32
      %dma_start3A_238 = arith.constant 0 : i32
      %dma_start3A_239 = arith.constant 0 : i32
      %dma_start3A_240 = tpu.memref_slice %arg4[%select_n3A_205, %dma_start3A_237, %multiple_of3A_224, %dma_start3A_238, %dma_start3A_239] : memref<200x4x32x8x128xf32, #tpu.memory_space<hbm>> -> memref<1x4x4x8x128xf32, #tpu.memory_space<hbm>>
      %dma_start3A_241 = tpu.memref_squeeze %dma_start3A_240 : memref<1x4x4x8x128xf32, #tpu.memory_space<hbm>> -> memref<4x4x8x128xf32, #tpu.memory_space<hbm>>
      %dma_start3A_242 = arith.constant 0 : i32
      %dma_start3A_243 = arith.constant 0 : i32
      %dma_start3A_244 = arith.constant 0 : i32
      %dma_start3A_245 = arith.constant 0 : i32
      %dma_start3A_246 = tpu.memref_slice %arg7[%dma_start3A_225, %dma_start3A_242, %dma_start3A_243, %dma_start3A_244, %dma_start3A_245] : memref<2x4x4x8x128xf32, #tpu.memory_space<vmem>> -> memref<1x4x4x8x128xf32, #tpu.memory_space<vmem>>
      %dma_start3A_247 = tpu.memref_squeeze %dma_start3A_246 : memref<1x4x4x8x128xf32, #tpu.memory_space<vmem>> -> memref<4x4x8x128xf32, #tpu.memory_space<vmem>>
      tpu.enqueue_dma source(%dma_start3A_247 : memref<4x4x8x128xf32, #tpu.memory_space<vmem>>) target(%dma_start3A_241 : memref<4x4x8x128xf32, #tpu.memory_space<hbm>>) target_semaphore(%arg10 : memref<!tpu.dma_semaphore, #tpu.memory_space<semaphore_mem>>)
      %lt3A_248 = arith.constant 24 : i32
      %lt3A_249 = arith.cmpi slt, %scan3A_156, %lt3A_248 : i32
      %convert_element_type3A_250 = arith.extui %lt3A_249 : i1 to i32
      %cond3A_251 = arith.constant 0 : i32
      %cond3A_252 = arith.cmpi ne, %convert_element_type3A_250, %cond3A_251 : i32
      scf.if %cond3A_252 {
        %add3A_352 = arith.constant 2 : i32
        %add3A_353 = arith.addi %add3A_160, %add3A_352 : i32
        %mul3A_354 = arith.constant 512 : i32
        %mul3A_355 = arith.muli %add3A_353, %mul3A_354 : i32
        %multiple_of3A_356 = tpu.assume_multiple %mul3A_355, 8 : i32
        %dma_start3A_357 = arith.constant 0 : i32
        %dma_start3A_358 = arith.constant 0 : i32
        %dma_start3A_359 = arith.constant 0 : i32
        %dma_start3A_360 = tpu.memref_slice %arg6[%dma_start3A_357, %dma_start3A_358, %dma_start3A_359] : memref<2x512x32xf32, #tpu.memory_space<vmem>> -> memref<1x512x32xf32, #tpu.memory_space<vmem>>
        %dma_start3A_361 = tpu.memref_squeeze %dma_start3A_360 : memref<1x512x32xf32, #tpu.memory_space<vmem>> -> memref<512x32xf32, #tpu.memory_space<vmem>>
        %dma_start3A_362 = tpu.memref_slice %arg5[%multiple_of3A_356] : memref<25600xi32, #tpu.memory_space<vmem>> -> memref<512xi32, #tpu.memory_space<vmem>>
        %dma_start3A_363 = arith.constant 0 : i32
        %dma_start3A_364 = arith.constant 0 : i32
        %dma_start3A_365 = tpu.memref_slice %arg3[%dma_start3A_363, %dma_start3A_364] : memref<1000000x32xf32, #tpu.memory_space<hbm>> -> memref<1000000x32xf32, #tpu.memory_space<hbm>>
        tpu.enqueue_indirect_dma source(%dma_start3A_365 : memref<1000000x32xf32, #tpu.memory_space<hbm>>) target(%dma_start3A_361 : memref<512x32xf32, #tpu.memory_space<vmem>>) offsets(%dma_start3A_362 : memref<512xi32, #tpu.memory_space<vmem>>) semaphore(%arg8 : memref<!tpu.dma_semaphore, #tpu.memory_space<semaphore_mem>>)
      } else {
      }
      %mul3A_253 = arith.constant 2 : i32
      %mul3A_254 = arith.muli %scan3A_156, %mul3A_253 : i32
      %add3A_255 = arith.constant 1 : i32
      %add3A_256 = arith.addi %mul3A_254, %add3A_255 : i32
      %mul3A_257 = arith.constant 512 : i32
      %mul3A_258 = arith.muli %add3A_256, %mul3A_257 : i32
      %multiple_of3A_259 = tpu.assume_multiple %mul3A_258, 8 : i32
      %dma_wait3A_260 = arith.constant 1 : i32
      %dma_wait3A_261 = arith.constant 0 : i32
      %dma_wait3A_262 = arith.constant 0 : i32
      %dma_wait3A_263 = tpu.memref_slice %arg6[%dma_wait3A_260, %dma_wait3A_261, %dma_wait3A_262] : memref<2x512x32xf32, #tpu.memory_space<vmem>> -> memref<1x512x32xf32, #tpu.memory_space<vmem>>
      %dma_wait3A_264 = tpu.memref_squeeze %dma_wait3A_263 : memref<1x512x32xf32, #tpu.memory_space<vmem>> -> memref<512x32xf32, #tpu.memory_space<vmem>>
      %dma_wait3A_265 = tpu.memref_slice %arg5[%multiple_of3A_259] : memref<25600xi32, #tpu.memory_space<vmem>> -> memref<512xi32, #tpu.memory_space<vmem>>
      %dma_wait3A_266 = arith.constant 0 : i32
      %dma_wait3A_267 = arith.constant 0 : i32
      %dma_wait3A_268 = tpu.memref_slice %arg3[%dma_wait3A_266, %dma_wait3A_267] : memref<1000000x32xf32, #tpu.memory_space<hbm>> -> memref<1000000x32xf32, #tpu.memory_space<hbm>>
      tpu.wait_indirect_dma semaphore(%arg9 : memref<!tpu.dma_semaphore, #tpu.memory_space<semaphore_mem>>) src(%dma_wait3A_268 : memref<1000000x32xf32, #tpu.memory_space<hbm>>) dst(%dma_wait3A_264 : memref<512x32xf32, #tpu.memory_space<vmem>>)
      %ge3A_269 = arith.constant 1 : i32
      %ge3A_270 = arith.cmpi sge, %scan3A_156, %ge3A_269 : i32
      %convert_element_type3A_271 = arith.extui %ge3A_270 : i1 to i32
      %cond3A_272 = arith.constant 0 : i32
      %cond3A_273 = arith.cmpi ne, %convert_element_type3A_271, %cond3A_272 : i32
      scf.if %cond3A_273 {
        %add3A_352 = arith.addi %mul3A_2, %add3A_256 : i32
        %jit3A_353 = arith.constant 8 : i32
        %div3A_354 = arith.divsi %add3A_352, %jit3A_353 : i32
        %sign3A_355 = arith.constant 0 : i32
        %sign3A_356 = arith.cmpi sgt, %add3A_352, %sign3A_355 : i32
        %sign3A_357 = arith.extui %sign3A_356 : i1 to i32
        %sign3A_358 = arith.constant 0 : i32
        %sign3A_359 = arith.cmpi slt, %add3A_352, %sign3A_358 : i32
        %sign3A_360 = arith.extui %sign3A_359 : i1 to i32
        %sign3A_361 = arith.subi %sign3A_357, %sign3A_360 : i32
        %sign3A_362 = arith.constant 0 : i32
        %sign3A_363 = arith.cmpi sgt, %jit3A_353, %sign3A_362 : i32
        %sign3A_364 = arith.extui %sign3A_363 : i1 to i32
        %sign3A_365 = arith.constant 0 : i32
        %sign3A_366 = arith.cmpi slt, %jit3A_353, %sign3A_365 : i32
        %sign3A_367 = arith.extui %sign3A_366 : i1 to i32
        %sign3A_368 = arith.subi %sign3A_364, %sign3A_367 : i32
        %ne3A_369 = arith.cmpi ne, %sign3A_361, %sign3A_368 : i32
        %rem3A_370 = arith.remsi %add3A_352, %jit3A_353 : i32
        %ne3A_371 = arith.constant 0 : i32
        %ne3A_372 = arith.cmpi ne, %rem3A_370, %ne3A_371 : i32
        %and3A_373 = arith.andi %ne3A_369, %ne3A_372 : i1
        %sub3A_374 = arith.constant 1 : i32
        %sub3A_375 = arith.subi %div3A_354, %sub3A_374 : i32
        %select_n3A_376 = arith.select %and3A_373, %sub3A_375, %div3A_354 : i32
        %jit3A_377 = arith.constant 8 : i32
        %eq3A_378 = arith.constant 0 : i32
        %eq3A_379 = arith.cmpi eq, %jit3A_377, %eq3A_378 : i32
        %jit3A_380 = arith.constant 1 : i32
        %select_n3A_381 = arith.select %eq3A_379, %jit3A_380, %jit3A_377 : i32
        %rem3A_382 = arith.remsi %add3A_352, %select_n3A_381 : i32
        %ne3A_383 = arith.constant 0 : i32
        %ne3A_384 = arith.cmpi ne, %rem3A_382, %ne3A_383 : i32
        %lt3A_385 = arith.constant 0 : i32
        %lt3A_386 = arith.cmpi slt, %rem3A_382, %lt3A_385 : i32
        %lt3A_387 = arith.constant 0 : i32
        %lt3A_388 = arith.cmpi slt, %select_n3A_381, %lt3A_387 : i32
        %ne3A_389 = arith.xori %lt3A_386, %lt3A_388 : i1
        %and3A_390 = arith.andi %ne3A_389, %ne3A_384 : i1
        %add3A_391 = arith.addi %rem3A_382, %select_n3A_381 : i32
        %select_n3A_392 = arith.select %and3A_390, %add3A_391, %rem3A_382 : i32
        %mul3A_393 = arith.constant 4 : i32
        %mul3A_394 = arith.muli %select_n3A_392, %mul3A_393 : i32
        %multiple_of3A_395 = tpu.assume_multiple %mul3A_394, 4 : i32
        %dma_wait3A_396 = arith.constant 1 : i32
        %dma_wait3A_397 = arith.constant 0 : i32
        %dma_wait3A_398 = arith.constant 0 : i32
        %dma_wait3A_399 = arith.constant 0 : i32
        %dma_wait3A_400 = arith.constant 0 : i32
        %dma_wait3A_401 = tpu.memref_slice %arg7[%dma_wait3A_396, %dma_wait3A_397, %dma_wait3A_398, %dma_wait3A_399, %dma_wait3A_400] : memref<2x4x4x8x128xf32, #tpu.memory_space<vmem>> -> memref<1x4x4x8x128xf32, #tpu.memory_space<vmem>>
        %dma_wait3A_402 = tpu.memref_squeeze %dma_wait3A_401 : memref<1x4x4x8x128xf32, #tpu.memory_space<vmem>> -> memref<4x4x8x128xf32, #tpu.memory_space<vmem>>
        %dma_wait3A_403 = arith.constant 0 : i32
        %dma_wait3A_404 = arith.constant 0 : i32
        %dma_wait3A_405 = arith.constant 0 : i32
        %dma_wait3A_406 = tpu.memref_slice %arg4[%select_n3A_376, %dma_wait3A_403, %multiple_of3A_395, %dma_wait3A_404, %dma_wait3A_405] : memref<200x4x32x8x128xf32, #tpu.memory_space<hbm>> -> memref<1x4x4x8x128xf32, #tpu.memory_space<hbm>>
        %dma_wait3A_407 = tpu.memref_squeeze %dma_wait3A_406 : memref<1x4x4x8x128xf32, #tpu.memory_space<hbm>> -> memref<4x4x8x128xf32, #tpu.memory_space<hbm>>
        %dma_wait3A_408 = arith.constant 0 : i32
        %dma_wait3A_409 = arith.constant 0 : i32
        %dma_wait3A_410 = arith.constant 0 : i32
        %dma_wait3A_411 = tpu.memref_slice %arg4[%select_n3A_376, %dma_wait3A_408, %multiple_of3A_395, %dma_wait3A_409, %dma_wait3A_410] : memref<200x4x32x8x128xf32, #tpu.memory_space<hbm>> -> memref<1x4x4x8x128xf32, #tpu.memory_space<hbm>>
        %dma_wait3A_412 = tpu.memref_squeeze %dma_wait3A_411 : memref<1x4x4x8x128xf32, #tpu.memory_space<hbm>> -> memref<4x4x8x128xf32, #tpu.memory_space<hbm>>
        %dma_wait3A_413 = arith.constant 0 : i32
        %dma_wait3A_414 = arith.constant 0 : i32
        %dma_wait3A_415 = arith.constant 0 : i32
        %dma_wait3A_416 = arith.constant 0 : i32
        %dma_wait3A_417 = tpu.memref_slice %arg7[%dma_wait3A_396, %dma_wait3A_413, %dma_wait3A_414, %dma_wait3A_415, %dma_wait3A_416] : memref<2x4x4x8x128xf32, #tpu.memory_space<vmem>> -> memref<1x4x4x8x128xf32, #tpu.memory_space<vmem>>
        %dma_wait3A_418 = tpu.memref_squeeze %dma_wait3A_417 : memref<1x4x4x8x128xf32, #tpu.memory_space<vmem>> -> memref<4x4x8x128xf32, #tpu.memory_space<vmem>>
        tpu.wait_dma2 semaphore(%arg11 : memref<!tpu.dma_semaphore, #tpu.memory_space<semaphore_mem>>) src(%dma_wait3A_418 : memref<4x4x8x128xf32, #tpu.memory_space<vmem>>) dst(%dma_wait3A_412 : memref<4x4x8x128xf32, #tpu.memory_space<hbm>>)
      } else {
      }
      %scan3A_274 = arith.constant 0 : i32
      %scan3A_275 = arith.constant 0 : i32
      %scan3A_276 = arith.constant 32 : i32
      %scan3A_277 = arith.addi %scan3A_275, %scan3A_276 : i32
      %scan3A_278 = arith.constant 1 : i32
      scf.for %scan3A_352 = %scan3A_275 to %scan3A_277 step %scan3A_278  : i32 {
        %mul3A_353 = arith.constant 16 : i32
        %mul3A_354 = arith.muli %scan3A_352, %mul3A_353 : i32
        %add3A_355 = vector.broadcast %mul3A_354 : i32 to vector<16xi32>
        %add3A_356 = arith.addi %add3A_355, %iota3A : vector<16xi32>
        %jit3A_357 = arith.constant 8 : i32
        %div3A_358 = arith.divsi %scan3A_352, %jit3A_357 : i32
        %sign3A_359 = arith.constant 0 : i32
        %sign3A_360 = arith.cmpi sgt, %scan3A_352, %sign3A_359 : i32
        %sign3A_361 = arith.extui %sign3A_360 : i1 to i32
        %sign3A_362 = arith.constant 0 : i32
        %sign3A_363 = arith.cmpi slt, %scan3A_352, %sign3A_362 : i32
        %sign3A_364 = arith.extui %sign3A_363 : i1 to i32
        %sign3A_365 = arith.subi %sign3A_361, %sign3A_364 : i32
        %sign3A_366 = arith.constant 0 : i32
        %sign3A_367 = arith.cmpi sgt, %jit3A_357, %sign3A_366 : i32
        %sign3A_368 = arith.extui %sign3A_367 : i1 to i32
        %sign3A_369 = arith.constant 0 : i32
        %sign3A_370 = arith.cmpi slt, %jit3A_357, %sign3A_369 : i32
        %sign3A_371 = arith.extui %sign3A_370 : i1 to i32
        %sign3A_372 = arith.subi %sign3A_368, %sign3A_371 : i32
        %ne3A_373 = arith.cmpi ne, %sign3A_365, %sign3A_372 : i32
        %rem3A_374 = arith.remsi %scan3A_352, %jit3A_357 : i32
        %ne3A_375 = arith.constant 0 : i32
        %ne3A_376 = arith.cmpi ne, %rem3A_374, %ne3A_375 : i32
        %and3A_377 = arith.andi %ne3A_373, %ne3A_376 : i1
        %sub3A_378 = arith.constant 1 : i32
        %sub3A_379 = arith.subi %div3A_358, %sub3A_378 : i32
        %select_n3A_380 = arith.select %and3A_377, %sub3A_379, %div3A_358 : i32
        %jit3A_381 = arith.constant 8 : i32
        %eq3A_382 = arith.constant 0 : i32
        %eq3A_383 = arith.cmpi eq, %jit3A_381, %eq3A_382 : i32
        %jit3A_384 = arith.constant 1 : i32
        %select_n3A_385 = arith.select %eq3A_383, %jit3A_384, %jit3A_381 : i32
        %rem3A_386 = arith.remsi %scan3A_352, %select_n3A_385 : i32
        %ne3A_387 = arith.constant 0 : i32
        %ne3A_388 = arith.cmpi ne, %rem3A_386, %ne3A_387 : i32
        %lt3A_389 = arith.constant 0 : i32
        %lt3A_390 = arith.cmpi slt, %rem3A_386, %lt3A_389 : i32
        %lt3A_391 = arith.constant 0 : i32
        %lt3A_392 = arith.cmpi slt, %select_n3A_385, %lt3A_391 : i32
        %ne3A_393 = arith.xori %lt3A_390, %lt3A_392 : i1
        %and3A_394 = arith.andi %ne3A_393, %ne3A_388 : i1
        %add3A_395 = arith.addi %rem3A_386, %select_n3A_385 : i32
        %select_n3A_396 = arith.select %and3A_394, %add3A_395, %rem3A_386 : i32
        %mul3A_397 = arith.constant 16 : i32
        %mul3A_398 = arith.muli %select_n3A_396, %mul3A_397 : i32
        %broadcast_in_dim3A = arith.constant 0.000000e+00 : f32
        %broadcast_in_dim3A_399 = vector.broadcast %broadcast_in_dim3A : f32 to vector<16xf32>
        %broadcast_in_dim3A_400 = arith.constant 0 : i32
        %broadcast_in_dim3A_401 = vector.broadcast %broadcast_in_dim3A_400 : i32 to vector<16xi32>
        %gather3A = arith.constant 1 : i32
        %gather3A_402 = arith.constant 0 : i32
        %gather3A_403 = arith.constant 0 : i32
        %gather3A_404 = tpu.memref_slice %arg6[%gather3A, %gather3A_402, %gather3A_403] : memref<2x512x32xf32, #tpu.memory_space<vmem>> -> memref<1x512x32xf32, #tpu.memory_space<vmem>>
        %gather3A_405 = tpu.memref_squeeze %gather3A_404 : memref<1x512x32xf32, #tpu.memory_space<vmem>> -> memref<512x32xf32, #tpu.memory_space<vmem>>
        %gather3A_406 = tpu.vector_load_idx %gather3A_405[%add3A_356, %broadcast_in_dim3A_401] : memref<512x32xf32, #tpu.memory_space<vmem>>[vector<16xi32>, vector<16xi32>], vector<16xf32>,
        %mul3A_407 = arith.mulf %gather3A_406, %gather3A_406 : vector<16xf32>
        %add3A_408 = arith.addf %broadcast_in_dim3A_399, %mul3A_407 : vector<16xf32>
        %broadcast_in_dim3A_409 = arith.constant 1 : i32
        %broadcast_in_dim3A_410 = vector.broadcast %broadcast_in_dim3A_409 : i32 to vector<16xi32>
        %gather3A_411 = arith.constant 1 : i32
        %gather3A_412 = arith.constant 0 : i32
        %gather3A_413 = arith.constant 0 : i32
        %gather3A_414 = tpu.memref_slice %arg6[%gather3A_411, %gather3A_412, %gather3A_413] : memref<2x512x32xf32, #tpu.memory_space<vmem>> -> memref<1x512x32xf32, #tpu.memory_space<vmem>>
        %gather3A_415 = tpu.memref_squeeze %gather3A_414 : memref<1x512x32xf32, #tpu.memory_space<vmem>> -> memref<512x32xf32, #tpu.memory_space<vmem>>
        %gather3A_416 = tpu.vector_load_idx %gather3A_415[%add3A_356, %broadcast_in_dim3A_410] : memref<512x32xf32, #tpu.memory_space<vmem>>[vector<16xi32>, vector<16xi32>], vector<16xf32>,
        %mul3A_417 = arith.mulf %gather3A_416, %gather3A_416 : vector<16xf32>
        %add3A_418 = arith.addf %add3A_408, %mul3A_417 : vector<16xf32>
        %broadcast_in_dim3A_419 = arith.constant 2 : i32
        %broadcast_in_dim3A_420 = vector.broadcast %broadcast_in_dim3A_419 : i32 to vector<16xi32>
        %gather3A_421 = arith.constant 1 : i32
        %gather3A_422 = arith.constant 0 : i32
        %gather3A_423 = arith.constant 0 : i32
        %gather3A_424 = tpu.memref_slice %arg6[%gather3A_421, %gather3A_422, %gather3A_423] : memref<2x512x32xf32, #tpu.memory_space<vmem>> -> memref<1x512x32xf32, #tpu.memory_space<vmem>>
        %gather3A_425 = tpu.memref_squeeze %gather3A_424 : memref<1x512x32xf32, #tpu.memory_space<vmem>> -> memref<512x32xf32, #tpu.memory_space<vmem>>
        %gather3A_426 = tpu.vector_load_idx %gather3A_425[%add3A_356, %broadcast_in_dim3A_420] : memref<512x32xf32, #tpu.memory_space<vmem>>[vector<16xi32>, vector<16xi32>], vector<16xf32>,
        %mul3A_427 = arith.mulf %gather3A_426, %gather3A_426 : vector<16xf32>
        %add3A_428 = arith.addf %add3A_418, %mul3A_427 : vector<16xf32>
        %broadcast_in_dim3A_429 = arith.constant 3 : i32
        %broadcast_in_dim3A_430 = vector.broadcast %broadcast_in_dim3A_429 : i32 to vector<16xi32>
        %gather3A_431 = arith.constant 1 : i32
        %gather3A_432 = arith.constant 0 : i32
        %gather3A_433 = arith.constant 0 : i32
        %gather3A_434 = tpu.memref_slice %arg6[%gather3A_431, %gather3A_432, %gather3A_433] : memref<2x512x32xf32, #tpu.memory_space<vmem>> -> memref<1x512x32xf32, #tpu.memory_space<vmem>>
        %gather3A_435 = tpu.memref_squeeze %gather3A_434 : memref<1x512x32xf32, #tpu.memory_space<vmem>> -> memref<512x32xf32, #tpu.memory_space<vmem>>
        %gather3A_436 = tpu.vector_load_idx %gather3A_435[%add3A_356, %broadcast_in_dim3A_430] : memref<512x32xf32, #tpu.memory_space<vmem>>[vector<16xi32>, vector<16xi32>], vector<16xf32>,
        %mul3A_437 = arith.mulf %gather3A_436, %gather3A_436 : vector<16xf32>
        %add3A_438 = arith.addf %add3A_428, %mul3A_437 : vector<16xf32>
        %broadcast_in_dim3A_439 = arith.constant 4 : i32
        %broadcast_in_dim3A_440 = vector.broadcast %broadcast_in_dim3A_439 : i32 to vector<16xi32>
        %gather3A_441 = arith.constant 1 : i32
        %gather3A_442 = arith.constant 0 : i32
        %gather3A_443 = arith.constant 0 : i32
        %gather3A_444 = tpu.memref_slice %arg6[%gather3A_441, %gather3A_442, %gather3A_443] : memref<2x512x32xf32, #tpu.memory_space<vmem>> -> memref<1x512x32xf32, #tpu.memory_space<vmem>>
        %gather3A_445 = tpu.memref_squeeze %gather3A_444 : memref<1x512x32xf32, #tpu.memory_space<vmem>> -> memref<512x32xf32, #tpu.memory_space<vmem>>
        %gather3A_446 = tpu.vector_load_idx %gather3A_445[%add3A_356, %broadcast_in_dim3A_440] : memref<512x32xf32, #tpu.memory_space<vmem>>[vector<16xi32>, vector<16xi32>], vector<16xf32>,
        %mul3A_447 = arith.mulf %gather3A_446, %gather3A_446 : vector<16xf32>
        %add3A_448 = arith.addf %add3A_438, %mul3A_447 : vector<16xf32>
        %broadcast_in_dim3A_449 = arith.constant 5 : i32
        %broadcast_in_dim3A_450 = vector.broadcast %broadcast_in_dim3A_449 : i32 to vector<16xi32>
        %gather3A_451 = arith.constant 1 : i32
        %gather3A_452 = arith.constant 0 : i32
        %gather3A_453 = arith.constant 0 : i32
        %gather3A_454 = tpu.memref_slice %arg6[%gather3A_451, %gather3A_452, %gather3A_453] : memref<2x512x32xf32, #tpu.memory_space<vmem>> -> memref<1x512x32xf32, #tpu.memory_space<vmem>>
        %gather3A_455 = tpu.memref_squeeze %gather3A_454 : memref<1x512x32xf32, #tpu.memory_space<vmem>> -> memref<512x32xf32, #tpu.memory_space<vmem>>
        %gather3A_456 = tpu.vector_load_idx %gather3A_455[%add3A_356, %broadcast_in_dim3A_450] : memref<512x32xf32, #tpu.memory_space<vmem>>[vector<16xi32>, vector<16xi32>], vector<16xf32>,
        %mul3A_457 = arith.mulf %gather3A_456, %gather3A_456 : vector<16xf32>
        %add3A_458 = arith.addf %add3A_448, %mul3A_457 : vector<16xf32>
        %broadcast_in_dim3A_459 = arith.constant 6 : i32
        %broadcast_in_dim3A_460 = vector.broadcast %broadcast_in_dim3A_459 : i32 to vector<16xi32>
        %gather3A_461 = arith.constant 1 : i32
        %gather3A_462 = arith.constant 0 : i32
        %gather3A_463 = arith.constant 0 : i32
        %gather3A_464 = tpu.memref_slice %arg6[%gather3A_461, %gather3A_462, %gather3A_463] : memref<2x512x32xf32, #tpu.memory_space<vmem>> -> memref<1x512x32xf32, #tpu.memory_space<vmem>>
        %gather3A_465 = tpu.memref_squeeze %gather3A_464 : memref<1x512x32xf32, #tpu.memory_space<vmem>> -> memref<512x32xf32, #tpu.memory_space<vmem>>
        %gather3A_466 = tpu.vector_load_idx %gather3A_465[%add3A_356, %broadcast_in_dim3A_460] : memref<512x32xf32, #tpu.memory_space<vmem>>[vector<16xi32>, vector<16xi32>], vector<16xf32>,
        %mul3A_467 = arith.mulf %gather3A_466, %gather3A_466 : vector<16xf32>
        %add3A_468 = arith.addf %add3A_458, %mul3A_467 : vector<16xf32>
        %broadcast_in_dim3A_469 = arith.constant 7 : i32
        %broadcast_in_dim3A_470 = vector.broadcast %broadcast_in_dim3A_469 : i32 to vector<16xi32>
        %gather3A_471 = arith.constant 1 : i32
        %gather3A_472 = arith.constant 0 : i32
        %gather3A_473 = arith.constant 0 : i32
        %gather3A_474 = tpu.memref_slice %arg6[%gather3A_471, %gather3A_472, %gather3A_473] : memref<2x512x32xf32, #tpu.memory_space<vmem>> -> memref<1x512x32xf32, #tpu.memory_space<vmem>>
        %gather3A_475 = tpu.memref_squeeze %gather3A_474 : memref<1x512x32xf32, #tpu.memory_space<vmem>> -> memref<512x32xf32, #tpu.memory_space<vmem>>
        %gather3A_476 = tpu.vector_load_idx %gather3A_475[%add3A_356, %broadcast_in_dim3A_470] : memref<512x32xf32, #tpu.memory_space<vmem>>[vector<16xi32>, vector<16xi32>], vector<16xf32>,
        %mul3A_477 = arith.mulf %gather3A_476, %gather3A_476 : vector<16xf32>
        %add3A_478 = arith.addf %add3A_468, %mul3A_477 : vector<16xf32>
        %broadcast_in_dim3A_479 = arith.constant 8 : i32
        %broadcast_in_dim3A_480 = vector.broadcast %broadcast_in_dim3A_479 : i32 to vector<16xi32>
        %gather3A_481 = arith.constant 1 : i32
        %gather3A_482 = arith.constant 0 : i32
        %gather3A_483 = arith.constant 0 : i32
        %gather3A_484 = tpu.memref_slice %arg6[%gather3A_481, %gather3A_482, %gather3A_483] : memref<2x512x32xf32, #tpu.memory_space<vmem>> -> memref<1x512x32xf32, #tpu.memory_space<vmem>>
        %gather3A_485 = tpu.memref_squeeze %gather3A_484 : memref<1x512x32xf32, #tpu.memory_space<vmem>> -> memref<512x32xf32, #tpu.memory_space<vmem>>
        %gather3A_486 = tpu.vector_load_idx %gather3A_485[%add3A_356, %broadcast_in_dim3A_480] : memref<512x32xf32, #tpu.memory_space<vmem>>[vector<16xi32>, vector<16xi32>], vector<16xf32>,
        %mul3A_487 = arith.mulf %gather3A_486, %gather3A_486 : vector<16xf32>
        %add3A_488 = arith.addf %add3A_478, %mul3A_487 : vector<16xf32>
        %broadcast_in_dim3A_489 = arith.constant 9 : i32
        %broadcast_in_dim3A_490 = vector.broadcast %broadcast_in_dim3A_489 : i32 to vector<16xi32>
        %gather3A_491 = arith.constant 1 : i32
        %gather3A_492 = arith.constant 0 : i32
        %gather3A_493 = arith.constant 0 : i32
        %gather3A_494 = tpu.memref_slice %arg6[%gather3A_491, %gather3A_492, %gather3A_493] : memref<2x512x32xf32, #tpu.memory_space<vmem>> -> memref<1x512x32xf32, #tpu.memory_space<vmem>>
        %gather3A_495 = tpu.memref_squeeze %gather3A_494 : memref<1x512x32xf32, #tpu.memory_space<vmem>> -> memref<512x32xf32, #tpu.memory_space<vmem>>
        %gather3A_496 = tpu.vector_load_idx %gather3A_495[%add3A_356, %broadcast_in_dim3A_490] : memref<512x32xf32, #tpu.memory_space<vmem>>[vector<16xi32>, vector<16xi32>], vector<16xf32>,
        %mul3A_497 = arith.mulf %gather3A_496, %gather3A_496 : vector<16xf32>
        %add3A_498 = arith.addf %add3A_488, %mul3A_497 : vector<16xf32>
        %broadcast_in_dim3A_499 = arith.constant 10 : i32
        %broadcast_in_dim3A_500 = vector.broadcast %broadcast_in_dim3A_499 : i32 to vector<16xi32>
        %gather3A_501 = arith.constant 1 : i32
        %gather3A_502 = arith.constant 0 : i32
        %gather3A_503 = arith.constant 0 : i32
        %gather3A_504 = tpu.memref_slice %arg6[%gather3A_501, %gather3A_502, %gather3A_503] : memref<2x512x32xf32, #tpu.memory_space<vmem>> -> memref<1x512x32xf32, #tpu.memory_space<vmem>>
        %gather3A_505 = tpu.memref_squeeze %gather3A_504 : memref<1x512x32xf32, #tpu.memory_space<vmem>> -> memref<512x32xf32, #tpu.memory_space<vmem>>
        %gather3A_506 = tpu.vector_load_idx %gather3A_505[%add3A_356, %broadcast_in_dim3A_500] : memref<512x32xf32, #tpu.memory_space<vmem>>[vector<16xi32>, vector<16xi32>], vector<16xf32>,
        %mul3A_507 = arith.mulf %gather3A_506, %gather3A_506 : vector<16xf32>
        %add3A_508 = arith.addf %add3A_498, %mul3A_507 : vector<16xf32>
        %broadcast_in_dim3A_509 = arith.constant 11 : i32
        %broadcast_in_dim3A_510 = vector.broadcast %broadcast_in_dim3A_509 : i32 to vector<16xi32>
        %gather3A_511 = arith.constant 1 : i32
        %gather3A_512 = arith.constant 0 : i32
        %gather3A_513 = arith.constant 0 : i32
        %gather3A_514 = tpu.memref_slice %arg6[%gather3A_511, %gather3A_512, %gather3A_513] : memref<2x512x32xf32, #tpu.memory_space<vmem>> -> memref<1x512x32xf32, #tpu.memory_space<vmem>>
        %gather3A_515 = tpu.memref_squeeze %gather3A_514 : memref<1x512x32xf32, #tpu.memory_space<vmem>> -> memref<512x32xf32, #tpu.memory_space<vmem>>
        %gather3A_516 = tpu.vector_load_idx %gather3A_515[%add3A_356, %broadcast_in_dim3A_510] : memref<512x32xf32, #tpu.memory_space<vmem>>[vector<16xi32>, vector<16xi32>], vector<16xf32>,
        %mul3A_517 = arith.mulf %gather3A_516, %gather3A_516 : vector<16xf32>
        %add3A_518 = arith.addf %add3A_508, %mul3A_517 : vector<16xf32>
        %broadcast_in_dim3A_519 = arith.constant 12 : i32
        %broadcast_in_dim3A_520 = vector.broadcast %broadcast_in_dim3A_519 : i32 to vector<16xi32>
        %gather3A_521 = arith.constant 1 : i32
        %gather3A_522 = arith.constant 0 : i32
        %gather3A_523 = arith.constant 0 : i32
        %gather3A_524 = tpu.memref_slice %arg6[%gather3A_521, %gather3A_522, %gather3A_523] : memref<2x512x32xf32, #tpu.memory_space<vmem>> -> memref<1x512x32xf32, #tpu.memory_space<vmem>>
        %gather3A_525 = tpu.memref_squeeze %gather3A_524 : memref<1x512x32xf32, #tpu.memory_space<vmem>> -> memref<512x32xf32, #tpu.memory_space<vmem>>
        %gather3A_526 = tpu.vector_load_idx %gather3A_525[%add3A_356, %broadcast_in_dim3A_520] : memref<512x32xf32, #tpu.memory_space<vmem>>[vector<16xi32>, vector<16xi32>], vector<16xf32>,
        %mul3A_527 = arith.mulf %gather3A_526, %gather3A_526 : vector<16xf32>
        %add3A_528 = arith.addf %add3A_518, %mul3A_527 : vector<16xf32>
        %broadcast_in_dim3A_529 = arith.constant 13 : i32
        %broadcast_in_dim3A_530 = vector.broadcast %broadcast_in_dim3A_529 : i32 to vector<16xi32>
        %gather3A_531 = arith.constant 1 : i32
        %gather3A_532 = arith.constant 0 : i32
        %gather3A_533 = arith.constant 0 : i32
        %gather3A_534 = tpu.memref_slice %arg6[%gather3A_531, %gather3A_532, %gather3A_533] : memref<2x512x32xf32, #tpu.memory_space<vmem>> -> memref<1x512x32xf32, #tpu.memory_space<vmem>>
        %gather3A_535 = tpu.memref_squeeze %gather3A_534 : memref<1x512x32xf32, #tpu.memory_space<vmem>> -> memref<512x32xf32, #tpu.memory_space<vmem>>
        %gather3A_536 = tpu.vector_load_idx %gather3A_535[%add3A_356, %broadcast_in_dim3A_530] : memref<512x32xf32, #tpu.memory_space<vmem>>[vector<16xi32>, vector<16xi32>], vector<16xf32>,
        %mul3A_537 = arith.mulf %gather3A_536, %gather3A_536 : vector<16xf32>
        %add3A_538 = arith.addf %add3A_528, %mul3A_537 : vector<16xf32>
        %broadcast_in_dim3A_539 = arith.constant 14 : i32
        %broadcast_in_dim3A_540 = vector.broadcast %broadcast_in_dim3A_539 : i32 to vector<16xi32>
        %gather3A_541 = arith.constant 1 : i32
        %gather3A_542 = arith.constant 0 : i32
        %gather3A_543 = arith.constant 0 : i32
        %gather3A_544 = tpu.memref_slice %arg6[%gather3A_541, %gather3A_542, %gather3A_543] : memref<2x512x32xf32, #tpu.memory_space<vmem>> -> memref<1x512x32xf32, #tpu.memory_space<vmem>>
        %gather3A_545 = tpu.memref_squeeze %gather3A_544 : memref<1x512x32xf32, #tpu.memory_space<vmem>> -> memref<512x32xf32, #tpu.memory_space<vmem>>
        %gather3A_546 = tpu.vector_load_idx %gather3A_545[%add3A_356, %broadcast_in_dim3A_540] : memref<512x32xf32, #tpu.memory_space<vmem>>[vector<16xi32>, vector<16xi32>], vector<16xf32>,
        %mul3A_547 = arith.mulf %gather3A_546, %gather3A_546 : vector<16xf32>
        %add3A_548 = arith.addf %add3A_538, %mul3A_547 : vector<16xf32>
        %broadcast_in_dim3A_549 = arith.constant 15 : i32
        %broadcast_in_dim3A_550 = vector.broadcast %broadcast_in_dim3A_549 : i32 to vector<16xi32>
        %gather3A_551 = arith.constant 1 : i32
        %gather3A_552 = arith.constant 0 : i32
        %gather3A_553 = arith.constant 0 : i32
        %gather3A_554 = tpu.memref_slice %arg6[%gather3A_551, %gather3A_552, %gather3A_553] : memref<2x512x32xf32, #tpu.memory_space<vmem>> -> memref<1x512x32xf32, #tpu.memory_space<vmem>>
        %gather3A_555 = tpu.memref_squeeze %gather3A_554 : memref<1x512x32xf32, #tpu.memory_space<vmem>> -> memref<512x32xf32, #tpu.memory_space<vmem>>
        %gather3A_556 = tpu.vector_load_idx %gather3A_555[%add3A_356, %broadcast_in_dim3A_550] : memref<512x32xf32, #tpu.memory_space<vmem>>[vector<16xi32>, vector<16xi32>], vector<16xf32>,
        %mul3A_557 = arith.mulf %gather3A_556, %gather3A_556 : vector<16xf32>
        %add3A_558 = arith.addf %add3A_548, %mul3A_557 : vector<16xf32>
        %broadcast_in_dim3A_559 = arith.constant 16 : i32
        %broadcast_in_dim3A_560 = vector.broadcast %broadcast_in_dim3A_559 : i32 to vector<16xi32>
        %gather3A_561 = arith.constant 1 : i32
        %gather3A_562 = arith.constant 0 : i32
        %gather3A_563 = arith.constant 0 : i32
        %gather3A_564 = tpu.memref_slice %arg6[%gather3A_561, %gather3A_562, %gather3A_563] : memref<2x512x32xf32, #tpu.memory_space<vmem>> -> memref<1x512x32xf32, #tpu.memory_space<vmem>>
        %gather3A_565 = tpu.memref_squeeze %gather3A_564 : memref<1x512x32xf32, #tpu.memory_space<vmem>> -> memref<512x32xf32, #tpu.memory_space<vmem>>
        %gather3A_566 = tpu.vector_load_idx %gather3A_565[%add3A_356, %broadcast_in_dim3A_560] : memref<512x32xf32, #tpu.memory_space<vmem>>[vector<16xi32>, vector<16xi32>], vector<16xf32>,
        %mul3A_567 = arith.mulf %gather3A_566, %gather3A_566 : vector<16xf32>
        %add3A_568 = arith.addf %add3A_558, %mul3A_567 : vector<16xf32>
        %broadcast_in_dim3A_569 = arith.constant 17 : i32
        %broadcast_in_dim3A_570 = vector.broadcast %broadcast_in_dim3A_569 : i32 to vector<16xi32>
        %gather3A_571 = arith.constant 1 : i32
        %gather3A_572 = arith.constant 0 : i32
        %gather3A_573 = arith.constant 0 : i32
        %gather3A_574 = tpu.memref_slice %arg6[%gather3A_571, %gather3A_572, %gather3A_573] : memref<2x512x32xf32, #tpu.memory_space<vmem>> -> memref<1x512x32xf32, #tpu.memory_space<vmem>>
        %gather3A_575 = tpu.memref_squeeze %gather3A_574 : memref<1x512x32xf32, #tpu.memory_space<vmem>> -> memref<512x32xf32, #tpu.memory_space<vmem>>
        %gather3A_576 = tpu.vector_load_idx %gather3A_575[%add3A_356, %broadcast_in_dim3A_570] : memref<512x32xf32, #tpu.memory_space<vmem>>[vector<16xi32>, vector<16xi32>], vector<16xf32>,
        %mul3A_577 = arith.mulf %gather3A_576, %gather3A_576 : vector<16xf32>
        %add3A_578 = arith.addf %add3A_568, %mul3A_577 : vector<16xf32>
        %broadcast_in_dim3A_579 = arith.constant 18 : i32
        %broadcast_in_dim3A_580 = vector.broadcast %broadcast_in_dim3A_579 : i32 to vector<16xi32>
        %gather3A_581 = arith.constant 1 : i32
        %gather3A_582 = arith.constant 0 : i32
        %gather3A_583 = arith.constant 0 : i32
        %gather3A_584 = tpu.memref_slice %arg6[%gather3A_581, %gather3A_582, %gather3A_583] : memref<2x512x32xf32, #tpu.memory_space<vmem>> -> memref<1x512x32xf32, #tpu.memory_space<vmem>>
        %gather3A_585 = tpu.memref_squeeze %gather3A_584 : memref<1x512x32xf32, #tpu.memory_space<vmem>> -> memref<512x32xf32, #tpu.memory_space<vmem>>
        %gather3A_586 = tpu.vector_load_idx %gather3A_585[%add3A_356, %broadcast_in_dim3A_580] : memref<512x32xf32, #tpu.memory_space<vmem>>[vector<16xi32>, vector<16xi32>], vector<16xf32>,
        %mul3A_587 = arith.mulf %gather3A_586, %gather3A_586 : vector<16xf32>
        %add3A_588 = arith.addf %add3A_578, %mul3A_587 : vector<16xf32>
        %broadcast_in_dim3A_589 = arith.constant 19 : i32
        %broadcast_in_dim3A_590 = vector.broadcast %broadcast_in_dim3A_589 : i32 to vector<16xi32>
        %gather3A_591 = arith.constant 1 : i32
        %gather3A_592 = arith.constant 0 : i32
        %gather3A_593 = arith.constant 0 : i32
        %gather3A_594 = tpu.memref_slice %arg6[%gather3A_591, %gather3A_592, %gather3A_593] : memref<2x512x32xf32, #tpu.memory_space<vmem>> -> memref<1x512x32xf32, #tpu.memory_space<vmem>>
        %gather3A_595 = tpu.memref_squeeze %gather3A_594 : memref<1x512x32xf32, #tpu.memory_space<vmem>> -> memref<512x32xf32, #tpu.memory_space<vmem>>
        %gather3A_596 = tpu.vector_load_idx %gather3A_595[%add3A_356, %broadcast_in_dim3A_590] : memref<512x32xf32, #tpu.memory_space<vmem>>[vector<16xi32>, vector<16xi32>], vector<16xf32>,
        %mul3A_597 = arith.mulf %gather3A_596, %gather3A_596 : vector<16xf32>
        %add3A_598 = arith.addf %add3A_588, %mul3A_597 : vector<16xf32>
        %broadcast_in_dim3A_599 = arith.constant 20 : i32
        %broadcast_in_dim3A_600 = vector.broadcast %broadcast_in_dim3A_599 : i32 to vector<16xi32>
        %gather3A_601 = arith.constant 1 : i32
        %gather3A_602 = arith.constant 0 : i32
        %gather3A_603 = arith.constant 0 : i32
        %gather3A_604 = tpu.memref_slice %arg6[%gather3A_601, %gather3A_602, %gather3A_603] : memref<2x512x32xf32, #tpu.memory_space<vmem>> -> memref<1x512x32xf32, #tpu.memory_space<vmem>>
        %gather3A_605 = tpu.memref_squeeze %gather3A_604 : memref<1x512x32xf32, #tpu.memory_space<vmem>> -> memref<512x32xf32, #tpu.memory_space<vmem>>
        %gather3A_606 = tpu.vector_load_idx %gather3A_605[%add3A_356, %broadcast_in_dim3A_600] : memref<512x32xf32, #tpu.memory_space<vmem>>[vector<16xi32>, vector<16xi32>], vector<16xf32>,
        %mul3A_607 = arith.mulf %gather3A_606, %gather3A_606 : vector<16xf32>
        %add3A_608 = arith.addf %add3A_598, %mul3A_607 : vector<16xf32>
        %broadcast_in_dim3A_609 = arith.constant 21 : i32
        %broadcast_in_dim3A_610 = vector.broadcast %broadcast_in_dim3A_609 : i32 to vector<16xi32>
        %gather3A_611 = arith.constant 1 : i32
        %gather3A_612 = arith.constant 0 : i32
        %gather3A_613 = arith.constant 0 : i32
        %gather3A_614 = tpu.memref_slice %arg6[%gather3A_611, %gather3A_612, %gather3A_613] : memref<2x512x32xf32, #tpu.memory_space<vmem>> -> memref<1x512x32xf32, #tpu.memory_space<vmem>>
        %gather3A_615 = tpu.memref_squeeze %gather3A_614 : memref<1x512x32xf32, #tpu.memory_space<vmem>> -> memref<512x32xf32, #tpu.memory_space<vmem>>
        %gather3A_616 = tpu.vector_load_idx %gather3A_615[%add3A_356, %broadcast_in_dim3A_610] : memref<512x32xf32, #tpu.memory_space<vmem>>[vector<16xi32>, vector<16xi32>], vector<16xf32>,
        %mul3A_617 = arith.mulf %gather3A_616, %gather3A_616 : vector<16xf32>
        %add3A_618 = arith.addf %add3A_608, %mul3A_617 : vector<16xf32>
        %broadcast_in_dim3A_619 = arith.constant 22 : i32
        %broadcast_in_dim3A_620 = vector.broadcast %broadcast_in_dim3A_619 : i32 to vector<16xi32>
        %gather3A_621 = arith.constant 1 : i32
        %gather3A_622 = arith.constant 0 : i32
        %gather3A_623 = arith.constant 0 : i32
        %gather3A_624 = tpu.memref_slice %arg6[%gather3A_621, %gather3A_622, %gather3A_623] : memref<2x512x32xf32, #tpu.memory_space<vmem>> -> memref<1x512x32xf32, #tpu.memory_space<vmem>>
        %gather3A_625 = tpu.memref_squeeze %gather3A_624 : memref<1x512x32xf32, #tpu.memory_space<vmem>> -> memref<512x32xf32, #tpu.memory_space<vmem>>
        %gather3A_626 = tpu.vector_load_idx %gather3A_625[%add3A_356, %broadcast_in_dim3A_620] : memref<512x32xf32, #tpu.memory_space<vmem>>[vector<16xi32>, vector<16xi32>], vector<16xf32>,
        %mul3A_627 = arith.mulf %gather3A_626, %gather3A_626 : vector<16xf32>
        %add3A_628 = arith.addf %add3A_618, %mul3A_627 : vector<16xf32>
        %broadcast_in_dim3A_629 = arith.constant 23 : i32
        %broadcast_in_dim3A_630 = vector.broadcast %broadcast_in_dim3A_629 : i32 to vector<16xi32>
        %gather3A_631 = arith.constant 1 : i32
        %gather3A_632 = arith.constant 0 : i32
        %gather3A_633 = arith.constant 0 : i32
        %gather3A_634 = tpu.memref_slice %arg6[%gather3A_631, %gather3A_632, %gather3A_633] : memref<2x512x32xf32, #tpu.memory_space<vmem>> -> memref<1x512x32xf32, #tpu.memory_space<vmem>>
        %gather3A_635 = tpu.memref_squeeze %gather3A_634 : memref<1x512x32xf32, #tpu.memory_space<vmem>> -> memref<512x32xf32, #tpu.memory_space<vmem>>
        %gather3A_636 = tpu.vector_load_idx %gather3A_635[%add3A_356, %broadcast_in_dim3A_630] : memref<512x32xf32, #tpu.memory_space<vmem>>[vector<16xi32>, vector<16xi32>], vector<16xf32>,
        %mul3A_637 = arith.mulf %gather3A_636, %gather3A_636 : vector<16xf32>
        %add3A_638 = arith.addf %add3A_628, %mul3A_637 : vector<16xf32>
        %broadcast_in_dim3A_639 = arith.constant 24 : i32
        %broadcast_in_dim3A_640 = vector.broadcast %broadcast_in_dim3A_639 : i32 to vector<16xi32>
        %gather3A_641 = arith.constant 1 : i32
        %gather3A_642 = arith.constant 0 : i32
        %gather3A_643 = arith.constant 0 : i32
        %gather3A_644 = tpu.memref_slice %arg6[%gather3A_641, %gather3A_642, %gather3A_643] : memref<2x512x32xf32, #tpu.memory_space<vmem>> -> memref<1x512x32xf32, #tpu.memory_space<vmem>>
        %gather3A_645 = tpu.memref_squeeze %gather3A_644 : memref<1x512x32xf32, #tpu.memory_space<vmem>> -> memref<512x32xf32, #tpu.memory_space<vmem>>
        %gather3A_646 = tpu.vector_load_idx %gather3A_645[%add3A_356, %broadcast_in_dim3A_640] : memref<512x32xf32, #tpu.memory_space<vmem>>[vector<16xi32>, vector<16xi32>], vector<16xf32>,
        %mul3A_647 = arith.mulf %gather3A_646, %gather3A_646 : vector<16xf32>
        %add3A_648 = arith.addf %add3A_638, %mul3A_647 : vector<16xf32>
        %broadcast_in_dim3A_649 = arith.constant 25 : i32
        %broadcast_in_dim3A_650 = vector.broadcast %broadcast_in_dim3A_649 : i32 to vector<16xi32>
        %gather3A_651 = arith.constant 1 : i32
        %gather3A_652 = arith.constant 0 : i32
        %gather3A_653 = arith.constant 0 : i32
        %gather3A_654 = tpu.memref_slice %arg6[%gather3A_651, %gather3A_652, %gather3A_653] : memref<2x512x32xf32, #tpu.memory_space<vmem>> -> memref<1x512x32xf32, #tpu.memory_space<vmem>>
        %gather3A_655 = tpu.memref_squeeze %gather3A_654 : memref<1x512x32xf32, #tpu.memory_space<vmem>> -> memref<512x32xf32, #tpu.memory_space<vmem>>
        %gather3A_656 = tpu.vector_load_idx %gather3A_655[%add3A_356, %broadcast_in_dim3A_650] : memref<512x32xf32, #tpu.memory_space<vmem>>[vector<16xi32>, vector<16xi32>], vector<16xf32>,
        %mul3A_657 = arith.mulf %gather3A_656, %gather3A_656 : vector<16xf32>
        %add3A_658 = arith.addf %add3A_648, %mul3A_657 : vector<16xf32>
        %broadcast_in_dim3A_659 = arith.constant 26 : i32
        %broadcast_in_dim3A_660 = vector.broadcast %broadcast_in_dim3A_659 : i32 to vector<16xi32>
        %gather3A_661 = arith.constant 1 : i32
        %gather3A_662 = arith.constant 0 : i32
        %gather3A_663 = arith.constant 0 : i32
        %gather3A_664 = tpu.memref_slice %arg6[%gather3A_661, %gather3A_662, %gather3A_663] : memref<2x512x32xf32, #tpu.memory_space<vmem>> -> memref<1x512x32xf32, #tpu.memory_space<vmem>>
        %gather3A_665 = tpu.memref_squeeze %gather3A_664 : memref<1x512x32xf32, #tpu.memory_space<vmem>> -> memref<512x32xf32, #tpu.memory_space<vmem>>
        %gather3A_666 = tpu.vector_load_idx %gather3A_665[%add3A_356, %broadcast_in_dim3A_660] : memref<512x32xf32, #tpu.memory_space<vmem>>[vector<16xi32>, vector<16xi32>], vector<16xf32>,
        %mul3A_667 = arith.mulf %gather3A_666, %gather3A_666 : vector<16xf32>
        %add3A_668 = arith.addf %add3A_658, %mul3A_667 : vector<16xf32>
        %broadcast_in_dim3A_669 = arith.constant 27 : i32
        %broadcast_in_dim3A_670 = vector.broadcast %broadcast_in_dim3A_669 : i32 to vector<16xi32>
        %gather3A_671 = arith.constant 1 : i32
        %gather3A_672 = arith.constant 0 : i32
        %gather3A_673 = arith.constant 0 : i32
        %gather3A_674 = tpu.memref_slice %arg6[%gather3A_671, %gather3A_672, %gather3A_673] : memref<2x512x32xf32, #tpu.memory_space<vmem>> -> memref<1x512x32xf32, #tpu.memory_space<vmem>>
        %gather3A_675 = tpu.memref_squeeze %gather3A_674 : memref<1x512x32xf32, #tpu.memory_space<vmem>> -> memref<512x32xf32, #tpu.memory_space<vmem>>
        %gather3A_676 = tpu.vector_load_idx %gather3A_675[%add3A_356, %broadcast_in_dim3A_670] : memref<512x32xf32, #tpu.memory_space<vmem>>[vector<16xi32>, vector<16xi32>], vector<16xf32>,
        %mul3A_677 = arith.mulf %gather3A_676, %gather3A_676 : vector<16xf32>
        %add3A_678 = arith.addf %add3A_668, %mul3A_677 : vector<16xf32>
        %broadcast_in_dim3A_679 = arith.constant 28 : i32
        %broadcast_in_dim3A_680 = vector.broadcast %broadcast_in_dim3A_679 : i32 to vector<16xi32>
        %gather3A_681 = arith.constant 1 : i32
        %gather3A_682 = arith.constant 0 : i32
        %gather3A_683 = arith.constant 0 : i32
        %gather3A_684 = tpu.memref_slice %arg6[%gather3A_681, %gather3A_682, %gather3A_683] : memref<2x512x32xf32, #tpu.memory_space<vmem>> -> memref<1x512x32xf32, #tpu.memory_space<vmem>>
        %gather3A_685 = tpu.memref_squeeze %gather3A_684 : memref<1x512x32xf32, #tpu.memory_space<vmem>> -> memref<512x32xf32, #tpu.memory_space<vmem>>
        %gather3A_686 = tpu.vector_load_idx %gather3A_685[%add3A_356, %broadcast_in_dim3A_680] : memref<512x32xf32, #tpu.memory_space<vmem>>[vector<16xi32>, vector<16xi32>], vector<16xf32>,
        %mul3A_687 = arith.mulf %gather3A_686, %gather3A_686 : vector<16xf32>
        %add3A_688 = arith.addf %add3A_678, %mul3A_687 : vector<16xf32>
        %broadcast_in_dim3A_689 = arith.constant 29 : i32
        %broadcast_in_dim3A_690 = vector.broadcast %broadcast_in_dim3A_689 : i32 to vector<16xi32>
        %gather3A_691 = arith.constant 1 : i32
        %gather3A_692 = arith.constant 0 : i32
        %gather3A_693 = arith.constant 0 : i32
        %gather3A_694 = tpu.memref_slice %arg6[%gather3A_691, %gather3A_692, %gather3A_693] : memref<2x512x32xf32, #tpu.memory_space<vmem>> -> memref<1x512x32xf32, #tpu.memory_space<vmem>>
        %gather3A_695 = tpu.memref_squeeze %gather3A_694 : memref<1x512x32xf32, #tpu.memory_space<vmem>> -> memref<512x32xf32, #tpu.memory_space<vmem>>
        %gather3A_696 = tpu.vector_load_idx %gather3A_695[%add3A_356, %broadcast_in_dim3A_690] : memref<512x32xf32, #tpu.memory_space<vmem>>[vector<16xi32>, vector<16xi32>], vector<16xf32>,
        %mul3A_697 = arith.mulf %gather3A_696, %gather3A_696 : vector<16xf32>
        %add3A_698 = arith.addf %add3A_688, %mul3A_697 : vector<16xf32>
        %broadcast_in_dim3A_699 = arith.constant 30 : i32
        %broadcast_in_dim3A_700 = vector.broadcast %broadcast_in_dim3A_699 : i32 to vector<16xi32>
        %gather3A_701 = arith.constant 1 : i32
        %gather3A_702 = arith.constant 0 : i32
        %gather3A_703 = arith.constant 0 : i32
        %gather3A_704 = tpu.memref_slice %arg6[%gather3A_701, %gather3A_702, %gather3A_703] : memref<2x512x32xf32, #tpu.memory_space<vmem>> -> memref<1x512x32xf32, #tpu.memory_space<vmem>>
        %gather3A_705 = tpu.memref_squeeze %gather3A_704 : memref<1x512x32xf32, #tpu.memory_space<vmem>> -> memref<512x32xf32, #tpu.memory_space<vmem>>
        %gather3A_706 = tpu.vector_load_idx %gather3A_705[%add3A_356, %broadcast_in_dim3A_700] : memref<512x32xf32, #tpu.memory_space<vmem>>[vector<16xi32>, vector<16xi32>], vector<16xf32>,
        %mul3A_707 = arith.mulf %gather3A_706, %gather3A_706 : vector<16xf32>
        %add3A_708 = arith.addf %add3A_698, %mul3A_707 : vector<16xf32>
        %broadcast_in_dim3A_709 = arith.constant 31 : i32
        %broadcast_in_dim3A_710 = vector.broadcast %broadcast_in_dim3A_709 : i32 to vector<16xi32>
        %gather3A_711 = arith.constant 1 : i32
        %gather3A_712 = arith.constant 0 : i32
        %gather3A_713 = arith.constant 0 : i32
        %gather3A_714 = tpu.memref_slice %arg6[%gather3A_711, %gather3A_712, %gather3A_713] : memref<2x512x32xf32, #tpu.memory_space<vmem>> -> memref<1x512x32xf32, #tpu.memory_space<vmem>>
        %gather3A_715 = tpu.memref_squeeze %gather3A_714 : memref<1x512x32xf32, #tpu.memory_space<vmem>> -> memref<512x32xf32, #tpu.memory_space<vmem>>
        %gather3A_716 = tpu.vector_load_idx %gather3A_715[%add3A_356, %broadcast_in_dim3A_710] : memref<512x32xf32, #tpu.memory_space<vmem>>[vector<16xi32>, vector<16xi32>], vector<16xf32>,
        %mul3A_717 = arith.mulf %gather3A_716, %gather3A_716 : vector<16xf32>
        %add3A_718 = arith.addf %add3A_708, %mul3A_717 : vector<16xf32>
        %bitcast3A = vector.bitcast %add3A_718 : vector<16xf32> to vector<16xi32>
        %shift_right_logical3A = arith.constant 1 : i32
        %shift_right_logical3A_719 = vector.broadcast %shift_right_logical3A : i32 to vector<16xi32>
        %shift_right_logical3A_720 = arith.shrui %bitcast3A, %shift_right_logical3A_719 : vector<16xi32>
        %sub3A_721 = arith.constant 1597463007 : i32
        %sub3A_722 = vector.broadcast %sub3A_721 : i32 to vector<16xi32>
        %sub3A_723 = arith.subi %sub3A_722, %shift_right_logical3A_720 : vector<16xi32>
        %bitcast3A_724 = vector.bitcast %sub3A_723 : vector<16xi32> to vector<16xf32>
        %mul3A_725 = arith.constant 5.000000e-01 : f32
        %mul3A_726 = vector.broadcast %mul3A_725 : f32 to vector<16xf32>
        %mul3A_727 = arith.mulf %mul3A_726, %add3A_718 : vector<16xf32>
        %mul3A_728 = arith.mulf %mul3A_727, %bitcast3A_724 : vector<16xf32>
        %mul3A_729 = arith.mulf %mul3A_728, %bitcast3A_724 : vector<16xf32>
        %sub3A_730 = arith.constant 1.500000e+00 : f32
        %sub3A_731 = vector.broadcast %sub3A_730 : f32 to vector<16xf32>
        %sub3A_732 = arith.subf %sub3A_731, %mul3A_729 : vector<16xf32>
        %mul3A_733 = arith.mulf %bitcast3A_724, %sub3A_732 : vector<16xf32>
        %mul3A_734 = arith.constant 5.000000e-01 : f32
        %mul3A_735 = vector.broadcast %mul3A_734 : f32 to vector<16xf32>
        %mul3A_736 = arith.mulf %mul3A_735, %add3A_718 : vector<16xf32>
        %mul3A_737 = arith.mulf %mul3A_736, %mul3A_733 : vector<16xf32>
        %mul3A_738 = arith.mulf %mul3A_737, %mul3A_733 : vector<16xf32>
        %sub3A_739 = arith.constant 1.500000e+00 : f32
        %sub3A_740 = vector.broadcast %sub3A_739 : f32 to vector<16xf32>
        %sub3A_741 = arith.subf %sub3A_740, %mul3A_738 : vector<16xf32>
        %mul3A_742 = arith.mulf %mul3A_733, %sub3A_741 : vector<16xf32>
        %mul3A_743 = arith.constant 5.000000e-01 : f32
        %mul3A_744 = vector.broadcast %mul3A_743 : f32 to vector<16xf32>
        %mul3A_745 = arith.mulf %mul3A_744, %add3A_718 : vector<16xf32>
        %mul3A_746 = arith.mulf %mul3A_745, %mul3A_742 : vector<16xf32>
        %mul3A_747 = arith.mulf %mul3A_746, %mul3A_742 : vector<16xf32>
        %sub3A_748 = arith.constant 1.500000e+00 : f32
        %sub3A_749 = vector.broadcast %sub3A_748 : f32 to vector<16xf32>
        %sub3A_750 = arith.subf %sub3A_749, %mul3A_747 : vector<16xf32>
        %mul3A_751 = arith.mulf %mul3A_742, %sub3A_750 : vector<16xf32>
        %min3A = arith.constant 9.99999995E+11 : f32
        %min3A_752 = vector.broadcast %min3A : f32 to vector<16xf32>
        %min3A_753 = arith.minimumf %mul3A_751, %min3A_752 : vector<16xf32>
        %mul3A_754 = arith.mulf %gather3A_406, %min3A_753 : vector<16xf32>
        %swap3A = arith.constant 1 : i32
        %swap3A_755 = arith.constant 0 : i32
        %swap3A_756 = arith.constant 0 : i32
        %swap3A_757 = arith.index_cast %swap3A : i32 to index
        %swap3A_758 = arith.index_cast %swap3A_755 : i32 to index
        %swap3A_759 = arith.index_cast %select_n3A_380 : i32 to index
        %swap3A_760 = arith.index_cast %swap3A_756 : i32 to index
        %swap3A_761 = arith.index_cast %mul3A_398 : i32 to index
        %swap3A_762 = tpu.vector_load %arg7[%swap3A_757, %swap3A_758, %swap3A_759, %swap3A_760, %swap3A_761] {strides = array<i32>} : memref<2x4x4x8x128xf32, #tpu.memory_space<vmem>>, vector<16xf32>,
        tpu.vector_store %arg7[%swap3A_757, %swap3A_758, %swap3A_759, %swap3A_760, %swap3A_761], %mul3A_754 {strides = array<i32>} : memref<2x4x4x8x128xf32, #tpu.memory_space<vmem>>, vector<16xf32>,
        %mul3A_763 = arith.mulf %gather3A_416, %min3A_753 : vector<16xf32>
        %swap3A_764 = arith.constant 1 : i32
        %swap3A_765 = arith.constant 0 : i32
        %swap3A_766 = arith.constant 1 : i32
        %swap3A_767 = arith.index_cast %swap3A_764 : i32 to index
        %swap3A_768 = arith.index_cast %swap3A_765 : i32 to index
        %swap3A_769 = arith.index_cast %select_n3A_380 : i32 to index
        %swap3A_770 = arith.index_cast %swap3A_766 : i32 to index
        %swap3A_771 = arith.index_cast %mul3A_398 : i32 to index
        %swap3A_772 = tpu.vector_load %arg7[%swap3A_767, %swap3A_768, %swap3A_769, %swap3A_770, %swap3A_771] {strides = array<i32>} : memref<2x4x4x8x128xf32, #tpu.memory_space<vmem>>, vector<16xf32>,
        tpu.vector_store %arg7[%swap3A_767, %swap3A_768, %swap3A_769, %swap3A_770, %swap3A_771], %mul3A_763 {strides = array<i32>} : memref<2x4x4x8x128xf32, #tpu.memory_space<vmem>>, vector<16xf32>,
        %mul3A_773 = arith.mulf %gather3A_426, %min3A_753 : vector<16xf32>
        %swap3A_774 = arith.constant 1 : i32
        %swap3A_775 = arith.constant 0 : i32
        %swap3A_776 = arith.constant 2 : i32
        %swap3A_777 = arith.index_cast %swap3A_774 : i32 to index
        %swap3A_778 = arith.index_cast %swap3A_775 : i32 to index
        %swap3A_779 = arith.index_cast %select_n3A_380 : i32 to index
        %swap3A_780 = arith.index_cast %swap3A_776 : i32 to index
        %swap3A_781 = arith.index_cast %mul3A_398 : i32 to index
        %swap3A_782 = tpu.vector_load %arg7[%swap3A_777, %swap3A_778, %swap3A_779, %swap3A_780, %swap3A_781] {strides = array<i32>} : memref<2x4x4x8x128xf32, #tpu.memory_space<vmem>>, vector<16xf32>,
        tpu.vector_store %arg7[%swap3A_777, %swap3A_778, %swap3A_779, %swap3A_780, %swap3A_781], %mul3A_773 {strides = array<i32>} : memref<2x4x4x8x128xf32, #tpu.memory_space<vmem>>, vector<16xf32>,
        %mul3A_783 = arith.mulf %gather3A_436, %min3A_753 : vector<16xf32>
        %swap3A_784 = arith.constant 1 : i32
        %swap3A_785 = arith.constant 0 : i32
        %swap3A_786 = arith.constant 3 : i32
        %swap3A_787 = arith.index_cast %swap3A_784 : i32 to index
        %swap3A_788 = arith.index_cast %swap3A_785 : i32 to index
        %swap3A_789 = arith.index_cast %select_n3A_380 : i32 to index
        %swap3A_790 = arith.index_cast %swap3A_786 : i32 to index
        %swap3A_791 = arith.index_cast %mul3A_398 : i32 to index
        %swap3A_792 = tpu.vector_load %arg7[%swap3A_787, %swap3A_788, %swap3A_789, %swap3A_790, %swap3A_791] {strides = array<i32>} : memref<2x4x4x8x128xf32, #tpu.memory_space<vmem>>, vector<16xf32>,
        tpu.vector_store %arg7[%swap3A_787, %swap3A_788, %swap3A_789, %swap3A_790, %swap3A_791], %mul3A_783 {strides = array<i32>} : memref<2x4x4x8x128xf32, #tpu.memory_space<vmem>>, vector<16xf32>,
        %mul3A_793 = arith.mulf %gather3A_446, %min3A_753 : vector<16xf32>
        %swap3A_794 = arith.constant 1 : i32
        %swap3A_795 = arith.constant 0 : i32
        %swap3A_796 = arith.constant 4 : i32
        %swap3A_797 = arith.index_cast %swap3A_794 : i32 to index
        %swap3A_798 = arith.index_cast %swap3A_795 : i32 to index
        %swap3A_799 = arith.index_cast %select_n3A_380 : i32 to index
        %swap3A_800 = arith.index_cast %swap3A_796 : i32 to index
        %swap3A_801 = arith.index_cast %mul3A_398 : i32 to index
        %swap3A_802 = tpu.vector_load %arg7[%swap3A_797, %swap3A_798, %swap3A_799, %swap3A_800, %swap3A_801] {strides = array<i32>} : memref<2x4x4x8x128xf32, #tpu.memory_space<vmem>>, vector<16xf32>,
        tpu.vector_store %arg7[%swap3A_797, %swap3A_798, %swap3A_799, %swap3A_800, %swap3A_801], %mul3A_793 {strides = array<i32>} : memref<2x4x4x8x128xf32, #tpu.memory_space<vmem>>, vector<16xf32>,
        %mul3A_803 = arith.mulf %gather3A_456, %min3A_753 : vector<16xf32>
        %swap3A_804 = arith.constant 1 : i32
        %swap3A_805 = arith.constant 0 : i32
        %swap3A_806 = arith.constant 5 : i32
        %swap3A_807 = arith.index_cast %swap3A_804 : i32 to index
        %swap3A_808 = arith.index_cast %swap3A_805 : i32 to index
        %swap3A_809 = arith.index_cast %select_n3A_380 : i32 to index
        %swap3A_810 = arith.index_cast %swap3A_806 : i32 to index
        %swap3A_811 = arith.index_cast %mul3A_398 : i32 to index
        %swap3A_812 = tpu.vector_load %arg7[%swap3A_807, %swap3A_808, %swap3A_809, %swap3A_810, %swap3A_811] {strides = array<i32>} : memref<2x4x4x8x128xf32, #tpu.memory_space<vmem>>, vector<16xf32>,
        tpu.vector_store %arg7[%swap3A_807, %swap3A_808, %swap3A_809, %swap3A_810, %swap3A_811], %mul3A_803 {strides = array<i32>} : memref<2x4x4x8x128xf32, #tpu.memory_space<vmem>>, vector<16xf32>,
        %mul3A_813 = arith.mulf %gather3A_466, %min3A_753 : vector<16xf32>
        %swap3A_814 = arith.constant 1 : i32
        %swap3A_815 = arith.constant 0 : i32
        %swap3A_816 = arith.constant 6 : i32
        %swap3A_817 = arith.index_cast %swap3A_814 : i32 to index
        %swap3A_818 = arith.index_cast %swap3A_815 : i32 to index
        %swap3A_819 = arith.index_cast %select_n3A_380 : i32 to index
        %swap3A_820 = arith.index_cast %swap3A_816 : i32 to index
        %swap3A_821 = arith.index_cast %mul3A_398 : i32 to index
        %swap3A_822 = tpu.vector_load %arg7[%swap3A_817, %swap3A_818, %swap3A_819, %swap3A_820, %swap3A_821] {strides = array<i32>} : memref<2x4x4x8x128xf32, #tpu.memory_space<vmem>>, vector<16xf32>,
        tpu.vector_store %arg7[%swap3A_817, %swap3A_818, %swap3A_819, %swap3A_820, %swap3A_821], %mul3A_813 {strides = array<i32>} : memref<2x4x4x8x128xf32, #tpu.memory_space<vmem>>, vector<16xf32>,
        %mul3A_823 = arith.mulf %gather3A_476, %min3A_753 : vector<16xf32>
        %swap3A_824 = arith.constant 1 : i32
        %swap3A_825 = arith.constant 0 : i32
        %swap3A_826 = arith.constant 7 : i32
        %swap3A_827 = arith.index_cast %swap3A_824 : i32 to index
        %swap3A_828 = arith.index_cast %swap3A_825 : i32 to index
        %swap3A_829 = arith.index_cast %select_n3A_380 : i32 to index
        %swap3A_830 = arith.index_cast %swap3A_826 : i32 to index
        %swap3A_831 = arith.index_cast %mul3A_398 : i32 to index
        %swap3A_832 = tpu.vector_load %arg7[%swap3A_827, %swap3A_828, %swap3A_829, %swap3A_830, %swap3A_831] {strides = array<i32>} : memref<2x4x4x8x128xf32, #tpu.memory_space<vmem>>, vector<16xf32>,
        tpu.vector_store %arg7[%swap3A_827, %swap3A_828, %swap3A_829, %swap3A_830, %swap3A_831], %mul3A_823 {strides = array<i32>} : memref<2x4x4x8x128xf32, #tpu.memory_space<vmem>>, vector<16xf32>,
        %mul3A_833 = arith.mulf %gather3A_486, %min3A_753 : vector<16xf32>
        %swap3A_834 = arith.constant 1 : i32
        %swap3A_835 = arith.constant 1 : i32
        %swap3A_836 = arith.constant 0 : i32
        %swap3A_837 = arith.index_cast %swap3A_834 : i32 to index
        %swap3A_838 = arith.index_cast %swap3A_835 : i32 to index
        %swap3A_839 = arith.index_cast %select_n3A_380 : i32 to index
        %swap3A_840 = arith.index_cast %swap3A_836 : i32 to index
        %swap3A_841 = arith.index_cast %mul3A_398 : i32 to index
        %swap3A_842 = tpu.vector_load %arg7[%swap3A_837, %swap3A_838, %swap3A_839, %swap3A_840, %swap3A_841] {strides = array<i32>} : memref<2x4x4x8x128xf32, #tpu.memory_space<vmem>>, vector<16xf32>,
        tpu.vector_store %arg7[%swap3A_837, %swap3A_838, %swap3A_839, %swap3A_840, %swap3A_841], %mul3A_833 {strides = array<i32>} : memref<2x4x4x8x128xf32, #tpu.memory_space<vmem>>, vector<16xf32>,
        %mul3A_843 = arith.mulf %gather3A_496, %min3A_753 : vector<16xf32>
        %swap3A_844 = arith.constant 1 : i32
        %swap3A_845 = arith.constant 1 : i32
        %swap3A_846 = arith.constant 1 : i32
        %swap3A_847 = arith.index_cast %swap3A_844 : i32 to index
        %swap3A_848 = arith.index_cast %swap3A_845 : i32 to index
        %swap3A_849 = arith.index_cast %select_n3A_380 : i32 to index
        %swap3A_850 = arith.index_cast %swap3A_846 : i32 to index
        %swap3A_851 = arith.index_cast %mul3A_398 : i32 to index
        %swap3A_852 = tpu.vector_load %arg7[%swap3A_847, %swap3A_848, %swap3A_849, %swap3A_850, %swap3A_851] {strides = array<i32>} : memref<2x4x4x8x128xf32, #tpu.memory_space<vmem>>, vector<16xf32>,
        tpu.vector_store %arg7[%swap3A_847, %swap3A_848, %swap3A_849, %swap3A_850, %swap3A_851], %mul3A_843 {strides = array<i32>} : memref<2x4x4x8x128xf32, #tpu.memory_space<vmem>>, vector<16xf32>,
        %mul3A_853 = arith.mulf %gather3A_506, %min3A_753 : vector<16xf32>
        %swap3A_854 = arith.constant 1 : i32
        %swap3A_855 = arith.constant 1 : i32
        %swap3A_856 = arith.constant 2 : i32
        %swap3A_857 = arith.index_cast %swap3A_854 : i32 to index
        %swap3A_858 = arith.index_cast %swap3A_855 : i32 to index
        %swap3A_859 = arith.index_cast %select_n3A_380 : i32 to index
        %swap3A_860 = arith.index_cast %swap3A_856 : i32 to index
        %swap3A_861 = arith.index_cast %mul3A_398 : i32 to index
        %swap3A_862 = tpu.vector_load %arg7[%swap3A_857, %swap3A_858, %swap3A_859, %swap3A_860, %swap3A_861] {strides = array<i32>} : memref<2x4x4x8x128xf32, #tpu.memory_space<vmem>>, vector<16xf32>,
        tpu.vector_store %arg7[%swap3A_857, %swap3A_858, %swap3A_859, %swap3A_860, %swap3A_861], %mul3A_853 {strides = array<i32>} : memref<2x4x4x8x128xf32, #tpu.memory_space<vmem>>, vector<16xf32>,
        %mul3A_863 = arith.mulf %gather3A_516, %min3A_753 : vector<16xf32>
        %swap3A_864 = arith.constant 1 : i32
        %swap3A_865 = arith.constant 1 : i32
        %swap3A_866 = arith.constant 3 : i32
        %swap3A_867 = arith.index_cast %swap3A_864 : i32 to index
        %swap3A_868 = arith.index_cast %swap3A_865 : i32 to index
        %swap3A_869 = arith.index_cast %select_n3A_380 : i32 to index
        %swap3A_870 = arith.index_cast %swap3A_866 : i32 to index
        %swap3A_871 = arith.index_cast %mul3A_398 : i32 to index
        %swap3A_872 = tpu.vector_load %arg7[%swap3A_867, %swap3A_868, %swap3A_869, %swap3A_870, %swap3A_871] {strides = array<i32>} : memref<2x4x4x8x128xf32, #tpu.memory_space<vmem>>, vector<16xf32>,
        tpu.vector_store %arg7[%swap3A_867, %swap3A_868, %swap3A_869, %swap3A_870, %swap3A_871], %mul3A_863 {strides = array<i32>} : memref<2x4x4x8x128xf32, #tpu.memory_space<vmem>>, vector<16xf32>,
        %mul3A_873 = arith.mulf %gather3A_526, %min3A_753 : vector<16xf32>
        %swap3A_874 = arith.constant 1 : i32
        %swap3A_875 = arith.constant 1 : i32
        %swap3A_876 = arith.constant 4 : i32
        %swap3A_877 = arith.index_cast %swap3A_874 : i32 to index
        %swap3A_878 = arith.index_cast %swap3A_875 : i32 to index
        %swap3A_879 = arith.index_cast %select_n3A_380 : i32 to index
        %swap3A_880 = arith.index_cast %swap3A_876 : i32 to index
        %swap3A_881 = arith.index_cast %mul3A_398 : i32 to index
        %swap3A_882 = tpu.vector_load %arg7[%swap3A_877, %swap3A_878, %swap3A_879, %swap3A_880, %swap3A_881] {strides = array<i32>} : memref<2x4x4x8x128xf32, #tpu.memory_space<vmem>>, vector<16xf32>,
        tpu.vector_store %arg7[%swap3A_877, %swap3A_878, %swap3A_879, %swap3A_880, %swap3A_881], %mul3A_873 {strides = array<i32>} : memref<2x4x4x8x128xf32, #tpu.memory_space<vmem>>, vector<16xf32>,
        %mul3A_883 = arith.mulf %gather3A_536, %min3A_753 : vector<16xf32>
        %swap3A_884 = arith.constant 1 : i32
        %swap3A_885 = arith.constant 1 : i32
        %swap3A_886 = arith.constant 5 : i32
        %swap3A_887 = arith.index_cast %swap3A_884 : i32 to index
        %swap3A_888 = arith.index_cast %swap3A_885 : i32 to index
        %swap3A_889 = arith.index_cast %select_n3A_380 : i32 to index
        %swap3A_890 = arith.index_cast %swap3A_886 : i32 to index
        %swap3A_891 = arith.index_cast %mul3A_398 : i32 to index
        %swap3A_892 = tpu.vector_load %arg7[%swap3A_887, %swap3A_888, %swap3A_889, %swap3A_890, %swap3A_891] {strides = array<i32>} : memref<2x4x4x8x128xf32, #tpu.memory_space<vmem>>, vector<16xf32>,
        tpu.vector_store %arg7[%swap3A_887, %swap3A_888, %swap3A_889, %swap3A_890, %swap3A_891], %mul3A_883 {strides = array<i32>} : memref<2x4x4x8x128xf32, #tpu.memory_space<vmem>>, vector<16xf32>,
        %mul3A_893 = arith.mulf %gather3A_546, %min3A_753 : vector<16xf32>
        %swap3A_894 = arith.constant 1 : i32
        %swap3A_895 = arith.constant 1 : i32
        %swap3A_896 = arith.constant 6 : i32
        %swap3A_897 = arith.index_cast %swap3A_894 : i32 to index
        %swap3A_898 = arith.index_cast %swap3A_895 : i32 to index
        %swap3A_899 = arith.index_cast %select_n3A_380 : i32 to index
        %swap3A_900 = arith.index_cast %swap3A_896 : i32 to index
        %swap3A_901 = arith.index_cast %mul3A_398 : i32 to index
        %swap3A_902 = tpu.vector_load %arg7[%swap3A_897, %swap3A_898, %swap3A_899, %swap3A_900, %swap3A_901] {strides = array<i32>} : memref<2x4x4x8x128xf32, #tpu.memory_space<vmem>>, vector<16xf32>,
        tpu.vector_store %arg7[%swap3A_897, %swap3A_898, %swap3A_899, %swap3A_900, %swap3A_901], %mul3A_893 {strides = array<i32>} : memref<2x4x4x8x128xf32, #tpu.memory_space<vmem>>, vector<16xf32>,
        %mul3A_903 = arith.mulf %gather3A_556, %min3A_753 : vector<16xf32>
        %swap3A_904 = arith.constant 1 : i32
        %swap3A_905 = arith.constant 1 : i32
        %swap3A_906 = arith.constant 7 : i32
        %swap3A_907 = arith.index_cast %swap3A_904 : i32 to index
        %swap3A_908 = arith.index_cast %swap3A_905 : i32 to index
        %swap3A_909 = arith.index_cast %select_n3A_380 : i32 to index
        %swap3A_910 = arith.index_cast %swap3A_906 : i32 to index
        %swap3A_911 = arith.index_cast %mul3A_398 : i32 to index
        %swap3A_912 = tpu.vector_load %arg7[%swap3A_907, %swap3A_908, %swap3A_909, %swap3A_910, %swap3A_911] {strides = array<i32>} : memref<2x4x4x8x128xf32, #tpu.memory_space<vmem>>, vector<16xf32>,
        tpu.vector_store %arg7[%swap3A_907, %swap3A_908, %swap3A_909, %swap3A_910, %swap3A_911], %mul3A_903 {strides = array<i32>} : memref<2x4x4x8x128xf32, #tpu.memory_space<vmem>>, vector<16xf32>,
        %mul3A_913 = arith.mulf %gather3A_566, %min3A_753 : vector<16xf32>
        %swap3A_914 = arith.constant 1 : i32
        %swap3A_915 = arith.constant 2 : i32
        %swap3A_916 = arith.constant 0 : i32
        %swap3A_917 = arith.index_cast %swap3A_914 : i32 to index
        %swap3A_918 = arith.index_cast %swap3A_915 : i32 to index
        %swap3A_919 = arith.index_cast %select_n3A_380 : i32 to index
        %swap3A_920 = arith.index_cast %swap3A_916 : i32 to index
        %swap3A_921 = arith.index_cast %mul3A_398 : i32 to index
        %swap3A_922 = tpu.vector_load %arg7[%swap3A_917, %swap3A_918, %swap3A_919, %swap3A_920, %swap3A_921] {strides = array<i32>} : memref<2x4x4x8x128xf32, #tpu.memory_space<vmem>>, vector<16xf32>,
        tpu.vector_store %arg7[%swap3A_917, %swap3A_918, %swap3A_919, %swap3A_920, %swap3A_921], %mul3A_913 {strides = array<i32>} : memref<2x4x4x8x128xf32, #tpu.memory_space<vmem>>, vector<16xf32>,
        %mul3A_923 = arith.mulf %gather3A_576, %min3A_753 : vector<16xf32>
        %swap3A_924 = arith.constant 1 : i32
        %swap3A_925 = arith.constant 2 : i32
        %swap3A_926 = arith.constant 1 : i32
        %swap3A_927 = arith.index_cast %swap3A_924 : i32 to index
        %swap3A_928 = arith.index_cast %swap3A_925 : i32 to index
        %swap3A_929 = arith.index_cast %select_n3A_380 : i32 to index
        %swap3A_930 = arith.index_cast %swap3A_926 : i32 to index
        %swap3A_931 = arith.index_cast %mul3A_398 : i32 to index
        %swap3A_932 = tpu.vector_load %arg7[%swap3A_927, %swap3A_928, %swap3A_929, %swap3A_930, %swap3A_931] {strides = array<i32>} : memref<2x4x4x8x128xf32, #tpu.memory_space<vmem>>, vector<16xf32>,
        tpu.vector_store %arg7[%swap3A_927, %swap3A_928, %swap3A_929, %swap3A_930, %swap3A_931], %mul3A_923 {strides = array<i32>} : memref<2x4x4x8x128xf32, #tpu.memory_space<vmem>>, vector<16xf32>,
        %mul3A_933 = arith.mulf %gather3A_586, %min3A_753 : vector<16xf32>
        %swap3A_934 = arith.constant 1 : i32
        %swap3A_935 = arith.constant 2 : i32
        %swap3A_936 = arith.constant 2 : i32
        %swap3A_937 = arith.index_cast %swap3A_934 : i32 to index
        %swap3A_938 = arith.index_cast %swap3A_935 : i32 to index
        %swap3A_939 = arith.index_cast %select_n3A_380 : i32 to index
        %swap3A_940 = arith.index_cast %swap3A_936 : i32 to index
        %swap3A_941 = arith.index_cast %mul3A_398 : i32 to index
        %swap3A_942 = tpu.vector_load %arg7[%swap3A_937, %swap3A_938, %swap3A_939, %swap3A_940, %swap3A_941] {strides = array<i32>} : memref<2x4x4x8x128xf32, #tpu.memory_space<vmem>>, vector<16xf32>,
        tpu.vector_store %arg7[%swap3A_937, %swap3A_938, %swap3A_939, %swap3A_940, %swap3A_941], %mul3A_933 {strides = array<i32>} : memref<2x4x4x8x128xf32, #tpu.memory_space<vmem>>, vector<16xf32>,
        %mul3A_943 = arith.mulf %gather3A_596, %min3A_753 : vector<16xf32>
        %swap3A_944 = arith.constant 1 : i32
        %swap3A_945 = arith.constant 2 : i32
        %swap3A_946 = arith.constant 3 : i32
        %swap3A_947 = arith.index_cast %swap3A_944 : i32 to index
        %swap3A_948 = arith.index_cast %swap3A_945 : i32 to index
        %swap3A_949 = arith.index_cast %select_n3A_380 : i32 to index
        %swap3A_950 = arith.index_cast %swap3A_946 : i32 to index
        %swap3A_951 = arith.index_cast %mul3A_398 : i32 to index
        %swap3A_952 = tpu.vector_load %arg7[%swap3A_947, %swap3A_948, %swap3A_949, %swap3A_950, %swap3A_951] {strides = array<i32>} : memref<2x4x4x8x128xf32, #tpu.memory_space<vmem>>, vector<16xf32>,
        tpu.vector_store %arg7[%swap3A_947, %swap3A_948, %swap3A_949, %swap3A_950, %swap3A_951], %mul3A_943 {strides = array<i32>} : memref<2x4x4x8x128xf32, #tpu.memory_space<vmem>>, vector<16xf32>,
        %mul3A_953 = arith.mulf %gather3A_606, %min3A_753 : vector<16xf32>
        %swap3A_954 = arith.constant 1 : i32
        %swap3A_955 = arith.constant 2 : i32
        %swap3A_956 = arith.constant 4 : i32
        %swap3A_957 = arith.index_cast %swap3A_954 : i32 to index
        %swap3A_958 = arith.index_cast %swap3A_955 : i32 to index
        %swap3A_959 = arith.index_cast %select_n3A_380 : i32 to index
        %swap3A_960 = arith.index_cast %swap3A_956 : i32 to index
        %swap3A_961 = arith.index_cast %mul3A_398 : i32 to index
        %swap3A_962 = tpu.vector_load %arg7[%swap3A_957, %swap3A_958, %swap3A_959, %swap3A_960, %swap3A_961] {strides = array<i32>} : memref<2x4x4x8x128xf32, #tpu.memory_space<vmem>>, vector<16xf32>,
        tpu.vector_store %arg7[%swap3A_957, %swap3A_958, %swap3A_959, %swap3A_960, %swap3A_961], %mul3A_953 {strides = array<i32>} : memref<2x4x4x8x128xf32, #tpu.memory_space<vmem>>, vector<16xf32>,
        %mul3A_963 = arith.mulf %gather3A_616, %min3A_753 : vector<16xf32>
        %swap3A_964 = arith.constant 1 : i32
        %swap3A_965 = arith.constant 2 : i32
        %swap3A_966 = arith.constant 5 : i32
        %swap3A_967 = arith.index_cast %swap3A_964 : i32 to index
        %swap3A_968 = arith.index_cast %swap3A_965 : i32 to index
        %swap3A_969 = arith.index_cast %select_n3A_380 : i32 to index
        %swap3A_970 = arith.index_cast %swap3A_966 : i32 to index
        %swap3A_971 = arith.index_cast %mul3A_398 : i32 to index
        %swap3A_972 = tpu.vector_load %arg7[%swap3A_967, %swap3A_968, %swap3A_969, %swap3A_970, %swap3A_971] {strides = array<i32>} : memref<2x4x4x8x128xf32, #tpu.memory_space<vmem>>, vector<16xf32>,
        tpu.vector_store %arg7[%swap3A_967, %swap3A_968, %swap3A_969, %swap3A_970, %swap3A_971], %mul3A_963 {strides = array<i32>} : memref<2x4x4x8x128xf32, #tpu.memory_space<vmem>>, vector<16xf32>,
        %mul3A_973 = arith.mulf %gather3A_626, %min3A_753 : vector<16xf32>
        %swap3A_974 = arith.constant 1 : i32
        %swap3A_975 = arith.constant 2 : i32
        %swap3A_976 = arith.constant 6 : i32
        %swap3A_977 = arith.index_cast %swap3A_974 : i32 to index
        %swap3A_978 = arith.index_cast %swap3A_975 : i32 to index
        %swap3A_979 = arith.index_cast %select_n3A_380 : i32 to index
        %swap3A_980 = arith.index_cast %swap3A_976 : i32 to index
        %swap3A_981 = arith.index_cast %mul3A_398 : i32 to index
        %swap3A_982 = tpu.vector_load %arg7[%swap3A_977, %swap3A_978, %swap3A_979, %swap3A_980, %swap3A_981] {strides = array<i32>} : memref<2x4x4x8x128xf32, #tpu.memory_space<vmem>>, vector<16xf32>,
        tpu.vector_store %arg7[%swap3A_977, %swap3A_978, %swap3A_979, %swap3A_980, %swap3A_981], %mul3A_973 {strides = array<i32>} : memref<2x4x4x8x128xf32, #tpu.memory_space<vmem>>, vector<16xf32>,
        %mul3A_983 = arith.mulf %gather3A_636, %min3A_753 : vector<16xf32>
        %swap3A_984 = arith.constant 1 : i32
        %swap3A_985 = arith.constant 2 : i32
        %swap3A_986 = arith.constant 7 : i32
        %swap3A_987 = arith.index_cast %swap3A_984 : i32 to index
        %swap3A_988 = arith.index_cast %swap3A_985 : i32 to index
        %swap3A_989 = arith.index_cast %select_n3A_380 : i32 to index
        %swap3A_990 = arith.index_cast %swap3A_986 : i32 to index
        %swap3A_991 = arith.index_cast %mul3A_398 : i32 to index
        %swap3A_992 = tpu.vector_load %arg7[%swap3A_987, %swap3A_988, %swap3A_989, %swap3A_990, %swap3A_991] {strides = array<i32>} : memref<2x4x4x8x128xf32, #tpu.memory_space<vmem>>, vector<16xf32>,
        tpu.vector_store %arg7[%swap3A_987, %swap3A_988, %swap3A_989, %swap3A_990, %swap3A_991], %mul3A_983 {strides = array<i32>} : memref<2x4x4x8x128xf32, #tpu.memory_space<vmem>>, vector<16xf32>,
        %mul3A_993 = arith.mulf %gather3A_646, %min3A_753 : vector<16xf32>
        %swap3A_994 = arith.constant 1 : i32
        %swap3A_995 = arith.constant 3 : i32
        %swap3A_996 = arith.constant 0 : i32
        %swap3A_997 = arith.index_cast %swap3A_994 : i32 to index
        %swap3A_998 = arith.index_cast %swap3A_995 : i32 to index
        %swap3A_999 = arith.index_cast %select_n3A_380 : i32 to index
        %swap3A_1000 = arith.index_cast %swap3A_996 : i32 to index
        %swap3A_1001 = arith.index_cast %mul3A_398 : i32 to index
        %swap3A_1002 = tpu.vector_load %arg7[%swap3A_997, %swap3A_998, %swap3A_999, %swap3A_1000, %swap3A_1001] {strides = array<i32>} : memref<2x4x4x8x128xf32, #tpu.memory_space<vmem>>, vector<16xf32>,
        tpu.vector_store %arg7[%swap3A_997, %swap3A_998, %swap3A_999, %swap3A_1000, %swap3A_1001], %mul3A_993 {strides = array<i32>} : memref<2x4x4x8x128xf32, #tpu.memory_space<vmem>>, vector<16xf32>,
        %mul3A_1003 = arith.mulf %gather3A_656, %min3A_753 : vector<16xf32>
        %swap3A_1004 = arith.constant 1 : i32
        %swap3A_1005 = arith.constant 3 : i32
        %swap3A_1006 = arith.constant 1 : i32
        %swap3A_1007 = arith.index_cast %swap3A_1004 : i32 to index
        %swap3A_1008 = arith.index_cast %swap3A_1005 : i32 to index
        %swap3A_1009 = arith.index_cast %select_n3A_380 : i32 to index
        %swap3A_1010 = arith.index_cast %swap3A_1006 : i32 to index
        %swap3A_1011 = arith.index_cast %mul3A_398 : i32 to index
        %swap3A_1012 = tpu.vector_load %arg7[%swap3A_1007, %swap3A_1008, %swap3A_1009, %swap3A_1010, %swap3A_1011] {strides = array<i32>} : memref<2x4x4x8x128xf32, #tpu.memory_space<vmem>>, vector<16xf32>,
        tpu.vector_store %arg7[%swap3A_1007, %swap3A_1008, %swap3A_1009, %swap3A_1010, %swap3A_1011], %mul3A_1003 {strides = array<i32>} : memref<2x4x4x8x128xf32, #tpu.memory_space<vmem>>, vector<16xf32>,
        %mul3A_1013 = arith.mulf %gather3A_666, %min3A_753 : vector<16xf32>
        %swap3A_1014 = arith.constant 1 : i32
        %swap3A_1015 = arith.constant 3 : i32
        %swap3A_1016 = arith.constant 2 : i32
        %swap3A_1017 = arith.index_cast %swap3A_1014 : i32 to index
        %swap3A_1018 = arith.index_cast %swap3A_1015 : i32 to index
        %swap3A_1019 = arith.index_cast %select_n3A_380 : i32 to index
        %swap3A_1020 = arith.index_cast %swap3A_1016 : i32 to index
        %swap3A_1021 = arith.index_cast %mul3A_398 : i32 to index
        %swap3A_1022 = tpu.vector_load %arg7[%swap3A_1017, %swap3A_1018, %swap3A_1019, %swap3A_1020, %swap3A_1021] {strides = array<i32>} : memref<2x4x4x8x128xf32, #tpu.memory_space<vmem>>, vector<16xf32>,
        tpu.vector_store %arg7[%swap3A_1017, %swap3A_1018, %swap3A_1019, %swap3A_1020, %swap3A_1021], %mul3A_1013 {strides = array<i32>} : memref<2x4x4x8x128xf32, #tpu.memory_space<vmem>>, vector<16xf32>,
        %mul3A_1023 = arith.mulf %gather3A_676, %min3A_753 : vector<16xf32>
        %swap3A_1024 = arith.constant 1 : i32
        %swap3A_1025 = arith.constant 3 : i32
        %swap3A_1026 = arith.constant 3 : i32
        %swap3A_1027 = arith.index_cast %swap3A_1024 : i32 to index
        %swap3A_1028 = arith.index_cast %swap3A_1025 : i32 to index
        %swap3A_1029 = arith.index_cast %select_n3A_380 : i32 to index
        %swap3A_1030 = arith.index_cast %swap3A_1026 : i32 to index
        %swap3A_1031 = arith.index_cast %mul3A_398 : i32 to index
        %swap3A_1032 = tpu.vector_load %arg7[%swap3A_1027, %swap3A_1028, %swap3A_1029, %swap3A_1030, %swap3A_1031] {strides = array<i32>} : memref<2x4x4x8x128xf32, #tpu.memory_space<vmem>>, vector<16xf32>,
        tpu.vector_store %arg7[%swap3A_1027, %swap3A_1028, %swap3A_1029, %swap3A_1030, %swap3A_1031], %mul3A_1023 {strides = array<i32>} : memref<2x4x4x8x128xf32, #tpu.memory_space<vmem>>, vector<16xf32>,
        %mul3A_1033 = arith.mulf %gather3A_686, %min3A_753 : vector<16xf32>
        %swap3A_1034 = arith.constant 1 : i32
        %swap3A_1035 = arith.constant 3 : i32
        %swap3A_1036 = arith.constant 4 : i32
        %swap3A_1037 = arith.index_cast %swap3A_1034 : i32 to index
        %swap3A_1038 = arith.index_cast %swap3A_1035 : i32 to index
        %swap3A_1039 = arith.index_cast %select_n3A_380 : i32 to index
        %swap3A_1040 = arith.index_cast %swap3A_1036 : i32 to index
        %swap3A_1041 = arith.index_cast %mul3A_398 : i32 to index
        %swap3A_1042 = tpu.vector_load %arg7[%swap3A_1037, %swap3A_1038, %swap3A_1039, %swap3A_1040, %swap3A_1041] {strides = array<i32>} : memref<2x4x4x8x128xf32, #tpu.memory_space<vmem>>, vector<16xf32>,
        tpu.vector_store %arg7[%swap3A_1037, %swap3A_1038, %swap3A_1039, %swap3A_1040, %swap3A_1041], %mul3A_1033 {strides = array<i32>} : memref<2x4x4x8x128xf32, #tpu.memory_space<vmem>>, vector<16xf32>,
        %mul3A_1043 = arith.mulf %gather3A_696, %min3A_753 : vector<16xf32>
        %swap3A_1044 = arith.constant 1 : i32
        %swap3A_1045 = arith.constant 3 : i32
        %swap3A_1046 = arith.constant 5 : i32
        %swap3A_1047 = arith.index_cast %swap3A_1044 : i32 to index
        %swap3A_1048 = arith.index_cast %swap3A_1045 : i32 to index
        %swap3A_1049 = arith.index_cast %select_n3A_380 : i32 to index
        %swap3A_1050 = arith.index_cast %swap3A_1046 : i32 to index
        %swap3A_1051 = arith.index_cast %mul3A_398 : i32 to index
        %swap3A_1052 = tpu.vector_load %arg7[%swap3A_1047, %swap3A_1048, %swap3A_1049, %swap3A_1050, %swap3A_1051] {strides = array<i32>} : memref<2x4x4x8x128xf32, #tpu.memory_space<vmem>>, vector<16xf32>,
        tpu.vector_store %arg7[%swap3A_1047, %swap3A_1048, %swap3A_1049, %swap3A_1050, %swap3A_1051], %mul3A_1043 {strides = array<i32>} : memref<2x4x4x8x128xf32, #tpu.memory_space<vmem>>, vector<16xf32>,
        %mul3A_1053 = arith.mulf %gather3A_706, %min3A_753 : vector<16xf32>
        %swap3A_1054 = arith.constant 1 : i32
        %swap3A_1055 = arith.constant 3 : i32
        %swap3A_1056 = arith.constant 6 : i32
        %swap3A_1057 = arith.index_cast %swap3A_1054 : i32 to index
        %swap3A_1058 = arith.index_cast %swap3A_1055 : i32 to index
        %swap3A_1059 = arith.index_cast %select_n3A_380 : i32 to index
        %swap3A_1060 = arith.index_cast %swap3A_1056 : i32 to index
        %swap3A_1061 = arith.index_cast %mul3A_398 : i32 to index
        %swap3A_1062 = tpu.vector_load %arg7[%swap3A_1057, %swap3A_1058, %swap3A_1059, %swap3A_1060, %swap3A_1061] {strides = array<i32>} : memref<2x4x4x8x128xf32, #tpu.memory_space<vmem>>, vector<16xf32>,
        tpu.vector_store %arg7[%swap3A_1057, %swap3A_1058, %swap3A_1059, %swap3A_1060, %swap3A_1061], %mul3A_1053 {strides = array<i32>} : memref<2x4x4x8x128xf32, #tpu.memory_space<vmem>>, vector<16xf32>,
        %mul3A_1063 = arith.mulf %gather3A_716, %min3A_753 : vector<16xf32>
        %swap3A_1064 = arith.constant 1 : i32
        %swap3A_1065 = arith.constant 3 : i32
        %swap3A_1066 = arith.constant 7 : i32
        %swap3A_1067 = arith.index_cast %swap3A_1064 : i32 to index
        %swap3A_1068 = arith.index_cast %swap3A_1065 : i32 to index
        %swap3A_1069 = arith.index_cast %select_n3A_380 : i32 to index
        %swap3A_1070 = arith.index_cast %swap3A_1066 : i32 to index
        %swap3A_1071 = arith.index_cast %mul3A_398 : i32 to index
        %swap3A_1072 = tpu.vector_load %arg7[%swap3A_1067, %swap3A_1068, %swap3A_1069, %swap3A_1070, %swap3A_1071] {strides = array<i32>} : memref<2x4x4x8x128xf32, #tpu.memory_space<vmem>>, vector<16xf32>,
        tpu.vector_store %arg7[%swap3A_1067, %swap3A_1068, %swap3A_1069, %swap3A_1070, %swap3A_1071], %mul3A_1063 {strides = array<i32>} : memref<2x4x4x8x128xf32, #tpu.memory_space<vmem>>, vector<16xf32>,
      }
      %scan3A_279 = arith.constant 32 : i32
      %add3A_280 = arith.addi %mul3A_2, %add3A_256 : i32
      %jit3A_281 = arith.constant 8 : i32
      %div3A_282 = arith.divsi %add3A_280, %jit3A_281 : i32
      %sign3A_283 = arith.constant 0 : i32
      %sign3A_284 = arith.cmpi sgt, %add3A_280, %sign3A_283 : i32
      %sign3A_285 = arith.extui %sign3A_284 : i1 to i32
      %sign3A_286 = arith.constant 0 : i32
      %sign3A_287 = arith.cmpi slt, %add3A_280, %sign3A_286 : i32
      %sign3A_288 = arith.extui %sign3A_287 : i1 to i32
      %sign3A_289 = arith.subi %sign3A_285, %sign3A_288 : i32
      %sign3A_290 = arith.constant 0 : i32
      %sign3A_291 = arith.cmpi sgt, %jit3A_281, %sign3A_290 : i32
      %sign3A_292 = arith.extui %sign3A_291 : i1 to i32
      %sign3A_293 = arith.constant 0 : i32
      %sign3A_294 = arith.cmpi slt, %jit3A_281, %sign3A_293 : i32
      %sign3A_295 = arith.extui %sign3A_294 : i1 to i32
      %sign3A_296 = arith.subi %sign3A_292, %sign3A_295 : i32
      %ne3A_297 = arith.cmpi ne, %sign3A_289, %sign3A_296 : i32
      %rem3A_298 = arith.remsi %add3A_280, %jit3A_281 : i32
      %ne3A_299 = arith.constant 0 : i32
      %ne3A_300 = arith.cmpi ne, %rem3A_298, %ne3A_299 : i32
      %and3A_301 = arith.andi %ne3A_297, %ne3A_300 : i1
      %sub3A_302 = arith.constant 1 : i32
      %sub3A_303 = arith.subi %div3A_282, %sub3A_302 : i32
      %select_n3A_304 = arith.select %and3A_301, %sub3A_303, %div3A_282 : i32
      %jit3A_305 = arith.constant 8 : i32
      %eq3A_306 = arith.constant 0 : i32
      %eq3A_307 = arith.cmpi eq, %jit3A_305, %eq3A_306 : i32
      %jit3A_308 = arith.constant 1 : i32
      %select_n3A_309 = arith.select %eq3A_307, %jit3A_308, %jit3A_305 : i32
      %rem3A_310 = arith.remsi %add3A_280, %select_n3A_309 : i32
      %ne3A_311 = arith.constant 0 : i32
      %ne3A_312 = arith.cmpi ne, %rem3A_310, %ne3A_311 : i32
      %lt3A_313 = arith.constant 0 : i32
      %lt3A_314 = arith.cmpi slt, %rem3A_310, %lt3A_313 : i32
      %lt3A_315 = arith.constant 0 : i32
      %lt3A_316 = arith.cmpi slt, %select_n3A_309, %lt3A_315 : i32
      %ne3A_317 = arith.xori %lt3A_314, %lt3A_316 : i1
      %and3A_318 = arith.andi %ne3A_317, %ne3A_312 : i1
      %add3A_319 = arith.addi %rem3A_310, %select_n3A_309 : i32
      %select_n3A_320 = arith.select %and3A_318, %add3A_319, %rem3A_310 : i32
      %mul3A_321 = arith.constant 4 : i32
      %mul3A_322 = arith.muli %select_n3A_320, %mul3A_321 : i32
      %multiple_of3A_323 = tpu.assume_multiple %mul3A_322, 4 : i32
      %dma_start3A_324 = arith.constant 1 : i32
      %dma_start3A_325 = arith.constant 0 : i32
      %dma_start3A_326 = arith.constant 0 : i32
      %dma_start3A_327 = arith.constant 0 : i32
      %dma_start3A_328 = arith.constant 0 : i32
      %dma_start3A_329 = tpu.memref_slice %arg7[%dma_start3A_324, %dma_start3A_325, %dma_start3A_326, %dma_start3A_327, %dma_start3A_328] : memref<2x4x4x8x128xf32, #tpu.memory_space<vmem>> -> memref<1x4x4x8x128xf32, #tpu.memory_space<vmem>>
      %dma_start3A_330 = tpu.memref_squeeze %dma_start3A_329 : memref<1x4x4x8x128xf32, #tpu.memory_space<vmem>> -> memref<4x4x8x128xf32, #tpu.memory_space<vmem>>
      %dma_start3A_331 = arith.constant 0 : i32
      %dma_start3A_332 = arith.constant 0 : i32
      %dma_start3A_333 = arith.constant 0 : i32
      %dma_start3A_334 = tpu.memref_slice %arg4[%select_n3A_304, %dma_start3A_331, %multiple_of3A_323, %dma_start3A_332, %dma_start3A_333] : memref<200x4x32x8x128xf32, #tpu.memory_space<hbm>> -> memref<1x4x4x8x128xf32, #tpu.memory_space<hbm>>
      %dma_start3A_335 = tpu.memref_squeeze %dma_start3A_334 : memref<1x4x4x8x128xf32, #tpu.memory_space<hbm>> -> memref<4x4x8x128xf32, #tpu.memory_space<hbm>>
      %dma_start3A_336 = arith.constant 0 : i32
      %dma_start3A_337 = arith.constant 0 : i32
      %dma_start3A_338 = arith.constant 0 : i32
      %dma_start3A_339 = tpu.memref_slice %arg4[%select_n3A_304, %dma_start3A_336, %multiple_of3A_323, %dma_start3A_337, %dma_start3A_338] : memref<200x4x32x8x128xf32, #tpu.memory_space<hbm>> -> memref<1x4x4x8x128xf32, #tpu.memory_space<hbm>>
      %dma_start3A_340 = tpu.memref_squeeze %dma_start3A_339 : memref<1x4x4x8x128xf32, #tpu.memory_space<hbm>> -> memref<4x4x8x128xf32, #tpu.memory_space<hbm>>
      %dma_start3A_341 = arith.constant 0 : i32
      %dma_start3A_342 = arith.constant 0 : i32
      %dma_start3A_343 = arith.constant 0 : i32
      %dma_start3A_344 = arith.constant 0 : i32
      %dma_start3A_345 = tpu.memref_slice %arg7[%dma_start3A_324, %dma_start3A_341, %dma_start3A_342, %dma_start3A_343, %dma_start3A_344] : memref<2x4x4x8x128xf32, #tpu.memory_space<vmem>> -> memref<1x4x4x8x128xf32, #tpu.memory_space<vmem>>
      %dma_start3A_346 = tpu.memref_squeeze %dma_start3A_345 : memref<1x4x4x8x128xf32, #tpu.memory_space<vmem>> -> memref<4x4x8x128xf32, #tpu.memory_space<vmem>>
      tpu.enqueue_dma source(%dma_start3A_346 : memref<4x4x8x128xf32, #tpu.memory_space<vmem>>) target(%dma_start3A_340 : memref<4x4x8x128xf32, #tpu.memory_space<hbm>>) target_semaphore(%arg11 : memref<!tpu.dma_semaphore, #tpu.memory_space<semaphore_mem>>)
      %lt3A_347 = arith.constant 24 : i32
      %lt3A_348 = arith.cmpi slt, %scan3A_156, %lt3A_347 : i32
      %convert_element_type3A_349 = arith.extui %lt3A_348 : i1 to i32
      %cond3A_350 = arith.constant 0 : i32
      %cond3A_351 = arith.cmpi ne, %convert_element_type3A_349, %cond3A_350 : i32
      scf.if %cond3A_351 {
        %add3A_352 = arith.constant 2 : i32
        %add3A_353 = arith.addi %add3A_256, %add3A_352 : i32
        %mul3A_354 = arith.constant 512 : i32
        %mul3A_355 = arith.muli %add3A_353, %mul3A_354 : i32
        %multiple_of3A_356 = tpu.assume_multiple %mul3A_355, 8 : i32
        %dma_start3A_357 = arith.constant 1 : i32
        %dma_start3A_358 = arith.constant 0 : i32
        %dma_start3A_359 = arith.constant 0 : i32
        %dma_start3A_360 = tpu.memref_slice %arg6[%dma_start3A_357, %dma_start3A_358, %dma_start3A_359] : memref<2x512x32xf32, #tpu.memory_space<vmem>> -> memref<1x512x32xf32, #tpu.memory_space<vmem>>
        %dma_start3A_361 = tpu.memref_squeeze %dma_start3A_360 : memref<1x512x32xf32, #tpu.memory_space<vmem>> -> memref<512x32xf32, #tpu.memory_space<vmem>>
        %dma_start3A_362 = tpu.memref_slice %arg5[%multiple_of3A_356] : memref<25600xi32, #tpu.memory_space<vmem>> -> memref<512xi32, #tpu.memory_space<vmem>>
        %dma_start3A_363 = arith.constant 0 : i32
        %dma_start3A_364 = arith.constant 0 : i32
        %dma_start3A_365 = tpu.memref_slice %arg3[%dma_start3A_363, %dma_start3A_364] : memref<1000000x32xf32, #tpu.memory_space<hbm>> -> memref<1000000x32xf32, #tpu.memory_space<hbm>>
        tpu.enqueue_indirect_dma source(%dma_start3A_365 : memref<1000000x32xf32, #tpu.memory_space<hbm>>) target(%dma_start3A_361 : memref<512x32xf32, #tpu.memory_space<vmem>>) offsets(%dma_start3A_362 : memref<512xi32, #tpu.memory_space<vmem>>) semaphore(%arg9 : memref<!tpu.dma_semaphore, #tpu.memory_space<semaphore_mem>>)
      } else {
      }
    }
    %scan3A_30 = arith.constant 25 : i32
    %add3A_31 = arith.constant 48 : i32
    %add3A_32 = arith.addi %mul3A_2, %add3A_31 : i32
    %jit3A = arith.constant 8 : i32
    %div3A = arith.divsi %add3A_32, %jit3A : i32
    %sign3A = arith.constant 0 : i32
    %sign3A_33 = arith.cmpi sgt, %add3A_32, %sign3A : i32
    %sign3A_34 = arith.extui %sign3A_33 : i1 to i32
    %sign3A_35 = arith.constant 0 : i32
    %sign3A_36 = arith.cmpi slt, %add3A_32, %sign3A_35 : i32
    %sign3A_37 = arith.extui %sign3A_36 : i1 to i32
    %sign3A_38 = arith.subi %sign3A_34, %sign3A_37 : i32
    %sign3A_39 = arith.constant 0 : i32
    %sign3A_40 = arith.cmpi sgt, %jit3A, %sign3A_39 : i32
    %sign3A_41 = arith.extui %sign3A_40 : i1 to i32
    %sign3A_42 = arith.constant 0 : i32
    %sign3A_43 = arith.cmpi slt, %jit3A, %sign3A_42 : i32
    %sign3A_44 = arith.extui %sign3A_43 : i1 to i32
    %sign3A_45 = arith.subi %sign3A_41, %sign3A_44 : i32
    %ne3A = arith.cmpi ne, %sign3A_38, %sign3A_45 : i32
    %rem3A = arith.remsi %add3A_32, %jit3A : i32
    %ne3A_46 = arith.constant 0 : i32
    %ne3A_47 = arith.cmpi ne, %rem3A, %ne3A_46 : i32
    %and3A = arith.andi %ne3A, %ne3A_47 : i1
    %sub3A = arith.constant 1 : i32
    %sub3A_48 = arith.subi %div3A, %sub3A : i32
    %select_n3A = arith.select %and3A, %sub3A_48, %div3A : i32
    %jit3A_49 = arith.constant 8 : i32
    %eq3A = arith.constant 0 : i32
    %eq3A_50 = arith.cmpi eq, %jit3A_49, %eq3A : i32
    %jit3A_51 = arith.constant 1 : i32
    %select_n3A_52 = arith.select %eq3A_50, %jit3A_51, %jit3A_49 : i32
    %rem3A_53 = arith.remsi %add3A_32, %select_n3A_52 : i32
    %ne3A_54 = arith.constant 0 : i32
    %ne3A_55 = arith.cmpi ne, %rem3A_53, %ne3A_54 : i32
    %lt3A = arith.constant 0 : i32
    %lt3A_56 = arith.cmpi slt, %rem3A_53, %lt3A : i32
    %lt3A_57 = arith.constant 0 : i32
    %lt3A_58 = arith.cmpi slt, %select_n3A_52, %lt3A_57 : i32
    %ne3A_59 = arith.xori %lt3A_56, %lt3A_58 : i1
    %and3A_60 = arith.andi %ne3A_59, %ne3A_55 : i1
    %add3A_61 = arith.addi %rem3A_53, %select_n3A_52 : i32
    %select_n3A_62 = arith.select %and3A_60, %add3A_61, %rem3A_53 : i32
    %mul3A_63 = arith.constant 4 : i32
    %mul3A_64 = arith.muli %select_n3A_62, %mul3A_63 : i32
    %multiple_of3A_65 = tpu.assume_multiple %mul3A_64, 4 : i32
    %dma_wait3A = arith.constant 0 : i32
    %dma_wait3A_66 = arith.constant 0 : i32
    %dma_wait3A_67 = arith.constant 0 : i32
    %dma_wait3A_68 = arith.constant 0 : i32
    %dma_wait3A_69 = arith.constant 0 : i32
    %dma_wait3A_70 = tpu.memref_slice %arg7[%dma_wait3A, %dma_wait3A_66, %dma_wait3A_67, %dma_wait3A_68, %dma_wait3A_69] : memref<2x4x4x8x128xf32, #tpu.memory_space<vmem>> -> memref<1x4x4x8x128xf32, #tpu.memory_space<vmem>>
    %dma_wait3A_71 = tpu.memref_squeeze %dma_wait3A_70 : memref<1x4x4x8x128xf32, #tpu.memory_space<vmem>> -> memref<4x4x8x128xf32, #tpu.memory_space<vmem>>
    %dma_wait3A_72 = arith.constant 0 : i32
    %dma_wait3A_73 = arith.constant 0 : i32
    %dma_wait3A_74 = arith.constant 0 : i32
    %dma_wait3A_75 = tpu.memref_slice %arg4[%select_n3A, %dma_wait3A_72, %multiple_of3A_65, %dma_wait3A_73, %dma_wait3A_74] : memref<200x4x32x8x128xf32, #tpu.memory_space<hbm>> -> memref<1x4x4x8x128xf32, #tpu.memory_space<hbm>>
    %dma_wait3A_76 = tpu.memref_squeeze %dma_wait3A_75 : memref<1x4x4x8x128xf32, #tpu.memory_space<hbm>> -> memref<4x4x8x128xf32, #tpu.memory_space<hbm>>
    %dma_wait3A_77 = arith.constant 0 : i32
    %dma_wait3A_78 = arith.constant 0 : i32
    %dma_wait3A_79 = arith.constant 0 : i32
    %dma_wait3A_80 = tpu.memref_slice %arg4[%select_n3A, %dma_wait3A_77, %multiple_of3A_65, %dma_wait3A_78, %dma_wait3A_79] : memref<200x4x32x8x128xf32, #tpu.memory_space<hbm>> -> memref<1x4x4x8x128xf32, #tpu.memory_space<hbm>>
    %dma_wait3A_81 = tpu.memref_squeeze %dma_wait3A_80 : memref<1x4x4x8x128xf32, #tpu.memory_space<hbm>> -> memref<4x4x8x128xf32, #tpu.memory_space<hbm>>
    %dma_wait3A_82 = arith.constant 0 : i32
    %dma_wait3A_83 = arith.constant 0 : i32
    %dma_wait3A_84 = arith.constant 0 : i32
    %dma_wait3A_85 = arith.constant 0 : i32
    %dma_wait3A_86 = tpu.memref_slice %arg7[%dma_wait3A, %dma_wait3A_82, %dma_wait3A_83, %dma_wait3A_84, %dma_wait3A_85] : memref<2x4x4x8x128xf32, #tpu.memory_space<vmem>> -> memref<1x4x4x8x128xf32, #tpu.memory_space<vmem>>
    %dma_wait3A_87 = tpu.memref_squeeze %dma_wait3A_86 : memref<1x4x4x8x128xf32, #tpu.memory_space<vmem>> -> memref<4x4x8x128xf32, #tpu.memory_space<vmem>>
    tpu.wait_dma2 semaphore(%arg10 : memref<!tpu.dma_semaphore, #tpu.memory_space<semaphore_mem>>) src(%dma_wait3A_87 : memref<4x4x8x128xf32, #tpu.memory_space<vmem>>) dst(%dma_wait3A_81 : memref<4x4x8x128xf32, #tpu.memory_space<hbm>>)
    %add3A_88 = arith.constant 49 : i32
    %add3A_89 = arith.addi %mul3A_2, %add3A_88 : i32
    %jit3A_90 = arith.constant 8 : i32
    %div3A_91 = arith.divsi %add3A_89, %jit3A_90 : i32
    %sign3A_92 = arith.constant 0 : i32
    %sign3A_93 = arith.cmpi sgt, %add3A_89, %sign3A_92 : i32
    %sign3A_94 = arith.extui %sign3A_93 : i1 to i32
    %sign3A_95 = arith.constant 0 : i32
    %sign3A_96 = arith.cmpi slt, %add3A_89, %sign3A_95 : i32
    %sign3A_97 = arith.extui %sign3A_96 : i1 to i32
    %sign3A_98 = arith.subi %sign3A_94, %sign3A_97 : i32
    %sign3A_99 = arith.constant 0 : i32
    %sign3A_100 = arith.cmpi sgt, %jit3A_90, %sign3A_99 : i32
    %sign3A_101 = arith.extui %sign3A_100 : i1 to i32
    %sign3A_102 = arith.constant 0 : i32
    %sign3A_103 = arith.cmpi slt, %jit3A_90, %sign3A_102 : i32
    %sign3A_104 = arith.extui %sign3A_103 : i1 to i32
    %sign3A_105 = arith.subi %sign3A_101, %sign3A_104 : i32
    %ne3A_106 = arith.cmpi ne, %sign3A_98, %sign3A_105 : i32
    %rem3A_107 = arith.remsi %add3A_89, %jit3A_90 : i32
    %ne3A_108 = arith.constant 0 : i32
    %ne3A_109 = arith.cmpi ne, %rem3A_107, %ne3A_108 : i32
    %and3A_110 = arith.andi %ne3A_106, %ne3A_109 : i1
    %sub3A_111 = arith.constant 1 : i32
    %sub3A_112 = arith.subi %div3A_91, %sub3A_111 : i32
    %select_n3A_113 = arith.select %and3A_110, %sub3A_112, %div3A_91 : i32
    %jit3A_114 = arith.constant 8 : i32
    %eq3A_115 = arith.constant 0 : i32
    %eq3A_116 = arith.cmpi eq, %jit3A_114, %eq3A_115 : i32
    %jit3A_117 = arith.constant 1 : i32
    %select_n3A_118 = arith.select %eq3A_116, %jit3A_117, %jit3A_114 : i32
    %rem3A_119 = arith.remsi %add3A_89, %select_n3A_118 : i32
    %ne3A_120 = arith.constant 0 : i32
    %ne3A_121 = arith.cmpi ne, %rem3A_119, %ne3A_120 : i32
    %lt3A_122 = arith.constant 0 : i32
    %lt3A_123 = arith.cmpi slt, %rem3A_119, %lt3A_122 : i32
    %lt3A_124 = arith.constant 0 : i32
    %lt3A_125 = arith.cmpi slt, %select_n3A_118, %lt3A_124 : i32
    %ne3A_126 = arith.xori %lt3A_123, %lt3A_125 : i1
    %and3A_127 = arith.andi %ne3A_126, %ne3A_121 : i1
    %add3A_128 = arith.addi %rem3A_119, %select_n3A_118 : i32
    %select_n3A_129 = arith.select %and3A_127, %add3A_128, %rem3A_119 : i32
    %mul3A_130 = arith.constant 4 : i32
    %mul3A_131 = arith.muli %select_n3A_129, %mul3A_130 : i32
    %multiple_of3A_132 = tpu.assume_multiple %mul3A_131, 4 : i32
    %dma_wait3A_133 = arith.constant 1 : i32
    %dma_wait3A_134 = arith.constant 0 : i32
    %dma_wait3A_135 = arith.constant 0 : i32
    %dma_wait3A_136 = arith.constant 0 : i32
    %dma_wait3A_137 = arith.constant 0 : i32
    %dma_wait3A_138 = tpu.memref_slice %arg7[%dma_wait3A_133, %dma_wait3A_134, %dma_wait3A_135, %dma_wait3A_136, %dma_wait3A_137] : memref<2x4x4x8x128xf32, #tpu.memory_space<vmem>> -> memref<1x4x4x8x128xf32, #tpu.memory_space<vmem>>
    %dma_wait3A_139 = tpu.memref_squeeze %dma_wait3A_138 : memref<1x4x4x8x128xf32, #tpu.memory_space<vmem>> -> memref<4x4x8x128xf32, #tpu.memory_space<vmem>>
    %dma_wait3A_140 = arith.constant 0 : i32
    %dma_wait3A_141 = arith.constant 0 : i32
    %dma_wait3A_142 = arith.constant 0 : i32
    %dma_wait3A_143 = tpu.memref_slice %arg4[%select_n3A_113, %dma_wait3A_140, %multiple_of3A_132, %dma_wait3A_141, %dma_wait3A_142] : memref<200x4x32x8x128xf32, #tpu.memory_space<hbm>> -> memref<1x4x4x8x128xf32, #tpu.memory_space<hbm>>
    %dma_wait3A_144 = tpu.memref_squeeze %dma_wait3A_143 : memref<1x4x4x8x128xf32, #tpu.memory_space<hbm>> -> memref<4x4x8x128xf32, #tpu.memory_space<hbm>>
    %dma_wait3A_145 = arith.constant 0 : i32
    %dma_wait3A_146 = arith.constant 0 : i32
    %dma_wait3A_147 = arith.constant 0 : i32
    %dma_wait3A_148 = tpu.memref_slice %arg4[%select_n3A_113, %dma_wait3A_145, %multiple_of3A_132, %dma_wait3A_146, %dma_wait3A_147] : memref<200x4x32x8x128xf32, #tpu.memory_space<hbm>> -> memref<1x4x4x8x128xf32, #tpu.memory_space<hbm>>
    %dma_wait3A_149 = tpu.memref_squeeze %dma_wait3A_148 : memref<1x4x4x8x128xf32, #tpu.memory_space<hbm>> -> memref<4x4x8x128xf32, #tpu.memory_space<hbm>>
    %dma_wait3A_150 = arith.constant 0 : i32
    %dma_wait3A_151 = arith.constant 0 : i32
    %dma_wait3A_152 = arith.constant 0 : i32
    %dma_wait3A_153 = arith.constant 0 : i32
    %dma_wait3A_154 = tpu.memref_slice %arg7[%dma_wait3A_133, %dma_wait3A_150, %dma_wait3A_151, %dma_wait3A_152, %dma_wait3A_153] : memref<2x4x4x8x128xf32, #tpu.memory_space<vmem>> -> memref<1x4x4x8x128xf32, #tpu.memory_space<vmem>>
    %dma_wait3A_155 = tpu.memref_squeeze %dma_wait3A_154 : memref<1x4x4x8x128xf32, #tpu.memory_space<vmem>> -> memref<4x4x8x128xf32, #tpu.memory_space<vmem>>
    tpu.wait_dma2 semaphore(%arg11 : memref<!tpu.dma_semaphore, #tpu.memory_space<semaphore_mem>>) src(%dma_wait3A_155 : memref<4x4x8x128xf32, #tpu.memory_space<vmem>>) dst(%dma_wait3A_149 : memref<4x4x8x128xf32, #tpu.memory_space<hbm>>)
    return
  }
}

</mosaic_0001>

<sc_bundles>
// kernel: kernel.3.cloned.1.call-start
scs
__scs_entry_jumppad:
0x0: {  	(pc) =	sbr.rel $0x88, $3  }
0x1: {  	(tag) =	ssettag $0x0;
	lr =	simm.s32 $0x1  }
0x2: {  	[smem:$0x3F9F] =	sst lr;
	_ =	strace $0xD0000000  }
0x3: {  	_ = 	snop  }
0x4: {  	_ = 	snop  }
0x5: {  	_ = 	snop  }
0x6: {  	_ = 	snop  }
0x7: {  	_ = 	snop  }
__scs_overlays_trampoline_lowered:
0x8: {  	[smem:$0x3FAE] =	sst s0  }
0x9: {  	[smem:$0x3FAF] =	sst s1  }
0xa: {  	[smem:$0x3FB0] =	sst s2  }
0xb: {  	[smem:$0x3FB1] =	sst s3  }
0xc: {  	[smem:$0x3FB2] =	sst s4  }
0xd: {  	[smem:$0x3FB3] =	sst s5  }
0xe: {  	[smem:$0x3FB4] =	sst s6  }
0xf: {  	[smem:$0x3FB5] =	sst s7  }
0x10: {  	[smem:$0x3FB6] =	sst s8  }
0x11: {  	[smem:$0x3FB7] =	sst s9;
	s0 =	simm.s32 @!p0 $0x0  }
0x12: {  	s1 =	sld [smem:$0x3F9D];
	s0 =	simm.s32 @p0 $0x1  }
0x13: {  	[smem:$0x3FB8] =	sst s0;
	s0 =	simm.s32 @!p1 $0x0  }
0x14: {  	s2 =	sld [smem:$0x3F9C];
	s0 =	simm.s32 @p1 $0x1  }
0x15: {  	[smem:$0x3FB9] =	sst s0;
	s0 =	simm.s32 @!p2 $0x0  }
0x16: {  	s3 =	sld [smem:$0x3FDB];
	s0 =	simm.s32 @p2 $0x1  }
0x17: {  	s4 =	simm.s32 $0x1BF5;
	[smem:$0x3FBB] =	sst s0  }
0x18: {  	s0 =	sld [smem:$0x3F9E];
	_ =	swait.ge [sflag:s4], $0x0  }
0x19: {  	s7 =	sld [smem:$0x3F9F]  }
0x1a: {  	s8 =	sadd.s32 $0xFFFFE003, lr  }
0x1b: {  	s9 =	sadd.s32 $0xFFFFFEF7, lr;
	s5 =	simm.s32 $0xFFFFFFFF;
	p2 =	slt.u32 s8, $0xFFFFF086  }
0x1c: {  	p1 =	slt.u32 s9, $0xF7A;
	s5 =	simm.s32 @!p2 $0x0  }
0x1d: {  	s5 =	simm.s32 @p1 $0x1;
	p0 =	seq.s32 s7, s2  }
0x1e: {  	s7 =	smul.u32 @!p0 $0xF7A, s2;
	p2 =	seq.s32 @!p0 s5, $0x0  }
0x1f: {  	s9 =	smul.u32 $0xF7A, s1;
	s8 =	simm.s32 @!p0 $0x1BF5;
	p2 =	por !p2, p0  }
0x20: {  	[sflag:s8] =	ssyncset.s32 @!p0 $0xFFFFF086;
	s6 =	sadd.s32 @!p0 s3, s7;
	s7 =	simm.s32 @!p0 $0x108  }
0x21: {  	s3 =	sadd.s32 s3, s9;
	s6 =	sadd.s32 @!p0 $0x88, s6;
	s7 =	simm.s32 @p2 $0x1082  }
0x22: {  	[simem:s7], [sflag:s8] =	dma.local @!p0 [hbm:s6], $0xF7A  }
0x23: {  	s9 =	sor.u32 $0xD0000000, s2;
	s6 =	simm.s32 $0x108;
	_ =	swait.ge @!p0 [sflag:s8], $0x0  }
0x24: {  	s3 =	sadd.s32 $0x88, s3;
	s6 =	simm.s32 @!p1 $0x1082;
	[sflag:s4] =	ssyncset.s32 $0xFFFFF086  }
0x25: {  	[simem:s6], [sflag:s4] =	dma.local [hbm:s3], $0xF7A  }
0x26: {  	[smem:$0x3F9F] =	sst s1;
	(tag) =	ssettag s2;
	_ =	strace s9  }
0x27: {  	s1 =	sld [smem:$0x3FAF]  }
0x28: {  	s2 =	sld [smem:$0x3FB0]  }
0x29: {  	s4 =	sld [smem:$0x3FB2]  }
0x2a: {  	p0 =	seq.s32 s5, $0x0;
	s5 =	sld [smem:$0x3FB3]  }
0x2b: {  	s6 =	sld [smem:$0x3FB4]  }
0x2c: {  	s7 =	sld [smem:$0x3FB5]  }
0x2d: {  	s3 =	simm.s32 $0x108;
	s8 =	sld [smem:$0x3FB6]  }
0x2e: {  	s3 =	simm.s32 @!p0 $0x1082;
	s9 =	sld [smem:$0x3FB7]  }
0x2f: {  	lr =	sadd.s32 s0, s3;
	s0 =	sld [smem:$0x3FAE]  }
0x30: {  	s3 =	sld [smem:$0x3FB1]  }
0x31: {  	[smem:$0x3FBA] =	sst s10  }
0x32: {  	s10 =	sld [smem:$0x3FB8];
	_ =	sdelay $0x3  }
0x33: {  	p0 =	seq.s32 s10, $0x1;
	s10 =	sld [smem:$0x3FBA];
	_ =	sdelay $0x3  }
0x34: {  	[smem:$0x3FBA] =	sst s10  }
0x35: {  	s10 =	sld [smem:$0x3FB9];
	_ =	sdelay $0x3  }
0x36: {  	p1 =	seq.s32 s10, $0x1;
	s10 =	sld [smem:$0x3FBA];
	_ =	sdelay $0x3  }
0x37: {  	[smem:$0x3FBA] =	sst s10  }
0x38: {  	s10 =	sld [smem:$0x3FBB]  }
0x39: {  	_ = 	snop;
	(pc) =	sbr.ind lr, $3  }
0x3a: {  	_ = 	snop  }
0x3b: {  	_ = 	snop  }
0x3c: {  	p2 =	seq.s32 s10, $0x1;
	s10 =	sld [smem:$0x3FBA]  }
0x3d: {  	_ =	shalt  }
0x3e: {  	_ =	shalt  }
0x3f: {  	_ =	shalt  }
0x40: {  	_ =	shalt  }
0x41: {  	_ =	shalt  }
0x42: {  	_ =	shalt  }
0x43: {  	_ =	shalt  }
0x44: {  	_ =	shalt  }
0x45: {  	_ =	shalt  }
0x46: {  	_ =	shalt  }
0x47: {  	_ =	shalt  }
0x48: {  	_ =	shalt  }
0x49: {  	_ =	shalt  }
0x4a: {  	_ =	shalt  }
0x4b: {  	_ =	shalt  }
0x4c: {  	_ =	shalt  }
0x4d: {  	_ =	shalt  }
0x4e: {  	_ =	shalt  }
0x4f: {  	_ =	shalt  }
0x50: {  	_ =	shalt  }
0x51: {  	_ =	shalt  }
0x52: {  	_ =	shalt  }
0x53: {  	_ =	shalt  }
0x54: {  	_ =	shalt  }
0x55: {  	_ =	shalt  }
0x56: {  	_ =	shalt  }
0x57: {  	_ =	shalt  }
0x58: {  	_ =	shalt  }
0x59: {  	_ =	shalt  }
0x5a: {  	_ =	shalt  }
0x5b: {  	_ =	shalt  }
0x5c: {  	_ =	shalt  }
0x5d: {  	_ =	shalt  }
0x5e: {  	_ =	shalt  }
0x5f: {  	_ =	shalt  }
0x60: {  	_ =	shalt  }
0x61: {  	_ =	shalt  }
0x62: {  	_ =	shalt  }
0x63: {  	_ =	shalt  }
0x64: {  	_ =	shalt  }
0x65: {  	_ =	shalt  }
0x66: {  	_ =	shalt  }
0x67: {  	_ =	shalt  }
0x68: {  	_ =	shalt  }
0x69: {  	_ =	shalt  }
0x6a: {  	_ =	shalt  }
0x6b: {  	_ =	shalt  }
0x6c: {  	_ =	shalt  }
0x6d: {  	_ =	shalt  }
0x6e: {  	_ =	shalt  }
0x6f: {  	_ =	shalt  }
0x70: {  	_ =	shalt  }
0x71: {  	_ =	shalt  }
0x72: {  	_ =	shalt  }
0x73: {  	_ =	shalt  }
0x74: {  	_ =	shalt  }
0x75: {  	_ =	shalt  }
0x76: {  	_ =	shalt  }
0x77: {  	_ =	shalt  }
0x78: {  	_ =	shalt  }
0x79: {  	_ =	shalt  }
0x7a: {  	_ =	shalt  }
0x7b: {  	_ =	shalt  }
0x7c: {  	_ =	shalt  }
0x7d: {  	_ =	shalt  }
0x7e: {  	_ =	shalt  }
0x7f: {  	_ =	shalt  }
0x80: {  	_ =	shalt  }
0x81: {  	_ =	shalt  }
0x82: {  	_ =	shalt  }
0x83: {  	_ =	shalt  }
0x84: {  	_ =	shalt  }
0x85: {  	_ =	shalt  }
0x86: {  	_ =	shalt  }
0x87: {  	_ =	shalt  }
.Lfunc_end0:
.L_simem_size_0:
called_computation_lowered:
.L_overlay_start_0:
0x88: {  	s2 =	sld [smem:$0x3FD9]  }
0x89: {  	s3 =	sld [smem:$0x3FFE];
	_ =	sdelay $0x1  }
0x8a: {  	s1 =	srdreg.scid  }
0x8b: {  	s0 =	sand.u32 $0x1, s1  }
0x8c: {  	s17 =	sshll.u32 s0, $0xA;
	s2 =	sadd.s32 s3, s2  }
0x8d: {  	s2 =	sadd.s32 s2, s17  }
0x8e: {  	[smem:$0x3FC6] =	sst s2  }
0x8f: {  	_ = 	snop  }
0x90: {  	s2 =	sld [smem:$0x3FD0];
	(tm) =	ssettm $0x1  }
0x91: {  	s18 =	sld [smem:$0x3FFB];
	_ =	sdelay $0x3  }
0x92: {  	_ =	strace s18  }
0x93: {  	s3 =	sld [smem:$0x3FFC];
	_ =	sdelay $0x3  }
0x94: {  	_ =	strace s3  }
0x95: {  	s3 =	sld [smem:$0x3FFD];
	_ =	sdelay $0x3  }
0x96: {  	_ =	strace s3  }
0x97: {  	_ =	strace $0x8FFFFFFF  }
0x98: {  	s19 =	sld [smem:$0x3FDB];
	_ =	sdelay $0x1  }
0x99: {  	s4 =	simm.s32 $_scs_section_size  }
0x9a: {  	s5 =	simm.s32 $_size__tile_overlayer_lowered;
	s6 =	simm.s32 $_tile_overlayer_lowered  }
0x9b: {  	s22 =	simm.s32 $0x1BFF;
	s21 =	sshll.u32 s6, $0x1;
	s3 =	sadd.s32 s4, s19  }
0x9c: {  	s7 =	simm.s32 $0x0;
	s20 =	sshll.u32 s5, $0x1;
	s5 =	sadd.s32 s21, s3  }
0x9d: {  	[timem:s7], [sflag:s22] =	dma.local [hbm:s5], s20  }
0x9e: {  	_ =	swait.ge [sflag:s22], s20  }
0x9f: {  	s4 =	ssub.s32 $0x0, s20;
	[sflag:s22] =	ssyncset.done $0x0  }
0xa0: {  	[sflag:s22] =	ssyncadd.s32 s4;
	_ =	sdelay $0x1  }
0xa1: {  	s23 =	simm.s32 $0x1B8B  }
0xa2: {  	_ =	swait.ge [sflag:s23], $0x1  }
0xa3: {  	[sflag:s23] =	ssyncset.done $0x0  }
0xa4: {  	s25 =	simm.s32 $0x1B8E;
	s24 =	sld [smem:$0x3FFE];
	[sflag:s23] =	ssyncadd.s32 $0xFFFFFFFF  }
0xa5: {  	s26 =	simm.s32 $execute0_lowered;
	[smem:$0x3FD2] =	sst s25  }
0xa6: {  	s5 =	sshll.u32 s26, $0x1;
	_ =	strace $0x80000046;
	[dreg:$0x1] =	wrdreg $0xFFFFFFFF  }
0xa7: {  	s28 =	simm.s32 $_size_execute0_lowered;
	s3 =	sadd.s32 s3, s5;
	[dreg:$0x0] =	wrdreg $0x0  }
0xa8: {  	s5 =	sshll.u32 s28, $0x1;
	[dreg:$0x2] =	wrdreg s3  }
0xa9: {  	[dreg:$0x3] =	wrdreg s5  }
0xaa: {  	[dreg:$0x4] =	wrdreg $0xC0  }
0xab: {  	_ =	task [dreg:s7], $0x5FFFF  }
0xac: {  	[dreg:$0x1] =	wrdreg $0xFFFFFFFF  }
0xad: {  	[dreg:$0x0] =	wrdreg $0x60  }
0xae: {  	[dreg:$0x2] =	wrdreg s24  }
0xaf: {  	[dreg:$0x3] =	wrdreg s2  }
0xb0: {  	[dreg:$0x4] =	wrdreg $0x9  }
0xb1: {  	_ =	task.clear_ibuf [dreg:s7], $0x5FFFF;
	_ =	strace $0x90000046  }
0xb2: {  	s29 =	simm.s32 $0x9;
	_ =	strace $0x80000048  }
0xb3: {  	_ =	swait.ge [sflag:s29], $0x1  }
0xb4: {  	[sflag:s29] =	ssyncadd.s32 $0xFFFFFFFF  }
0xb5: {  	_ =	strace $0x90000048  }
0xb6: {  	_ =	sfence  }
0xb7: {  	s30 =	sld [smem:$0x0];
	_ =	sdelay $0x2  }
0xb8: {  	s31 =	sshll.u32 s1, $0xD;
	s1 =	sshrl.u32 s1, $0x2  }
0xb9: {  	s3 =	sand.u32 $0x4000, s31;
	s1 =	sadd.s32 s1, s30  }
0xba: {  	s0 =	sor.u32 s3, s0;
	s1 =	sshll.u32 s1, $0x11  }
0xbb: {  	s0 =	sor.u32 s1, s0  }
0xbc: {  	s0 =	sadd.s32 $0x8F2B, s0  }
0xbd: {  	[sflag:s0] =	ssyncadd.remote.s32 $0x1  }
0xbe: {  	_ =	sfence.sel $0xFFFF  }
0xbf: {  	[dreg:$0x0] =	wrdreg $0xFFFFFFFF;
	(pc) =	sbr.abs _section_cstart, $3  }
0xc0: {  	[dreg:$0x1] =	wrdreg $0xFFFFFFFF  }
0xc1: {  	_ =	task.clear_ibuf [dreg:s7], $0x2FFFF;
	_ =	strace $0x9FFFFFFF  }
0xc2: {  	(tm) =	ssettm $0x7FFFFFFF  }
0xc3: {  	_ =	shalt  }
tec
execute0_lowered:
.L_overlay_start_1:
0x0: {  	(tag) =	ssettag $0x1  }
0x1: {  	s1 =	srdreg.scid;
	s4 =	rddreg [dreg:$0x0]  }
0x2: {  	s0 =	stileid.u32;
	s2 =	rddreg [dreg:$0x1]  }
0x3: {  	s3 =	simm.s32 $0x0;
	s9 =	simm.s32 $0x200;
	s10 =	simm.s32 $0x6400  }
0x4: {  	s11 =	simm.s32 $0xA400;
	s12 =	simm.s32 $0x1;
	s13 =	simm.s32 $0x1000  }
0x5: {  	s14 =	simm.s32 $0x8000;
	s15 =	simm.s32 $0xE400;
	s16 =	simm.s32 $0x2  }
0x6: {  	s17 =	simm.s32 $0x12400;
	s18 =	simm.s32 $0x3;
	s19 =	simm.s32 $0x4  }
0x7: {  	s20 =	simm.s32 $0x0;
	s5 =	sand.u32 $0x1, s1;
	s31 =	sshll.u32 s0, $0x1  }
.Ltmp0:
0x8: {  	s6 =	sor.u32 s5, s31;
	s5 =	ssub.s32 $0x2, s5;
	(pc) =	sbr.rel .LBB2_1-.Ltmp0, $4  }
0x9: {  	[smem:$0x7FF] =	sst s3;
	s7 =	smul.u32 $0xC80, s6;
	s8 =	sshrl.u32 s5, $0x1  }
0xa: {  	s1 =	rddreg [dreg:$0x2];
	_ =	strace $0x80000047;
	s8 =	ssub.s32 s5, s8  }
0xb: {  	v0 =	vlaneseq.u32;
	s5 =	smul.u32 $0x32, s6;
	s7 =	sadd.s32 s7, s4;
	s4 =	sadd.s32 $0xF42A00, s4  }
0xc: {  	v0 =	vmul.u32 $0x20, v0;
	s6 =	sadd.s32 $0x600, s7;
	s7 =	smax.u32 s8, $0x1;
	s8 =	simm.s32 $0x5  }
.LBB2_8:
0xd: {  	s20 =	sadd.s32 $0x1, s20  }
0xe: {  	_ =	swait.ge [sflag:s18], $0x4000;
	p0 =	sne.s32 s20, s7  }
.Ltmp1:
0xf: {  	[sflag:s18] =	ssyncset.done $0x0;
	(pc) =	sbr.rel @!p0 .LBB2_9-.Ltmp1, $4  }
0x10: {  	[sflag:s18] =	ssyncadd.s32 $0xFFFFC000  }
0x11: {  	_ =	swait.ge [sflag:s19], $0x4000  }
0x12: {  	[sflag:s19] =	ssyncset.done $0x0  }
0x13: {  	[sflag:s19] =	ssyncadd.s32 $0xFFFFC000  }
.LBB2_1:
0x14: {  	[tilespmem:s3], [sflag:$0x5] =	stream.linear.gather [hbm4b:s6+s3], $0x6400, $0x38;
	[tilespmem:$0x16400] =	vst v63  }
0x15: {  	_ =	swait.ge [sflag:s8], $0x6400  }
0x16: {  	[sflag:s8] =	ssyncset.done $0x0  }
0x17: {  	[sflag:s8] =	ssyncadd.s32 $0xFFFF9C00  }
0x18: {  	[tilespmem:s10], [sflag:$0x1] =	stream.indirect.gather [hbm4b:s4+s9], $0x20, s3, s9, $0xb8;
	[tilespmem:$0x16400] =	vst v63  }
0x19: {  	s21 =	simm.s32 $0x0  }
0x1a: {  	[tilespmem:s11], [sflag:$0x2] =	stream.indirect.gather [hbm4b:s4+s9], $0x20, s9, s9, $0xb8;
	[tilespmem:$0x16400] =	vst v63  }
.LBB2_2:
0x1b: {  	s23 =	simm.s32 $0x0  }
0x1c: {  	v1 =	vmov s23  }
0x1d: {  	_ =	swait.ge [sflag:s12], $0x4000;
	v1 =	vshll.u32 v1, $0x5  }
0x1e: {  	p0 =	seq.s32 s21, $0x0;
	[sflag:s12] =	ssyncset.done $0x0;
	v30 =	vor.u32 v0, v1  }
0x1f: {  	s22 =	simm.s32 @!p0 $0x3;
	[sflag:s12] =	ssyncadd.s32 $0xFFFFC000;
	v1 =	vor.u32 $0x1, v30  }
0x20: {  	_ =	swait.ge @!p0 [sflag:s22], $0x4000  }
0x21: {  	[sflag:s22] =	ssyncset.done @!p0 $0x0;
	v3 =	vor.u32 $0x2, v30  }
0x22: {  	[sflag:s22] =	ssyncadd.s32 @!p0 $0xFFFFC000  }
0x23: {  	v4 =	vor.u32 $0x3, v30;
	v24 =	vld.idx.msk [tilespmem:v30+s10+$0x0], $0xffff  }
0x24: {  	v2 =	vld.idx.msk [tilespmem:v1+s10+$0x0], $0xffff  }
0x25: {  	v1 =	vor.u32 $0x4, v30  }
0x26: {  	v23 =	vld.idx.msk [tilespmem:v3+s10+$0x0], $0xffff  }
0x27: {  	v5 =	vor.u32 $0x5, v30  }
0x28: {  	v4 =	vld.idx.msk [tilespmem:v4+s10+$0x0], $0xffff  }
0x29: {  	v6 =	vor.u32 $0x6, v30;
	v7 =	vmul.f32 v24, v24;
	v8 =	vmul.f32 v2, v2  }
0x2a: {  	v3 =	vld.idx.msk [tilespmem:v1+s10+$0x0], $0xffff  }
0x2b: {  	v9 =	vor.u32 $0x7, v30;
	v7 =	vadd.f32 v8, v7;
	v8 =	vmul.f32 v23, v23  }
0x2c: {  	v1 =	vld.idx.msk [tilespmem:v5+s10+$0x0], $0xffff  }
0x2d: {  	v5 =	vor.u32 $0x8, v30;
	v10 =	vmul.f32 v4, v4;
	v7 =	vadd.f32 v8, v7  }
0x2e: {  	v8 =	vld.idx.msk [tilespmem:v6+s10+$0x0], $0xffff  }
0x2f: {  	v6 =	vor.u32 $0x9, v30;
	v11 =	vmul.f32 v3, v3;
	v10 =	vadd.f32 v10, v7  }
0x30: {  	v7 =	vld.idx.msk [tilespmem:v9+s10+$0x0], $0xffff  }
0x31: {  	v9 =	vor.u32 $0xA, v30;
	v10 =	vadd.f32 v11, v10;
	v11 =	vmul.f32 v1, v1  }
0x32: {  	v5 =	vld.idx.msk [tilespmem:v5+s10+$0x0], $0xffff  }
0x33: {  	v12 =	vor.u32 $0xB, v30;
	v10 =	vadd.f32 v11, v10;
	v11 =	vmul.f32 v8, v8  }
0x34: {  	v6 =	vld.idx.msk [tilespmem:v6+s10+$0x0], $0xffff  }
0x35: {  	v13 =	vor.u32 $0xC, v30;
	v10 =	vadd.f32 v11, v10;
	v11 =	vmul.f32 v7, v7  }
0x36: {  	v9 =	vld.idx.msk [tilespmem:v9+s10+$0x0], $0xffff  }
0x37: {  	v14 =	vor.u32 $0xD, v30;
	v15 =	vmul.f32 v5, v5;
	v10 =	vadd.f32 v11, v10  }
0x38: {  	v11 =	vld.idx.msk [tilespmem:v12+s10+$0x0], $0xffff  }
0x39: {  	v16 =	vor.u32 $0xE, v30;
	v12 =	vadd.f32 v15, v10;
	v15 =	vmul.f32 v6, v6  }
0x3a: {  	v10 =	vld.idx.msk [tilespmem:v13+s10+$0x0], $0xffff  }
0x3b: {  	v13 =	vor.u32 $0xF, v30;
	v17 =	vmul.f32 v9, v9;
	v15 =	vadd.f32 v15, v12  }
0x3c: {  	v12 =	vld.idx.msk [tilespmem:v14+s10+$0x0], $0xffff  }
0x3d: {  	v18 =	vor.u32 $0x10, v30;
	v15 =	vadd.f32 v17, v15;
	v17 =	vmul.f32 v11, v11  }
0x3e: {  	v14 =	vld.idx.msk [tilespmem:v16+s10+$0x0], $0xffff  }
0x3f: {  	v16 =	vor.u32 $0x11, v30;
	v15 =	vadd.f32 v17, v15;
	v17 =	vmul.f32 v10, v10  }
0x40: {  	v13 =	vld.idx.msk [tilespmem:v13+s10+$0x0], $0xffff  }
0x41: {  	v19 =	vor.u32 $0x12, v30;
	v20 =	vmul.f32 v12, v12;
	v17 =	vadd.f32 v17, v15  }
0x42: {  	v15 =	vld.idx.msk [tilespmem:v18+s10+$0x0], $0xffff  }
0x43: {  	v21 =	vor.u32 $0x13, v30;
	v18 =	vmul.f32 v14, v14;
	v17 =	vadd.f32 v20, v17  }
0x44: {  	v16 =	vld.idx.msk [tilespmem:v16+s10+$0x0], $0xffff  }
0x45: {  	v22 =	vor.u32 $0x14, v30;
	v20 =	vmul.f32 v13, v13;
	v17 =	vadd.f32 v18, v17  }
0x46: {  	v18 =	vld.idx.msk [tilespmem:v19+s10+$0x0], $0xffff  }
0x47: {  	v19 =	vor.u32 $0x15, v30;
	v25 =	vmul.f32 v15, v15;
	v17 =	vadd.f32 v20, v17  }
0x48: {  	v20 =	vld.idx.msk [tilespmem:v21+s10+$0x0], $0xffff  }
0x49: {  	v26 =	vor.u32 $0x16, v30;
	v17 =	vadd.f32 v25, v17;
	v25 =	vmul.f32 v16, v16  }
0x4a: {  	v21 =	vld.idx.msk [tilespmem:v22+s10+$0x0], $0xffff  }
0x4b: {  	v27 =	vor.u32 $0x17, v30;
	v22 =	vadd.f32 v25, v17;
	v25 =	vmul.f32 v18, v18  }
0x4c: {  	v17 =	vld.idx.msk [tilespmem:v19+s10+$0x0], $0xffff  }
0x4d: {  	v28 =	vor.u32 $0x18, v30;
	v19 =	vadd.f32 v25, v22;
	v25 =	vmul.f32 v20, v20  }
0x4e: {  	v22 =	vld.idx.msk [tilespmem:v26+s10+$0x0], $0xffff  }
0x4f: {  	v29 =	vmul.f32 v21, v21;
	v26 =	vor.u32 $0x19, v30;
	v25 =	vadd.f32 v25, v19  }
0x50: {  	v19 =	vld.idx.msk [tilespmem:v27+s10+$0x0], $0xffff  }
0x51: {  	v27 =	vor.u32 $0x1A, v30;
	v31 =	vmul.f32 v17, v17;
	v29 =	vadd.f32 v29, v25  }
0x52: {  	v25 =	vld.idx.msk [tilespmem:v28+s10+$0x0], $0xffff  }
0x53: {  	v28 =	vor.u32 $0x1B, v30;
	v29 =	vadd.f32 v31, v29;
	v31 =	vmul.f32 v22, v22  }
0x54: {  	v26 =	vld.idx.msk [tilespmem:v26+s10+$0x0], $0xffff  }
0x55: {  	v32 =	vor.u32 $0x1C, v30;
	v29 =	vadd.f32 v31, v29;
	v31 =	vmul.f32 v19, v19  }
0x56: {  	v27 =	vld.idx.msk [tilespmem:v27+s10+$0x0], $0xffff  }
0x57: {  	v33 =	vor.u32 $0x1D, v30;
	v34 =	vmul.f32 v25, v25;
	v31 =	vadd.f32 v31, v29  }
0x58: {  	v29 =	vld.idx.msk [tilespmem:v28+s10+$0x0], $0xffff  }
0x59: {  	v35 =	vor.u32 $0x1E, v30;
	v54 =	vmul.f32 v26, v26;
	v31 =	vadd.f32 v34, v31  }
0x5a: {  	v28 =	vld.idx.msk [tilespmem:v32+s10+$0x0], $0xffff  }
0x5b: {  	v30 =	vor.u32 $0x1F, v30;
	v55 =	vmul.f32 v27, v27;
	v31 =	vadd.f32 v54, v31  }
0x5c: {  	v56 =	vld.idx.msk [tilespmem:v33+s10+$0x0], $0xffff  }
0x5d: {  	v57 =	vmul.f32 v29, v29;
	v32 =	vadd.f32 v55, v31  }
0x5e: {  	v31 =	vld.idx.msk [tilespmem:v35+s10+$0x0], $0xffff  }
0x5f: {  	v58 =	vmul.f32 v28, v28;
	v32 =	vadd.f32 v57, v32  }
0x60: {  	v59 =	vld.idx.msk [tilespmem:v30+s10+$0x0], $0xffff  }
0x61: {  	v60 =	vmul.f32 v56, v56;
	v30 =	vadd.f32 v58, v32;
	_ =	sdelay $0x1  }
0x62: {  	v61 =	vmul.f32 v31, v31;
	v30 =	vadd.f32 v60, v30;
	_ =	sdelay $0x1  }
0x63: {  	v62 =	vmul.f32 v59, v59;
	v30 =	vadd.f32 v61, v30;
	_ =	sdelay $0x1  }
0x64: {  	v30 =	vadd.f32 v62, v30;
	_ =	sdelay $0x1  }
0x65: {  	v32 =	vshrl.u32 v30, $0x1;
	v30 =	vmul.f32 $5.000000000e-01, v30  }
0x66: {  	v32 =	vsub.s32 $0x5F3759DF, v32  }
0x67: {  	v63 =	vmul.f32 v32, v30;
	_ =	sdelay $0x1  }
0x68: {  	v33 =	vmul.f32 v32, v63;
	_ =	sdelay $0x1  }
0x69: {  	v33 =	vsub.f32 $1.500000000e+00, v33;
	_ =	sdelay $0x1  }
0x6a: {  	v32 =	vmul.f32 v32, v33;
	_ =	sdelay $0x1  }
0x6b: {  	v33 =	vmul.f32 v32, v30;
	_ =	sdelay $0x1  }
0x6c: {  	v33 =	vmul.f32 v33, v32;
	_ =	sdelay $0x1  }
0x6d: {  	v33 =	vsub.f32 $1.500000000e+00, v33;
	_ =	sdelay $0x1  }
0x6e: {  	v32 =	vmul.f32 v33, v32;
	_ =	sdelay $0x1  }
0x6f: {  	v30 =	vmul.f32 v32, v30;
	_ =	sdelay $0x1  }
0x70: {  	v30 =	vmul.f32 v30, v32;
	_ =	sdelay $0x1  }
0x71: {  	v30 =	vsub.f32 $1.500000000e+00, v30;
	_ =	sdelay $0x1  }
0x72: {  	v30 =	vmul.f32 v30, v32;
	_ =	sdelay $0x1  }
0x73: {  	v30 =	vmin.f32 v30, $9.999999950e+11  }
0x74: {  	s25 =	sand.u32 $0x70, s23;
	s26 =	sand.u32 $0xC00, s23;
	v32 =	vmul.f32 v30, v24;
	v33 =	vmul.f32 v30, v59  }
0x75: {  	s24 =	simm.s32 $0x80;
	s26 =	sor.u32 s25, s26;
	s22 =	sshll.u32 s21, $0x1;
	v23 =	vmul.f32 v30, v23;
	v24 =	vmul.f32 v30, v56  }
.LBB2_3:
0x76: {  	p1 =	sne.s32 s24, $0xF80  }
0x77: {  	v2 =	vmul.f32 v30, v2;
	v29 =	vmul.f32 v30, v29;
	[tilespmem:s26+$0x11780] =	vst v33;
	s23 =	sadd.s32 $0x10, s23;
	s25 =	smov.u32 s24;
	s24 =	sadd.s32 $0x80, s24  }
0x78: {  	v4 =	vmul.f32 v30, v4;
	v31 =	vmul.f32 v30, v31;
	[tilespmem:s26+$0xE400] =	vst v32  }
0x79: {  	v26 =	vmul.f32 v30, v26;
	v28 =	vmul.f32 v30, v28;
	[tilespmem:s26+$0x11680] =	vst v24  }
0x7a: {  	v3 =	vmul.f32 v30, v3;
	v24 =	vmul.f32 v30, v27;
	[tilespmem:s26+$0x11580] =	vst v29  }
0x7b: {  	v8 =	vmul.f32 v30, v8;
	v25 =	vmul.f32 v30, v25;
	[tilespmem:s26+$0x11480] =	vst v26  }
0x7c: {  	v5 =	vmul.f32 v30, v5;
	v20 =	vmul.f32 v30, v20;
	[tilespmem:s26+$0xE500] =	vst v23  }
0x7d: {  	v9 =	vmul.f32 v30, v9;
	v21 =	vmul.f32 v30, v21;
	[tilespmem:s26+$0x11500] =	vst v24  }
0x7e: {  	v1 =	vmul.f32 v30, v1;
	v18 =	vmul.f32 v30, v18;
	[tilespmem:s26+$0x11700] =	vst v31  }
0x7f: {  	v6 =	vmul.f32 v30, v6;
	v22 =	vmul.f32 v30, v22;
	[tilespmem:s26+$0x11400] =	vst v25  }
0x80: {  	v12 =	vmul.f32 v30, v12;
	v14 =	vmul.f32 v30, v14;
	[tilespmem:s26+$0x10580] =	vst v20  }
0x81: {  	v13 =	vmul.f32 v30, v13;
	v15 =	vmul.f32 v30, v15;
	[tilespmem:s26+$0x10600] =	vst v21  }
0x82: {  	v7 =	vmul.f32 v30, v7;
	v11 =	vmul.f32 v30, v11;
	[tilespmem:s26+$0x10500] =	vst v18  }
0x83: {  	v10 =	vmul.f32 v30, v10;
	v16 =	vmul.f32 v30, v16;
	[tilespmem:s26+$0x10700] =	vst v22  }
0x84: {  	[tilespmem:s26+$0xE780] =	vst v7;
	v7 =	vmul.f32 v30, v17;
	v17 =	vmul.f32 v30, v19  }
0x85: {  	[tilespmem:s26+$0xE480] =	vst v2  }
0x86: {  	[tilespmem:s26+$0x10480] =	vst v16  }
0x87: {  	[tilespmem:s26+$0x11600] =	vst v28  }
0x88: {  	[tilespmem:s26+$0xE580] =	vst v4  }
0x89: {  	[tilespmem:s26+$0x10780] =	vst v17  }
0x8a: {  	[tilespmem:s26+$0xF580] =	vst v11  }
0x8b: {  	[tilespmem:s26+$0xF700] =	vst v14  }
0x8c: {  	[tilespmem:s26+$0xE680] =	vst v1  }
0x8d: {  	[tilespmem:s26+$0xE700] =	vst v8  }
0x8e: {  	[tilespmem:s26+$0xE600] =	vst v3  }
0x8f: {  	[tilespmem:s26+$0x10680] =	vst v7  }
0x90: {  	v1 =	vmov s23;
	[tilespmem:s26+$0xF600] =	vst v10  }
0x91: {  	v1 =	vshll.u32 v1, $0x5;
	[tilespmem:s26+$0xF680] =	vst v12  }
0x92: {  	v1 =	vor.u32 v0, v1;
	[tilespmem:s26+$0x10400] =	vst v15  }
0x93: {  	v2 =	vor.u32 $0x1, v1;
	v3 =	vor.u32 $0x2, v1;
	v4 =	vor.u32 $0x3, v1;
	[tilespmem:s26+$0xF780] =	vst v13  }
0x94: {  	v7 =	vor.u32 $0x4, v1;
	v8 =	vor.u32 $0x5, v1;
	v10 =	vor.u32 $0x6, v1;
	[tilespmem:s26+$0xF480] =	vst v6  }
0x95: {  	v11 =	vor.u32 $0x8, v1;
	v12 =	vor.u32 $0x9, v1;
	v6 =	vor.u32 $0x7, v1;
	[tilespmem:s26+$0xF500] =	vst v9  }
0x96: {  	v14 =	vor.u32 $0xC, v1;
	v13 =	vor.u32 $0xB, v1;
	v9 =	vor.u32 $0xA, v1;
	[tilespmem:s26+$0xF400] =	vst v5  }
0x97: {  	v16 =	vor.u32 $0xE, v1;
	v17 =	vor.u32 $0xF, v1;
	v15 =	vor.u32 $0xD, v1;
	v23 =	vld.idx.msk [tilespmem:v1+s10+$0x0], $0xffff  }
0x98: {  	v18 =	vor.u32 $0x10, v1;
	v19 =	vor.u32 $0x11, v1;
	v20 =	vor.u32 $0x12, v1;
	v2 =	vld.idx.msk [tilespmem:v2+s10+$0x0], $0xffff  }
0x99: {  	v21 =	vor.u32 $0x13, v1;
	v22 =	vor.u32 $0x14, v1;
	v25 =	vor.u32 $0x15, v1  }
0x9a: {  	v26 =	vor.u32 $0x16, v1;
	v27 =	vor.u32 $0x17, v1;
	v28 =	vor.u32 $0x18, v1;
	v24 =	vld.idx.msk [tilespmem:v3+s10+$0x0], $0xffff  }
0x9b: {  	v29 =	vor.u32 $0x19, v1;
	v33 =	vor.u32 $0x1A, v1;
	v34 =	vor.u32 $0x1B, v1  }
0x9c: {  	v35 =	vor.u32 $0x1C, v1;
	v32 =	vor.u32 $0x1D, v1;
	v31 =	vor.u32 $0x1E, v1;
	v4 =	vld.idx.msk [tilespmem:v4+s10+$0x0], $0xffff  }
0x9d: {  	v30 =	vor.u32 $0x1F, v1  }
0x9e: {  	v1 =	vmul.f32 v23, v23;
	v5 =	vmul.f32 v2, v2;
	v3 =	vld.idx.msk [tilespmem:v7+s10+$0x0], $0xffff;
	_ =	sdelay $0x1  }
0x9f: {  	v5 =	vadd.f32 v5, v1;
	v7 =	vmul.f32 v24, v24;
	v1 =	vld.idx.msk [tilespmem:v8+s10+$0x0], $0xffff;
	_ =	sdelay $0x1  }
0xa0: {  	v5 =	vadd.f32 v7, v5;
	v7 =	vmul.f32 v4, v4;
	v8 =	vld.idx.msk [tilespmem:v10+s10+$0x0], $0xffff;
	_ =	sdelay $0x1  }
0xa1: {  	v5 =	vadd.f32 v7, v5;
	v10 =	vmul.f32 v3, v3;
	v7 =	vld.idx.msk [tilespmem:v6+s10+$0x0], $0xffff;
	_ =	sdelay $0x1  }
0xa2: {  	v6 =	vadd.f32 v10, v5;
	v10 =	vmul.f32 v1, v1;
	v5 =	vld.idx.msk [tilespmem:v11+s10+$0x0], $0xffff;
	_ =	sdelay $0x1  }
0xa3: {  	v10 =	vadd.f32 v10, v6;
	v11 =	vmul.f32 v8, v8;
	v6 =	vld.idx.msk [tilespmem:v12+s10+$0x0], $0xffff;
	_ =	sdelay $0x1  }
0xa4: {  	v10 =	vadd.f32 v11, v10;
	v11 =	vmul.f32 v7, v7;
	v9 =	vld.idx.msk [tilespmem:v9+s10+$0x0], $0xffff;
	_ =	sdelay $0x1  }
0xa5: {  	v10 =	vadd.f32 v11, v10;
	v12 =	vmul.f32 v5, v5;
	v11 =	vld.idx.msk [tilespmem:v13+s10+$0x0], $0xffff;
	_ =	sdelay $0x1  }
0xa6: {  	v12 =	vadd.f32 v12, v10;
	v13 =	vmul.f32 v6, v6;
	v10 =	vld.idx.msk [tilespmem:v14+s10+$0x0], $0xffff;
	_ =	sdelay $0x1  }
0xa7: {  	v13 =	vadd.f32 v13, v12;
	v14 =	vmul.f32 v9, v9;
	v12 =	vld.idx.msk [tilespmem:v15+s10+$0x0], $0xffff;
	_ =	sdelay $0x1  }
0xa8: {  	v13 =	vadd.f32 v14, v13;
	v15 =	vmul.f32 v11, v11;
	v14 =	vld.idx.msk [tilespmem:v16+s10+$0x0], $0xffff;
	_ =	sdelay $0x1  }
0xa9: {  	v15 =	vadd.f32 v15, v13;
	v16 =	vmul.f32 v10, v10;
	v13 =	vld.idx.msk [tilespmem:v17+s10+$0x0], $0xffff;
	_ =	sdelay $0x1  }
0xaa: {  	v16 =	vadd.f32 v16, v15;
	v17 =	vmul.f32 v12, v12;
	v15 =	vld.idx.msk [tilespmem:v18+s10+$0x0], $0xffff;
	_ =	sdelay $0x1  }
0xab: {  	v17 =	vadd.f32 v17, v16;
	v18 =	vmul.f32 v14, v14;
	v16 =	vld.idx.msk [tilespmem:v19+s10+$0x0], $0xffff;
	_ =	sdelay $0x1  }
0xac: {  	v17 =	vadd.f32 v18, v17;
	v19 =	vmul.f32 v13, v13;
	v18 =	vld.idx.msk [tilespmem:v20+s10+$0x0], $0xffff;
	_ =	sdelay $0x1  }
0xad: {  	v17 =	vadd.f32 v19, v17;
	v19 =	vmul.f32 v15, v15;
	v20 =	vld.idx.msk [tilespmem:v21+s10+$0x0], $0xffff;
	_ =	sdelay $0x1  }
0xae: {  	v17 =	vadd.f32 v19, v17;
	v19 =	vmul.f32 v16, v16;
	v21 =	vld.idx.msk [tilespmem:v22+s10+$0x0], $0xffff;
	_ =	sdelay $0x1  }
0xaf: {  	v19 =	vadd.f32 v19, v17;
	v22 =	vmul.f32 v18, v18;
	v17 =	vld.idx.msk [tilespmem:v25+s10+$0x0], $0xffff;
	_ =	sdelay $0x1  }
0xb0: {  	v19 =	vadd.f32 v22, v19;
	v25 =	vmul.f32 v20, v20;
	v22 =	vld.idx.msk [tilespmem:v26+s10+$0x0], $0xffff;
	_ =	sdelay $0x1  }
0xb1: {  	v25 =	vadd.f32 v25, v19;
	v26 =	vmul.f32 v21, v21;
	v19 =	vld.idx.msk [tilespmem:v27+s10+$0x0], $0xffff;
	_ =	sdelay $0x1  }
0xb2: {  	v26 =	vadd.f32 v26, v25;
	v27 =	vmul.f32 v17, v17;
	v25 =	vld.idx.msk [tilespmem:v28+s10+$0x0], $0xffff;
	_ =	sdelay $0x1  }
0xb3: {  	v27 =	vadd.f32 v27, v26;
	v28 =	vmul.f32 v22, v22;
	v26 =	vld.idx.msk [tilespmem:v29+s10+$0x0], $0xffff;
	_ =	sdelay $0x1  }
0xb4: {  	v28 =	vadd.f32 v28, v27;
	v29 =	vmul.f32 v19, v19;
	v27 =	vld.idx.msk [tilespmem:v33+s10+$0x0], $0xffff;
	_ =	sdelay $0x1  }
0xb5: {  	v28 =	vadd.f32 v29, v28;
	v33 =	vmul.f32 v25, v25;
	v29 =	vld.idx.msk [tilespmem:v34+s10+$0x0], $0xffff;
	_ =	sdelay $0x1  }
0xb6: {  	v33 =	vadd.f32 v33, v28;
	v34 =	vmul.f32 v26, v26;
	v28 =	vld.idx.msk [tilespmem:v35+s10+$0x0], $0xffff;
	_ =	sdelay $0x1  }
0xb7: {  	v33 =	vadd.f32 v34, v33;
	v34 =	vmul.f32 v27, v27;
	v35 =	vld.idx.msk [tilespmem:v32+s10+$0x0], $0xffff;
	_ =	sdelay $0x1  }
0xb8: {  	v32 =	vadd.f32 v34, v33;
	v33 =	vmul.f32 v29, v29;
	v31 =	vld.idx.msk [tilespmem:v31+s10+$0x0], $0xffff;
	_ =	sdelay $0x1  }
0xb9: {  	v32 =	vadd.f32 v33, v32;
	v33 =	vmul.f32 v28, v28;
	v34 =	vld.idx.msk [tilespmem:v30+s10+$0x0], $0xffff;
	_ =	sdelay $0x1  }
0xba: {  	v30 =	vadd.f32 v33, v32;
	v32 =	vmul.f32 v35, v35;
	_ =	sdelay $0x1  }
0xbb: {  	v30 =	vadd.f32 v32, v30;
	v32 =	vmul.f32 v31, v31;
	_ =	sdelay $0x1  }
0xbc: {  	v30 =	vadd.f32 v32, v30;
	v32 =	vmul.f32 v34, v34;
	_ =	sdelay $0x1  }
0xbd: {  	v30 =	vadd.f32 v32, v30;
	_ =	sdelay $0x1  }
0xbe: {  	v32 =	vshrl.u32 v30, $0x1;
	v30 =	vmul.f32 $5.000000000e-01, v30  }
0xbf: {  	v32 =	vsub.s32 $0x5F3759DF, v32  }
0xc0: {  	v33 =	vmul.f32 v32, v30;
	_ =	sdelay $0x1  }
0xc1: {  	v33 =	vmul.f32 v32, v33;
	_ =	sdelay $0x1  }
0xc2: {  	v33 =	vsub.f32 $1.500000000e+00, v33;
	_ =	sdelay $0x1  }
0xc3: {  	v32 =	vmul.f32 v32, v33;
	_ =	sdelay $0x1  }
0xc4: {  	v33 =	vmul.f32 v32, v30;
	_ =	sdelay $0x1  }
0xc5: {  	v33 =	vmul.f32 v33, v32;
	_ =	sdelay $0x1  }
0xc6: {  	v33 =	vsub.f32 $1.500000000e+00, v33;
	_ =	sdelay $0x1  }
0xc7: {  	v32 =	vmul.f32 v33, v32;
	_ =	sdelay $0x1  }
0xc8: {  	v30 =	vmul.f32 v32, v30;
	_ =	sdelay $0x1  }
0xc9: {  	v30 =	vmul.f32 v30, v32;
	_ =	sdelay $0x1  }
0xca: {  	v30 =	vsub.f32 $1.500000000e+00, v30;
	_ =	sdelay $0x1  }
.Ltmp2:
0xcb: {  	v30 =	vmul.f32 v30, v32;
	(pc) =	sbr.rel @p1 .LBB2_3-.Ltmp2, $4  }
0xcc: {  	_ = 	snop  }
0xcd: {  	v30 =	vmin.f32 v30, $9.999999950e+11  }
0xce: {  	s25 =	sand.u32 $0xC00, s25;
	s26 =	sand.u32 $0x70, s23;
	v32 =	vmul.f32 v30, v23;
	v33 =	vmul.f32 v30, v34  }
0xcf: {  	s26 =	sor.u32 s26, s25;
	v23 =	vmul.f32 v30, v24;
	v24 =	vmul.f32 v30, v35  }
0xd0: {  	[tilespmem:s26+$0x11780] =	vst v33  }
0xd1: {  	[tilespmem:s26+$0xE400] =	vst v32  }
0xd2: {  	v29 =	vmul.f32 v30, v29;
	[tilespmem:s26+$0x11680] =	vst v24  }
0xd3: {  	v26 =	vmul.f32 v30, v26;
	[tilespmem:s26+$0xE500] =	vst v23  }
0xd4: {  	v20 =	vmul.f32 v30, v20;
	[tilespmem:s26+$0x11580] =	vst v29  }
0xd5: {  	v21 =	vmul.f32 v30, v21;
	[tilespmem:s26+$0x11480] =	vst v26  }
0xd6: {  	v18 =	vmul.f32 v30, v18;
	[tilespmem:s26+$0x10580] =	vst v20  }
0xd7: {  	v7 =	vmul.f32 v30, v7;
	[tilespmem:s26+$0x10600] =	vst v21  }
0xd8: {  	v2 =	vmul.f32 v30, v2;
	[tilespmem:s26+$0x10500] =	vst v18  }
0xd9: {  	v16 =	vmul.f32 v30, v16;
	[tilespmem:s26+$0xE780] =	vst v7  }
0xda: {  	v1 =	vmul.f32 v30, v1;
	[tilespmem:s26+$0xE480] =	vst v2  }
0xdb: {  	v24 =	vmul.f32 v30, v27;
	[tilespmem:s26+$0x10480] =	vst v16  }
0xdc: {  	v23 =	vmul.f32 v30, v25;
	[tilespmem:s26+$0xE680] =	vst v1  }
0xdd: {  	v26 =	vmul.f32 v30, v31;
	[tilespmem:s26+$0x11500] =	vst v24  }
0xde: {  	v20 =	vmul.f32 v30, v22;
	[tilespmem:s26+$0x11400] =	vst v23  }
0xdf: {  	v7 =	vmul.f32 v30, v28;
	[tilespmem:s26+$0x11700] =	vst v26  }
0xe0: {  	v2 =	vmul.f32 v30, v4;
	[tilespmem:s26+$0x10700] =	vst v20  }
0xe1: {  	v4 =	vmul.f32 v30, v19;
	[tilespmem:s26+$0x11600] =	vst v7  }
0xe2: {  	v1 =	vmul.f32 v30, v17;
	[tilespmem:s26+$0xE580] =	vst v2  }
0xe3: {  	v7 =	vmul.f32 v30, v11;
	[tilespmem:s26+$0x10780] =	vst v4  }
0xe4: {  	v2 =	vmul.f32 v30, v14;
	[tilespmem:s26+$0x10680] =	vst v1  }
0xe5: {  	v4 =	vmul.f32 v30, v8;
	[tilespmem:s26+$0xF580] =	vst v7  }
0xe6: {  	v1 =	vmul.f32 v30, v15;
	[tilespmem:s26+$0xF700] =	vst v2  }
0xe7: {  	v2 =	vmul.f32 v30, v3;
	[tilespmem:s26+$0xE700] =	vst v4  }
0xe8: {  	v3 =	vmul.f32 v30, v10;
	[tilespmem:s26+$0x10400] =	vst v1  }
0xe9: {  	v1 =	vmul.f32 v30, v9;
	[tilespmem:s26+$0xE600] =	vst v2  }
0xea: {  	v2 =	vmul.f32 v30, v12;
	[tilespmem:s26+$0xF600] =	vst v3  }
0xeb: {  	s23 =	sadd.s32 s5, s22;
	v3 =	vmul.f32 v30, v13;
	[tilespmem:s26+$0xF500] =	vst v1  }
0xec: {  	s24 =	sshll.u32 s23, $0x9;
	[tilespmem:s26+$0xF680] =	vst v2;
	v2 =	vmul.f32 v30, v6  }
0xed: {  	s23 =	sshll.u32 s23, $0xB;
	s24 =	sand.u32 $0xC00, s24;
	[tilespmem:s26+$0xF780] =	vst v3;
	v3 =	vmul.f32 v30, v5  }
0xee: {  	s23 =	sand.u32 $0xFFFC000, s23;
	s24 =	sadd.s32 s2, s24;
	[tilespmem:s26+$0xF480] =	vst v2  }
0xef: {  	p1 =	seq.s32 s21, $0x18;
	s23 =	sadd.s32 s23, s24;
	[tilespmem:s26+$0xF400] =	vst v3  }
0xf0: {  	[hbm4b:s23+s13] =	stream.strided.scatter [tilespmem:s15], [sflag:$0x3], $0x4000, s14, s13, $0x38;
	[tilespmem:$0x16400] =	vst v63  }
0xf1: {  	s23 =	sshll.u32 @!p1 s21, $0xA  }
0xf2: {  	s25 =	simm.s32 @!p1 $0x200;
	s23 =	sand.u32 @!p1 $0x3FFFFC00, s23  }
0xf3: {  	s26 =	simm.s32 @!p1 $0x6400;
	s24 =	sadd.s32 @!p1 $0x400, s23;
	s23 =	simm.s32 $0x0  }
0xf4: {  	[tilespmem:s26], [sflag:$0x1] =	stream.indirect.gather @!p1 [hbm4b:s4+s25], $0x20, s24, s25, $0xb8;
	v1 =	vmov s23;
	[tilespmem:$0x16400] =	vst v63  }
0xf5: {  	_ =	swait.ge [sflag:s16], $0x4000;
	v1 =	vshll.u32 v1, $0x5  }
0xf6: {  	[sflag:s16] =	ssyncset.done $0x0;
	v30 =	vor.u32 v0, v1  }
0xf7: {  	s24 =	simm.s32 @!p0 $0x4;
	[sflag:s16] =	ssyncadd.s32 $0xFFFFC000;
	v1 =	vor.u32 $0x1, v30  }
0xf8: {  	_ =	swait.ge @!p0 [sflag:s24], $0x4000  }
0xf9: {  	v3 =	vor.u32 $0x2, v30;
	[sflag:s24] =	ssyncset.done @!p0 $0x0  }
0xfa: {  	[sflag:s24] =	ssyncadd.s32 @!p0 $0xFFFFC000  }
0xfb: {  	v4 =	vor.u32 $0x3, v30;
	v24 =	vld.idx.msk [tilespmem:v30+s11+$0x0], $0xffff  }
0xfc: {  	v2 =	vld.idx.msk [tilespmem:v1+s11+$0x0], $0xffff  }
0xfd: {  	v1 =	vor.u32 $0x4, v30  }
0xfe: {  	v23 =	vld.idx.msk [tilespmem:v3+s11+$0x0], $0xffff  }
0xff: {  	v5 =	vor.u32 $0x5, v30  }
0x100: {  	v4 =	vld.idx.msk [tilespmem:v4+s11+$0x0], $0xffff  }
0x101: {  	v6 =	vor.u32 $0x6, v30;
	v7 =	vmul.f32 v24, v24;
	v8 =	vmul.f32 v2, v2  }
0x102: {  	v3 =	vld.idx.msk [tilespmem:v1+s11+$0x0], $0xffff  }
0x103: {  	v9 =	vor.u32 $0x7, v30;
	v7 =	vadd.f32 v8, v7;
	v8 =	vmul.f32 v23, v23  }
0x104: {  	v1 =	vld.idx.msk [tilespmem:v5+s11+$0x0], $0xffff  }
0x105: {  	v5 =	vor.u32 $0x8, v30;
	v10 =	vmul.f32 v4, v4;
	v7 =	vadd.f32 v8, v7  }
0x106: {  	v8 =	vld.idx.msk [tilespmem:v6+s11+$0x0], $0xffff  }
0x107: {  	v6 =	vor.u32 $0x9, v30;
	v11 =	vmul.f32 v3, v3;
	v10 =	vadd.f32 v10, v7  }
0x108: {  	v7 =	vld.idx.msk [tilespmem:v9+s11+$0x0], $0xffff  }
0x109: {  	v9 =	vor.u32 $0xA, v30;
	v10 =	vadd.f32 v11, v10;
	v11 =	vmul.f32 v1, v1  }
0x10a: {  	v5 =	vld.idx.msk [tilespmem:v5+s11+$0x0], $0xffff  }
0x10b: {  	v12 =	vor.u32 $0xB, v30;
	v10 =	vadd.f32 v11, v10;
	v11 =	vmul.f32 v8, v8  }
0x10c: {  	v6 =	vld.idx.msk [tilespmem:v6+s11+$0x0], $0xffff  }
0x10d: {  	v13 =	vor.u32 $0xC, v30;
	v10 =	vadd.f32 v11, v10;
	v11 =	vmul.f32 v7, v7  }
0x10e: {  	v9 =	vld.idx.msk [tilespmem:v9+s11+$0x0], $0xffff  }
0x10f: {  	v14 =	vor.u32 $0xD, v30;
	v15 =	vmul.f32 v5, v5;
	v10 =	vadd.f32 v11, v10  }
0x110: {  	v11 =	vld.idx.msk [tilespmem:v12+s11+$0x0], $0xffff  }
0x111: {  	v16 =	vor.u32 $0xE, v30;
	v12 =	vadd.f32 v15, v10;
	v15 =	vmul.f32 v6, v6  }
0x112: {  	v10 =	vld.idx.msk [tilespmem:v13+s11+$0x0], $0xffff  }
0x113: {  	v13 =	vor.u32 $0xF, v30;
	v17 =	vmul.f32 v9, v9;
	v15 =	vadd.f32 v15, v12  }
0x114: {  	v12 =	vld.idx.msk [tilespmem:v14+s11+$0x0], $0xffff  }
0x115: {  	v18 =	vor.u32 $0x10, v30;
	v15 =	vadd.f32 v17, v15;
	v17 =	vmul.f32 v11, v11  }
0x116: {  	v14 =	vld.idx.msk [tilespmem:v16+s11+$0x0], $0xffff  }
0x117: {  	v16 =	vor.u32 $0x11, v30;
	v15 =	vadd.f32 v17, v15;
	v17 =	vmul.f32 v10, v10  }
0x118: {  	v13 =	vld.idx.msk [tilespmem:v13+s11+$0x0], $0xffff  }
0x119: {  	v19 =	vor.u32 $0x12, v30;
	v20 =	vmul.f32 v12, v12;
	v17 =	vadd.f32 v17, v15  }
0x11a: {  	v15 =	vld.idx.msk [tilespmem:v18+s11+$0x0], $0xffff  }
0x11b: {  	v21 =	vor.u32 $0x13, v30;
	v18 =	vmul.f32 v14, v14;
	v17 =	vadd.f32 v20, v17  }
0x11c: {  	v16 =	vld.idx.msk [tilespmem:v16+s11+$0x0], $0xffff  }
0x11d: {  	v22 =	vor.u32 $0x14, v30;
	v20 =	vmul.f32 v13, v13;
	v17 =	vadd.f32 v18, v17  }
0x11e: {  	v18 =	vld.idx.msk [tilespmem:v19+s11+$0x0], $0xffff  }
0x11f: {  	v19 =	vor.u32 $0x15, v30;
	v25 =	vmul.f32 v15, v15;
	v17 =	vadd.f32 v20, v17  }
0x120: {  	v20 =	vld.idx.msk [tilespmem:v21+s11+$0x0], $0xffff  }
0x121: {  	v26 =	vor.u32 $0x16, v30;
	v17 =	vadd.f32 v25, v17;
	v25 =	vmul.f32 v16, v16  }
0x122: {  	v21 =	vld.idx.msk [tilespmem:v22+s11+$0x0], $0xffff  }
0x123: {  	v27 =	vor.u32 $0x17, v30;
	v22 =	vadd.f32 v25, v17;
	v25 =	vmul.f32 v18, v18  }
0x124: {  	v17 =	vld.idx.msk [tilespmem:v19+s11+$0x0], $0xffff  }
0x125: {  	v28 =	vor.u32 $0x18, v30;
	v19 =	vadd.f32 v25, v22;
	v25 =	vmul.f32 v20, v20  }
0x126: {  	v22 =	vld.idx.msk [tilespmem:v26+s11+$0x0], $0xffff  }
0x127: {  	v29 =	vmul.f32 v21, v21;
	v26 =	vor.u32 $0x19, v30;
	v25 =	vadd.f32 v25, v19  }
0x128: {  	v19 =	vld.idx.msk [tilespmem:v27+s11+$0x0], $0xffff  }
0x129: {  	v27 =	vor.u32 $0x1A, v30;
	v31 =	vmul.f32 v17, v17;
	v29 =	vadd.f32 v29, v25  }
0x12a: {  	v25 =	vld.idx.msk [tilespmem:v28+s11+$0x0], $0xffff  }
0x12b: {  	v28 =	vor.u32 $0x1B, v30;
	v29 =	vadd.f32 v31, v29;
	v31 =	vmul.f32 v22, v22  }
0x12c: {  	v26 =	vld.idx.msk [tilespmem:v26+s11+$0x0], $0xffff  }
0x12d: {  	v52 =	vor.u32 $0x1C, v30;
	v29 =	vadd.f32 v31, v29;
	v31 =	vmul.f32 v19, v19  }
0x12e: {  	v27 =	vld.idx.msk [tilespmem:v27+s11+$0x0], $0xffff  }
0x12f: {  	v53 =	vor.u32 $0x1D, v30;
	v34 =	vmul.f32 v25, v25;
	v31 =	vadd.f32 v31, v29  }
0x130: {  	v29 =	vld.idx.msk [tilespmem:v28+s11+$0x0], $0xffff  }
0x131: {  	v35 =	vor.u32 $0x1E, v30;
	v54 =	vmul.f32 v26, v26;
	v31 =	vadd.f32 v34, v31  }
0x132: {  	v28 =	vld.idx.msk [tilespmem:v52+s11+$0x0], $0xffff  }
0x133: {  	v30 =	vor.u32 $0x1F, v30;
	v55 =	vmul.f32 v27, v27;
	v31 =	vadd.f32 v54, v31  }
0x134: {  	v56 =	vld.idx.msk [tilespmem:v53+s11+$0x0], $0xffff  }
0x135: {  	v57 =	vmul.f32 v29, v29;
	v32 =	vadd.f32 v55, v31  }
0x136: {  	v31 =	vld.idx.msk [tilespmem:v35+s11+$0x0], $0xffff  }
0x137: {  	v58 =	vmul.f32 v28, v28;
	v32 =	vadd.f32 v57, v32  }
0x138: {  	v59 =	vld.idx.msk [tilespmem:v30+s11+$0x0], $0xffff  }
0x139: {  	v60 =	vmul.f32 v56, v56;
	v30 =	vadd.f32 v58, v32;
	_ =	sdelay $0x1  }
0x13a: {  	v61 =	vmul.f32 v31, v31;
	v30 =	vadd.f32 v60, v30;
	_ =	sdelay $0x1  }
0x13b: {  	v62 =	vmul.f32 v59, v59;
	v30 =	vadd.f32 v61, v30;
	_ =	sdelay $0x1  }
0x13c: {  	v30 =	vadd.f32 v62, v30;
	_ =	sdelay $0x1  }
0x13d: {  	v32 =	vshrl.u32 v30, $0x1;
	v30 =	vmul.f32 $5.000000000e-01, v30  }
0x13e: {  	v32 =	vsub.s32 $0x5F3759DF, v32  }
0x13f: {  	v63 =	vmul.f32 v32, v30;
	_ =	sdelay $0x1  }
0x140: {  	v33 =	vmul.f32 v32, v63;
	_ =	sdelay $0x1  }
0x141: {  	v33 =	vsub.f32 $1.500000000e+00, v33;
	_ =	sdelay $0x1  }
0x142: {  	v32 =	vmul.f32 v32, v33;
	_ =	sdelay $0x1  }
0x143: {  	v33 =	vmul.f32 v32, v30;
	_ =	sdelay $0x1  }
0x144: {  	v33 =	vmul.f32 v33, v32;
	_ =	sdelay $0x1  }
0x145: {  	v33 =	vsub.f32 $1.500000000e+00, v33;
	_ =	sdelay $0x1  }
0x146: {  	v32 =	vmul.f32 v33, v32;
	_ =	sdelay $0x1  }
0x147: {  	v30 =	vmul.f32 v32, v30;
	_ =	sdelay $0x1  }
0x148: {  	v30 =	vmul.f32 v30, v32;
	_ =	sdelay $0x1  }
0x149: {  	v30 =	vsub.f32 $1.500000000e+00, v30;
	_ =	sdelay $0x1  }
0x14a: {  	v30 =	vmul.f32 v30, v32;
	_ =	sdelay $0x1  }
0x14b: {  	v30 =	vmin.f32 v30, $9.999999950e+11  }
0x14c: {  	s30 =	sand.u32 $0x70, s23;
	s31 =	sand.u32 $0xC00, s23;
	v32 =	vmul.f32 v30, v24;
	v33 =	vmul.f32 v30, v59  }
0x14d: {  	s22 =	sor.u32 $0x1, s22;
	s26 =	sor.u32 s30, s31;
	s24 =	simm.s32 $0x80;
	v23 =	vmul.f32 v30, v23;
	v24 =	vmul.f32 v30, v56  }
.LBB2_5:
0x14e: {  	p0 =	sne.s32 s24, $0xF80  }
0x14f: {  	v2 =	vmul.f32 v30, v2;
	v29 =	vmul.f32 v30, v29;
	[tilespmem:s26+$0x15780] =	vst v33;
	s23 =	sadd.s32 $0x10, s23;
	s25 =	smov.u32 s24;
	s24 =	sadd.s32 $0x80, s24  }
0x150: {  	v4 =	vmul.f32 v30, v4;
	v31 =	vmul.f32 v30, v31;
	[tilespmem:s26+$0x12400] =	vst v32  }
0x151: {  	v26 =	vmul.f32 v30, v26;
	v28 =	vmul.f32 v30, v28;
	[tilespmem:s26+$0x15680] =	vst v24  }
0x152: {  	v3 =	vmul.f32 v30, v3;
	v24 =	vmul.f32 v30, v27;
	[tilespmem:s26+$0x15580] =	vst v29  }
0x153: {  	v8 =	vmul.f32 v30, v8;
	v25 =	vmul.f32 v30, v25;
	[tilespmem:s26+$0x15480] =	vst v26  }
0x154: {  	v5 =	vmul.f32 v30, v5;
	v20 =	vmul.f32 v30, v20;
	[tilespmem:s26+$0x12500] =	vst v23  }
0x155: {  	v9 =	vmul.f32 v30, v9;
	v21 =	vmul.f32 v30, v21;
	[tilespmem:s26+$0x15500] =	vst v24  }
0x156: {  	v1 =	vmul.f32 v30, v1;
	v18 =	vmul.f32 v30, v18;
	[tilespmem:s26+$0x15700] =	vst v31  }
0x157: {  	v6 =	vmul.f32 v30, v6;
	v22 =	vmul.f32 v30, v22;
	[tilespmem:s26+$0x15400] =	vst v25  }
0x158: {  	v12 =	vmul.f32 v30, v12;
	v14 =	vmul.f32 v30, v14;
	[tilespmem:s26+$0x14580] =	vst v20  }
0x159: {  	v13 =	vmul.f32 v30, v13;
	v15 =	vmul.f32 v30, v15;
	[tilespmem:s26+$0x14600] =	vst v21  }
0x15a: {  	v7 =	vmul.f32 v30, v7;
	v11 =	vmul.f32 v30, v11;
	[tilespmem:s26+$0x14500] =	vst v18  }
0x15b: {  	v10 =	vmul.f32 v30, v10;
	v16 =	vmul.f32 v30, v16;
	[tilespmem:s26+$0x14700] =	vst v22  }
0x15c: {  	[tilespmem:s26+$0x12780] =	vst v7;
	v7 =	vmul.f32 v30, v17;
	v17 =	vmul.f32 v30, v19  }
0x15d: {  	[tilespmem:s26+$0x12480] =	vst v2  }
0x15e: {  	[tilespmem:s26+$0x14480] =	vst v16  }
0x15f: {  	[tilespmem:s26+$0x15600] =	vst v28  }
0x160: {  	[tilespmem:s26+$0x12580] =	vst v4  }
0x161: {  	[tilespmem:s26+$0x14780] =	vst v17  }
0x162: {  	[tilespmem:s26+$0x13580] =	vst v11  }
0x163: {  	[tilespmem:s26+$0x13700] =	vst v14  }
0x164: {  	[tilespmem:s26+$0x12680] =	vst v1  }
0x165: {  	[tilespmem:s26+$0x12700] =	vst v8  }
0x166: {  	[tilespmem:s26+$0x12600] =	vst v3  }
0x167: {  	[tilespmem:s26+$0x14680] =	vst v7  }
0x168: {  	v1 =	vmov s23;
	[tilespmem:s26+$0x13600] =	vst v10  }
0x169: {  	v1 =	vshll.u32 v1, $0x5;
	[tilespmem:s26+$0x13680] =	vst v12  }
0x16a: {  	v1 =	vor.u32 v0, v1;
	[tilespmem:s26+$0x14400] =	vst v15  }
0x16b: {  	v2 =	vor.u32 $0x1, v1;
	v3 =	vor.u32 $0x2, v1;
	v4 =	vor.u32 $0x3, v1;
	[tilespmem:s26+$0x13780] =	vst v13  }
0x16c: {  	v7 =	vor.u32 $0x4, v1;
	v8 =	vor.u32 $0x5, v1;
	v10 =	vor.u32 $0x6, v1;
	[tilespmem:s26+$0x13480] =	vst v6  }
0x16d: {  	v11 =	vor.u32 $0x8, v1;
	v12 =	vor.u32 $0x9, v1;
	v6 =	vor.u32 $0x7, v1;
	[tilespmem:s26+$0x13500] =	vst v9  }
0x16e: {  	v14 =	vor.u32 $0xC, v1;
	v13 =	vor.u32 $0xB, v1;
	v9 =	vor.u32 $0xA, v1;
	[tilespmem:s26+$0x13400] =	vst v5  }
0x16f: {  	v16 =	vor.u32 $0xE, v1;
	v17 =	vor.u32 $0xF, v1;
	v15 =	vor.u32 $0xD, v1;
	v23 =	vld.idx.msk [tilespmem:v1+s11+$0x0], $0xffff  }
0x170: {  	v18 =	vor.u32 $0x10, v1;
	v19 =	vor.u32 $0x11, v1;
	v20 =	vor.u32 $0x12, v1;
	v2 =	vld.idx.msk [tilespmem:v2+s11+$0x0], $0xffff  }
0x171: {  	v21 =	vor.u32 $0x13, v1;
	v22 =	vor.u32 $0x14, v1;
	v25 =	vor.u32 $0x15, v1  }
0x172: {  	v26 =	vor.u32 $0x16, v1;
	v27 =	vor.u32 $0x17, v1;
	v28 =	vor.u32 $0x18, v1;
	v24 =	vld.idx.msk [tilespmem:v3+s11+$0x0], $0xffff  }
0x173: {  	v29 =	vor.u32 $0x19, v1;
	v33 =	vor.u32 $0x1A, v1;
	v34 =	vor.u32 $0x1B, v1  }
0x174: {  	v35 =	vor.u32 $0x1C, v1;
	v32 =	vor.u32 $0x1D, v1;
	v31 =	vor.u32 $0x1E, v1;
	v4 =	vld.idx.msk [tilespmem:v4+s11+$0x0], $0xffff  }
0x175: {  	v30 =	vor.u32 $0x1F, v1  }
0x176: {  	v1 =	vmul.f32 v23, v23;
	v5 =	vmul.f32 v2, v2;
	v3 =	vld.idx.msk [tilespmem:v7+s11+$0x0], $0xffff;
	_ =	sdelay $0x1  }
0x177: {  	v5 =	vadd.f32 v5, v1;
	v7 =	vmul.f32 v24, v24;
	v1 =	vld.idx.msk [tilespmem:v8+s11+$0x0], $0xffff;
	_ =	sdelay $0x1  }
0x178: {  	v5 =	vadd.f32 v7, v5;
	v7 =	vmul.f32 v4, v4;
	v8 =	vld.idx.msk [tilespmem:v10+s11+$0x0], $0xffff;
	_ =	sdelay $0x1  }
0x179: {  	v5 =	vadd.f32 v7, v5;
	v10 =	vmul.f32 v3, v3;
	v7 =	vld.idx.msk [tilespmem:v6+s11+$0x0], $0xffff;
	_ =	sdelay $0x1  }
0x17a: {  	v6 =	vadd.f32 v10, v5;
	v10 =	vmul.f32 v1, v1;
	v5 =	vld.idx.msk [tilespmem:v11+s11+$0x0], $0xffff;
	_ =	sdelay $0x1  }
0x17b: {  	v10 =	vadd.f32 v10, v6;
	v11 =	vmul.f32 v8, v8;
	v6 =	vld.idx.msk [tilespmem:v12+s11+$0x0], $0xffff;
	_ =	sdelay $0x1  }
0x17c: {  	v10 =	vadd.f32 v11, v10;
	v11 =	vmul.f32 v7, v7;
	v9 =	vld.idx.msk [tilespmem:v9+s11+$0x0], $0xffff;
	_ =	sdelay $0x1  }
0x17d: {  	v10 =	vadd.f32 v11, v10;
	v12 =	vmul.f32 v5, v5;
	v11 =	vld.idx.msk [tilespmem:v13+s11+$0x0], $0xffff;
	_ =	sdelay $0x1  }
0x17e: {  	v12 =	vadd.f32 v12, v10;
	v13 =	vmul.f32 v6, v6;
	v10 =	vld.idx.msk [tilespmem:v14+s11+$0x0], $0xffff;
	_ =	sdelay $0x1  }
0x17f: {  	v13 =	vadd.f32 v13, v12;
	v14 =	vmul.f32 v9, v9;
	v12 =	vld.idx.msk [tilespmem:v15+s11+$0x0], $0xffff;
	_ =	sdelay $0x1  }
0x180: {  	v13 =	vadd.f32 v14, v13;
	v15 =	vmul.f32 v11, v11;
	v14 =	vld.idx.msk [tilespmem:v16+s11+$0x0], $0xffff;
	_ =	sdelay $0x1  }
0x181: {  	v15 =	vadd.f32 v15, v13;
	v16 =	vmul.f32 v10, v10;
	v13 =	vld.idx.msk [tilespmem:v17+s11+$0x0], $0xffff;
	_ =	sdelay $0x1  }
0x182: {  	v16 =	vadd.f32 v16, v15;
	v17 =	vmul.f32 v12, v12;
	v15 =	vld.idx.msk [tilespmem:v18+s11+$0x0], $0xffff;
	_ =	sdelay $0x1  }
0x183: {  	v17 =	vadd.f32 v17, v16;
	v18 =	vmul.f32 v14, v14;
	v16 =	vld.idx.msk [tilespmem:v19+s11+$0x0], $0xffff;
	_ =	sdelay $0x1  }
0x184: {  	v17 =	vadd.f32 v18, v17;
	v19 =	vmul.f32 v13, v13;
	v18 =	vld.idx.msk [tilespmem:v20+s11+$0x0], $0xffff;
	_ =	sdelay $0x1  }
0x185: {  	v17 =	vadd.f32 v19, v17;
	v19 =	vmul.f32 v15, v15;
	v20 =	vld.idx.msk [tilespmem:v21+s11+$0x0], $0xffff;
	_ =	sdelay $0x1  }
0x186: {  	v17 =	vadd.f32 v19, v17;
	v19 =	vmul.f32 v16, v16;
	v21 =	vld.idx.msk [tilespmem:v22+s11+$0x0], $0xffff;
	_ =	sdelay $0x1  }
0x187: {  	v19 =	vadd.f32 v19, v17;
	v22 =	vmul.f32 v18, v18;
	v17 =	vld.idx.msk [tilespmem:v25+s11+$0x0], $0xffff;
	_ =	sdelay $0x1  }
0x188: {  	v19 =	vadd.f32 v22, v19;
	v25 =	vmul.f32 v20, v20;
	v22 =	vld.idx.msk [tilespmem:v26+s11+$0x0], $0xffff;
	_ =	sdelay $0x1  }
0x189: {  	v25 =	vadd.f32 v25, v19;
	v26 =	vmul.f32 v21, v21;
	v19 =	vld.idx.msk [tilespmem:v27+s11+$0x0], $0xffff;
	_ =	sdelay $0x1  }
0x18a: {  	v26 =	vadd.f32 v26, v25;
	v27 =	vmul.f32 v17, v17;
	v25 =	vld.idx.msk [tilespmem:v28+s11+$0x0], $0xffff;
	_ =	sdelay $0x1  }
0x18b: {  	v27 =	vadd.f32 v27, v26;
	v28 =	vmul.f32 v22, v22;
	v26 =	vld.idx.msk [tilespmem:v29+s11+$0x0], $0xffff;
	_ =	sdelay $0x1  }
0x18c: {  	v28 =	vadd.f32 v28, v27;
	v29 =	vmul.f32 v19, v19;
	v27 =	vld.idx.msk [tilespmem:v33+s11+$0x0], $0xffff;
	_ =	sdelay $0x1  }
0x18d: {  	v28 =	vadd.f32 v29, v28;
	v33 =	vmul.f32 v25, v25;
	v29 =	vld.idx.msk [tilespmem:v34+s11+$0x0], $0xffff;
	_ =	sdelay $0x1  }
0x18e: {  	v33 =	vadd.f32 v33, v28;
	v34 =	vmul.f32 v26, v26;
	v28 =	vld.idx.msk [tilespmem:v35+s11+$0x0], $0xffff;
	_ =	sdelay $0x1  }
0x18f: {  	v33 =	vadd.f32 v34, v33;
	v34 =	vmul.f32 v27, v27;
	v35 =	vld.idx.msk [tilespmem:v32+s11+$0x0], $0xffff;
	_ =	sdelay $0x1  }
0x190: {  	v32 =	vadd.f32 v34, v33;
	v33 =	vmul.f32 v29, v29;
	v31 =	vld.idx.msk [tilespmem:v31+s11+$0x0], $0xffff;
	_ =	sdelay $0x1  }
0x191: {  	v32 =	vadd.f32 v33, v32;
	v33 =	vmul.f32 v28, v28;
	v34 =	vld.idx.msk [tilespmem:v30+s11+$0x0], $0xffff;
	_ =	sdelay $0x1  }
0x192: {  	v30 =	vadd.f32 v33, v32;
	v32 =	vmul.f32 v35, v35;
	_ =	sdelay $0x1  }
0x193: {  	v30 =	vadd.f32 v32, v30;
	v32 =	vmul.f32 v31, v31;
	_ =	sdelay $0x1  }
0x194: {  	v30 =	vadd.f32 v32, v30;
	v32 =	vmul.f32 v34, v34;
	_ =	sdelay $0x1  }
0x195: {  	v30 =	vadd.f32 v32, v30;
	_ =	sdelay $0x1  }
0x196: {  	v32 =	vshrl.u32 v30, $0x1;
	v30 =	vmul.f32 $5.000000000e-01, v30  }
0x197: {  	v32 =	vsub.s32 $0x5F3759DF, v32  }
0x198: {  	v33 =	vmul.f32 v32, v30;
	_ =	sdelay $0x1  }
0x199: {  	v33 =	vmul.f32 v32, v33;
	_ =	sdelay $0x1  }
0x19a: {  	v33 =	vsub.f32 $1.500000000e+00, v33;
	_ =	sdelay $0x1  }
0x19b: {  	v32 =	vmul.f32 v32, v33;
	_ =	sdelay $0x1  }
0x19c: {  	v33 =	vmul.f32 v32, v30;
	_ =	sdelay $0x1  }
0x19d: {  	v33 =	vmul.f32 v33, v32;
	_ =	sdelay $0x1  }
0x19e: {  	v33 =	vsub.f32 $1.500000000e+00, v33;
	_ =	sdelay $0x1  }
0x19f: {  	v32 =	vmul.f32 v33, v32;
	_ =	sdelay $0x1  }
0x1a0: {  	v30 =	vmul.f32 v32, v30;
	_ =	sdelay $0x1  }
0x1a1: {  	v30 =	vmul.f32 v30, v32;
	_ =	sdelay $0x1  }
0x1a2: {  	v30 =	vsub.f32 $1.500000000e+00, v30;
	_ =	sdelay $0x1  }
.Ltmp3:
0x1a3: {  	v30 =	vmul.f32 v30, v32;
	(pc) =	sbr.rel @p0 .LBB2_5-.Ltmp3, $4  }
0x1a4: {  	_ = 	snop  }
0x1a5: {  	v30 =	vmin.f32 v30, $9.999999950e+11  }
0x1a6: {  	s25 =	sand.u32 $0xC00, s25;
	s26 =	sand.u32 $0x70, s23;
	v32 =	vmul.f32 v30, v23;
	v33 =	vmul.f32 v30, v34  }
0x1a7: {  	s26 =	sor.u32 s26, s25;
	v23 =	vmul.f32 v30, v24;
	v24 =	vmul.f32 v30, v35  }
0x1a8: {  	[tilespmem:s26+$0x15780] =	vst v33  }
0x1a9: {  	[tilespmem:s26+$0x12400] =	vst v32  }
0x1aa: {  	v29 =	vmul.f32 v30, v29;
	[tilespmem:s26+$0x15680] =	vst v24  }
0x1ab: {  	v26 =	vmul.f32 v30, v26;
	[tilespmem:s26+$0x12500] =	vst v23  }
0x1ac: {  	v56 =	vmul.f32 v30, v27;
	[tilespmem:s26+$0x15580] =	vst v29  }
0x1ad: {  	v57 =	vmul.f32 v30, v31;
	[tilespmem:s26+$0x15480] =	vst v26  }
0x1ae: {  	v58 =	vmul.f32 v30, v25;
	[tilespmem:s26+$0x15500] =	vst v56  }
0x1af: {  	v20 =	vmul.f32 v30, v20;
	[tilespmem:s26+$0x15700] =	vst v57  }
0x1b0: {  	v21 =	vmul.f32 v30, v21;
	[tilespmem:s26+$0x15400] =	vst v58  }
0x1b1: {  	v18 =	vmul.f32 v30, v18;
	[tilespmem:s26+$0x14580] =	vst v20  }
0x1b2: {  	v59 =	vmul.f32 v30, v22;
	[tilespmem:s26+$0x14600] =	vst v21  }
0x1b3: {  	v7 =	vmul.f32 v30, v7;
	[tilespmem:s26+$0x14500] =	vst v18  }
0x1b4: {  	v2 =	vmul.f32 v30, v2;
	[tilespmem:s26+$0x14700] =	vst v59  }
0x1b5: {  	v16 =	vmul.f32 v30, v16;
	[tilespmem:s26+$0x12780] =	vst v7  }
0x1b6: {  	v60 =	vmul.f32 v30, v28;
	[tilespmem:s26+$0x12480] =	vst v2  }
0x1b7: {  	v61 =	vmul.f32 v30, v19;
	[tilespmem:s26+$0x14480] =	vst v16  }
0x1b8: {  	v62 =	vmul.f32 v30, v11;
	[tilespmem:s26+$0x15600] =	vst v60  }
0x1b9: {  	v1 =	vmul.f32 v30, v1;
	[tilespmem:s26+$0x14780] =	vst v61  }
0x1ba: {  	v63 =	vmul.f32 v30, v8;
	[tilespmem:s26+$0x13580] =	vst v62  }
0x1bb: {  	v2 =	vmul.f32 v30, v4;
	[tilespmem:s26+$0x12680] =	vst v1  }
0x1bc: {  	v1 =	vmul.f32 v30, v17;
	[tilespmem:s26+$0x12700] =	vst v63  }
0x1bd: {  	[tilespmem:s26+$0x12580] =	vst v2;
	v2 =	vmul.f32 v30, v14  }
0x1be: {  	[tilespmem:s26+$0x14680] =	vst v1;
	v1 =	vmul.f32 v30, v15  }
0x1bf: {  	[tilespmem:s26+$0x13700] =	vst v2;
	v2 =	vmul.f32 v30, v3  }
0x1c0: {  	v3 =	vmul.f32 v30, v10;
	[tilespmem:s26+$0x14400] =	vst v1  }
0x1c1: {  	v1 =	vmul.f32 v30, v9;
	[tilespmem:s26+$0x12600] =	vst v2  }
0x1c2: {  	v2 =	vmul.f32 v30, v12;
	[tilespmem:s26+$0x13600] =	vst v3  }
0x1c3: {  	s22 =	sadd.s32 s5, s22;
	v3 =	vmul.f32 v30, v13;
	[tilespmem:s26+$0x13500] =	vst v1  }
.Ltmp4:
0x1c4: {  	s23 =	sshll.u32 s22, $0x9;
	[tilespmem:s26+$0x13680] =	vst v2;
	v2 =	vmul.f32 v30, v6;
	(pc) =	sbr.rel @p1 .LBB2_8-.Ltmp4, $4  }
0x1c5: {  	s22 =	sshll.u32 s22, $0xB;
	s23 =	sand.u32 $0xE00, s23;
	[tilespmem:s26+$0x13780] =	vst v3;
	v3 =	vmul.f32 v30, v5  }
0x1c6: {  	s22 =	sand.u32 $0xFFFC000, s22;
	s23 =	sadd.s32 s2, s23;
	[tilespmem:s26+$0x13480] =	vst v2  }
0x1c7: {  	s22 =	sadd.s32 s22, s23;
	[tilespmem:s26+$0x13400] =	vst v3  }
0x1c8: {  	[hbm4b:s22+s13] =	stream.strided.scatter [tilespmem:s17], [sflag:$0x4], $0x4000, s14, s13, $0x38;
	[tilespmem:$0x16400] =	vst v63  }
.Ltmp5:
0x1c9: {  	(pc) =	sbr.rel .LBB2_2-.Ltmp5, $4  }
0x1ca: {  	s22 =	sshll.u32 s21, $0xA  }
0x1cb: {  	s22 =	sand.u32 $0x3FFFFC00, s22  }
0x1cc: {  	s21 =	sadd.s32 $0x1, s21;
	s22 =	sadd.s32 $0x600, s22  }
0x1cd: {  	[tilespmem:s11], [sflag:$0x2] =	stream.indirect.gather [hbm4b:s4+s9], $0x20, s22, s9, $0xb8;
	[tilespmem:$0x16400] =	vst v63  }
.LBB2_9:
0x1ce: {  	_ =	sfence.sel $0x180000  }
0x1cf: {  	[bflag:$0x0] =	sbarrier.arrive $0xFFFF  }
0x1d0: {  	p0 =	sne.s32 s0, $0x0;
	_ =	strace $0x90000047  }
0x1d1: {  	s0 =	sadd.s32 @!p0 $0x100000, s1;
	[bflag:$0x2] =	sbarrier.arrive $0xFFFF  }
0x1d2: {  	[sflag:s0] =	ssyncadd.tile.s32 @!p0 $0x1;
	_ =	shalt  }
.Lfunc_end2:
_tile_overlayer_lowered:
.L_overlay_start_2:
0x1d3: {  	(tag) =	ssettag $0x2  }
0x1d4: {  	s0 =	rddreg [dreg:$0x0];
	s2 =	stileid.u32  }
0x1d5: {  	s1 =	rddreg [dreg:$0x1];
	p0 =	sne.s32 s2, $0x0  }
0x1d6: {  	s3 =	rddreg [dreg:$0x2];
	[bflag:$0x3] =	sbarrier.arrive $0xFFFF;
	s2 =	simm.s32 @!p0 $0x1C05  }
0x1d7: {  	[timem:s3], [sflag:s2] =	dma.local @!p0 [hbm:s0], s1  }
0x1d8: {  	s0 =	simm.s32 @!p0 $0x5  }
0x1d9: {  	_ =	swait.ge @!p0 [sflag:s0], s1  }
0x1da: {  	s1 =	ssub.s32 @!p0 $0x0, s1;
	[sflag:s0] =	ssyncset.done @!p0 $0x0  }
0x1db: {  	[sflag:s0] =	ssyncadd.s32 @!p0 s1  }
0x1dc: {  	[bflag:$0x3] =	sbarrier.arrive $0xFFFF  }
0x1dd: {  	_ =	shalt  }

</sc_bundles>
